<compile_context>
chip_gen: v7x
topology: tpu7x:2x2x1
jax: 0.10.2.dev20260603
libtpu: 0.0.44.dev20260713+nightly
codegen_flags: <defaults>
</compile_context>

<pallas_src>
import functools

import jax
import jax.numpy as jnp
from jax import lax
from jax.experimental import pallas as pl
from jax.experimental.pallas import tpu as pltpu
from jax.experimental.pallas import tpu_sc as plsc

N = 10000
E = 320000
D = 128
CH = 128
NCH = 2560
EPAD = NCH * CH - E
NT = 16
NC = 2
NS = N + 8
RPT = 624
TAIL = N - NT * RPT
BN = 2000

_MESH = plsc.VectorSubcoreMesh(core_axis_name="c", subcore_axis_name="s")


def _zero_fill(rowbuf, s):
    zv = jnp.zeros((16,), jnp.float32)

    def fillz(i, carry):
        for u in range(D // 16):
            rowbuf[i, pl.ds(u * 16, 16)] = zv
        return carry
    lax.fori_loop(0, CH, fillz, 0)

    def do_zero(agg_s):
        for z in range(RPT // CH):
            pltpu.sync_copy(rowbuf, agg_s.at[pl.ds(s * RPT + z * CH, CH)])
        rem = RPT - (RPT // CH) * CH
        pltpu.sync_copy(rowbuf.at[pl.ds(0, rem)],
                        agg_s.at[pl.ds(s * RPT + (RPT // CH) * CH, rem)])

        @pl.when(s == NT - 1)
        def _zero_tail():
            pltpu.sync_copy(rowbuf.at[pl.ds(0, TAIL + 8)],
                            agg_s.at[pl.ds(NT * RPT, TAIL + 8)])

    return do_zero


def _writeback(agg_s, out, c, s):
    pltpu.sync_copy(agg_s.at[pl.ds(s * RPT, RPT)],
                    out.at[pl.ds(c * N + s * RPT, RPT)])

    @pl.when(s == NT - 1)
    def _copy_tail():
        pltpu.sync_copy(agg_s.at[pl.ds(NT * RPT, TAIL)],
                        out.at[pl.ds(c * N + NT * RPT, TAIL)])


G = 8


def _sc_cnt_build():
    cpt = NCH // (NC * NT)
    scratch = (
        pltpu.VMEM((G, CH), jnp.int32),
        pltpu.VMEM((CH, D), jnp.float32),
        pltpu.VMEM_SHARED((NS, D), jnp.float32),
        pltpu.SemaphoreType.DMA,
    )

    def body(dstx, out, didx, rowbuf, cnt_s, ssem):
        c = lax.axis_index("c")
        s = lax.axis_index("s")
        row0 = (c * NT + s) * cpt

        _zero_fill(rowbuf, s)(cnt_s)

        ov = jnp.ones((16,), jnp.float32)

        def fillo(i, carry):
            for u in range(D // 16):
                rowbuf[i, pl.ds(u * 16, 16)] = ov
            return carry
        lax.fori_loop(0, CH, fillo, 0)

        plsc.subcore_barrier()

        def group(g, carry):
            pltpu.sync_copy(dstx.at[c, pl.ds(row0 + g * G, G)], didx)
            descs = [pltpu.async_copy(rowbuf, cnt_s.at[didx.at[b]], ssem,
                                      add=True)
                     for b in range(G)]
            for d in descs:
                d.wait()
            return carry
        lax.fori_loop(0, cpt // G, group, 0)

        plsc.subcore_barrier()
        _writeback(cnt_s, out, c, s)

    return pl.kernel(body,
                     out_type=(jax.ShapeDtypeStruct((NC * N, D), jnp.float32),),
                     mesh=_MESH, scratch_types=scratch)


def _sc_agg_build(edge_split):
    cpt = NCH // (NC * NT) if edge_split else NCH // NT
    scratch = (
        pltpu.VMEM((G, CH), jnp.int32),
        pltpu.VMEM((G, CH), jnp.int32),
        pltpu.VMEM((CH, D), jnp.float32),
        pltpu.VMEM((CH, D), jnp.float32),
        pltpu.VMEM_SHARED((NS, D), jnp.float32),
        pltpu.SemaphoreType.DMA,
        pltpu.SemaphoreType.DMA,
        pltpu.SemaphoreType.DMA,
        pltpu.SemaphoreType.DMA,
    )

    def body(table, srcx, dstx, out, sidx, didx, rba, rbb, agg_s,
             gsa, gsb, ssa, ssb):
        c = lax.axis_index("c")
        s = lax.axis_index("s")
        row0 = (c * NT + s) * cpt if edge_split else s * cpt

        _zero_fill(rba, s)(agg_s)
        plsc.subcore_barrier()

        def group(g, carry):
            base = row0 + g * G
            pltpu.sync_copy(srcx.at[c, pl.ds(base, G)], sidx)
            pltpu.sync_copy(dstx.at[c, pl.ds(base, G)], didx)
            for h in range(G // 2):
                b0, b1 = 2 * h, 2 * h + 1
                g0 = pltpu.async_copy(table.at[sidx.at[b0]], rba, gsa)
                g1 = pltpu.async_copy(table.at[sidx.at[b1]], rbb, gsb)
                g0.wait()
                s0 = pltpu.async_copy(rba, agg_s.at[didx.at[b0]], ssa,
                                      add=True)
                g1.wait()
                s1 = pltpu.async_copy(rbb, agg_s.at[didx.at[b1]], ssb,
                                      add=True)
                s0.wait()
                s1.wait()
            return carry
        lax.fori_loop(0, cpt // G, group, 0)

        plsc.subcore_barrier()
        _writeback(agg_s, out, c, s)

    return pl.kernel(body,
                     out_type=(jax.ShapeDtypeStruct((NC * N, D), jnp.float32),),
                     mesh=_MESH, scratch_types=scratch)


def _dense1_body(cntp, m1p, x, wl, wr, b, h_out):
    cnt = cntp[0, :, 0] + cntp[1, :, 0]
    inv = 1.0 / jnp.maximum(cnt, 1.0)
    mean = (m1p[0] + m1p[1]) * inv[:, None]
    h = (jnp.dot(mean, wl[...], preferred_element_type=jnp.float32)
         + jnp.dot(x[...], wr[...], preferred_element_type=jnp.float32)
         + b[0][None, :])
    h = jnp.maximum(h, 0.0)
    h_out[0] = h[:, :D]
    h_out[1] = h[:, D:]


def _dense2_body(cntp, m2, h, wlm, wrm, bm, wll, wrl, bl, mu_out, ls_out):
    cnt = cntp[0, :, 0] + cntp[1, :, 0]
    inv = 1.0 / jnp.maximum(cnt, 1.0)
    mean2 = jnp.concatenate([m2[0], m2[1]], axis=1) * inv[:, None]
    hcat = jnp.concatenate([h[0], h[1]], axis=1)
    mu_out[...] = (jnp.dot(mean2, wlm[...], preferred_element_type=jnp.float32)
                   + jnp.dot(hcat, wrm[...], preferred_element_type=jnp.float32)
                   + bm[0][None, :])
    ls_out[...] = (jnp.dot(mean2, wll[...], preferred_element_type=jnp.float32)
                   + jnp.dot(hcat, wrl[...], preferred_element_type=jnp.float32)
                   + bl[0][None, :])


def _full(shape):
    return pl.BlockSpec(shape, lambda i: tuple(0 for _ in shape))


def _rows3(shape):
    return pl.BlockSpec(shape, lambda i: (0, i, 0))


_sc_cnt = _sc_cnt_build()
_sc_agg_l1 = _sc_agg_build(edge_split=True)
_sc_agg_l2 = _sc_agg_build(edge_split=False)

_dense1 = pl.pallas_call(
    _dense1_body,
    grid=(N // BN,),
    in_specs=[
        _rows3((2, BN, D)),
        _rows3((2, BN, D)),
        pl.BlockSpec((BN, D), lambda i: (i, 0)),
        _full((D, 2 * D)), _full((D, 2 * D)), _full((1, 2 * D)),
    ],
    out_specs=_rows3((2, BN, D)),
    out_shape=jax.ShapeDtypeStruct((2, N, D), jnp.float32),
)

_dense2 = pl.pallas_call(
    _dense2_body,
    grid=(N // BN,),
    in_specs=[
        _rows3((2, BN, D)),
        _rows3((2, BN, D)),
        _rows3((2, BN, D)),
        _full((2 * D, D)), _full((2 * D, D)), _full((1, D)),
        _full((2 * D, D)), _full((2 * D, D)), _full((1, D)),
    ],
    out_specs=[pl.BlockSpec((BN, D), lambda i: (i, 0)),
               pl.BlockSpec((BN, D), lambda i: (i, 0))],
    out_shape=[jax.ShapeDtypeStruct((N, D), jnp.float32),
               jax.ShapeDtypeStruct((N, D), jnp.float32)],
)


@jax.jit
def kernel(x, edge_index, W_l1, W_r1, b1, W_lmu, W_rmu, b_mu, W_lls, W_rls, b_ls):
    src = edge_index[0].astype(jnp.int32)
    dst = edge_index[1].astype(jnp.int32)
    srcp = jnp.concatenate([src, jnp.zeros((EPAD,), jnp.int32)]).reshape(NCH, CH)
    dstp = jnp.concatenate([dst, jnp.full((EPAD,), N, jnp.int32)]).reshape(NCH, CH)
    srcx1 = jnp.stack([srcp, srcp])
    srcx2 = jnp.stack([srcp, srcp + N])
    dstx = jnp.stack([dstp, dstp])

    cntp, = _sc_cnt(dstx)
    m1p, = _sc_agg_l1(x, srcx1, dstx)
    cntp = cntp.reshape(2, N, D)
    h = _dense1(cntp, m1p.reshape(2, N, D), x, W_l1, W_r1, b1.reshape(1, -1))
    m2, = _sc_agg_l2(h.reshape(2 * N, D), srcx2, dstx)
    mu, ls = _dense2(cntp, m2.reshape(2, N, D), h,
                     W_lmu, W_rmu, b_mu.reshape(1, -1),
                     W_lls, W_rls, b_ls.reshape(1, -1))
    return (mu, ls)

# --- scband reference (transcript-rebuilt; emitter-appended) ---
"""Pipeline reference for scband-variational-gcnencoder-38929583571365 (READ-ONLY COPY).

The authoritative reference and input builder live on the scoring server;
editing this copy changes nothing except your own understanding.
"""

import jax, jax.numpy as jnp
import numpy as np

N_NODES = 10000
N_EDGES = 320000
D_IN = 128
D_OUT = 128
D_HID = 2 * D_OUT


def _sage_conv(x, src, dst, W_l, W_r, b, num_nodes):
    # PyG SAGEConv with mean aggregation:
    # out = lin_l(mean_{j in N(i)} x_j) + lin_r(x_i)
    msgs = x[src]  # gather source node features per edge
    agg = jax.ops.segment_sum(msgs, dst, num_segments=num_nodes)
    cnt = jax.ops.segment_sum(jnp.ones((src.shape[0],), dtype=x.dtype), dst, num_segments=num_nodes)
    mean = agg / jnp.clip(cnt, 1.0)[:, None]
    return mean @ W_l + x @ W_r + b


def setup_inputs(seed: int = 0) -> dict:
    key = jax.random.key(seed)
    ks = jax.random.split(key, 12)
    x = jax.random.normal(ks[0], (N_NODES, D_IN), dtype=jnp.float32)
    edge_index = jax.random.randint(ks[1], (2, N_EDGES), 0, N_NODES, dtype=jnp.int64)
    s1 = 1.0 / np.sqrt(D_IN)
    s2 = 1.0 / np.sqrt(D_HID)
    return {
        "x": x,
        "edge_index": edge_index,
        "W_l1": jax.random.uniform(ks[2], (D_IN, D_HID), jnp.float32, -s1, s1),
        "W_r1": jax.random.uniform(ks[3], (D_IN, D_HID), jnp.float32, -s1, s1),
        "b1": jax.random.uniform(ks[4], (D_HID,), jnp.float32, -s1, s1),
        "W_lmu": jax.random.uniform(ks[5], (D_HID, D_OUT), jnp.float32, -s2, s2),
        "W_rmu": jax.random.uniform(ks[6], (D_HID, D_OUT), jnp.float32, -s2, s2),
        "b_mu": jax.random.uniform(ks[7], (D_OUT,), jnp.float32, -s2, s2),
        "W_lls": jax.random.uniform(ks[8], (D_HID, D_OUT), jnp.float32, -s2, s2),
        "W_rls": jax.random.uniform(ks[9], (D_HID, D_OUT), jnp.float32, -s2, s2),
        "b_ls": jax.random.uniform(ks[10], (D_OUT,), jnp.float32, -s2, s2),
    }


def reference(x, edge_index, W_l1, W_r1, b1, W_lmu, W_rmu, b_mu, W_lls, W_rls, b_ls):
    src = edge_index[0]
    dst = edge_index[1]
    h = _sage_conv(x, src, dst, W_l1, W_r1, b1, N_NODES)
    h = jax.nn.relu(h)
    mu = _sage_conv(h, src, dst, W_lmu, W_rmu, b_mu, N_NODES)
    logstd = _sage_conv(h, src, dst, W_lls, W_rls, b_ls, N_NODES)
    return (mu, logstd)

if __name__ == "__main__":
    import jax
    _d = setup_inputs()
    print(jax.jit(kernel)(*tuple(_d.values())))

</pallas_src>

<mosaic_0001>
#map = affine_map<(d0, d1) -> (0, 0)>
#map1 = affine_map<(d0, d1) -> (0, 0, 0)>
module attributes {stable_mosaic.version = 14 : i64} {
  func.func @body(%arg0: i32, %arg1: i32, %arg2: memref<10000x128xf32, #tpu.memory_space<hbm>>, %arg3: memref<2x2560x128xi32, #tpu.memory_space<hbm>>, %arg4: memref<2x2560x128xi32, #tpu.memory_space<hbm>>, %arg5: memref<20000x128xf32, #tpu.memory_space<hbm>>, %arg6: memref<8x128xi32, #tpu.memory_space<vmem>>, %arg7: memref<8x128xi32, #tpu.memory_space<vmem>>, %arg8: memref<128x128xf32, #tpu.memory_space<vmem>>, %arg9: memref<128x128xf32, #tpu.memory_space<vmem>>, %arg10: memref<10008x128xf32, #tpu.memory_space<vmem_shared>>, %arg11: memref<!tpu.dma_semaphore, #tpu.memory_space<semaphore_mem>>, %arg12: memref<!tpu.dma_semaphore, #tpu.memory_space<semaphore_mem>>, %arg13: memref<!tpu.dma_semaphore, #tpu.memory_space<semaphore_mem>>, %arg14: memref<!tpu.dma_semaphore, #tpu.memory_space<semaphore_mem>>) attributes {dimension_semantics = [#tpu.dimension_semantics<core_parallel>, #tpu.dimension_semantics<subcore_parallel>], iteration_bounds = array<i64: 2, 16>, scalar_prefetch = 0 : i64, scratch_operands = 9 : i64, tpu.core_type = #tpu.core_type<sc_vector_subcore>, window_params = [{transform_indices = #map}, {transform_indices = #map1}, {transform_indices = #map1}, {transform_indices = #map}]} {
    %mul3A = arith.constant 16 : i32
    %mul3A_0 = arith.muli %arg0, %mul3A : i32
    %add3A = arith.addi %mul3A_0, %arg1 : i32
    %mul3A_1 = arith.constant 80 : i32
    %mul3A_2 = arith.muli %add3A, %mul3A_1 : i32
    %broadcast_in_dim3A = arith.constant 0.000000e+00 : f32
    %broadcast_in_dim3A_3 = vector.broadcast %broadcast_in_dim3A : f32 to vector<16xf32>
    %scan3A = arith.constant 0 : i32
    %scan3A_4 = arith.constant 0 : i32
    %scan3A_5 = arith.constant 128 : i32
    %scan3A_6 = arith.addi %scan3A_4, %scan3A_5 : i32
    %scan3A_7 = arith.constant 1 : i32
    scf.for %scan3A_50 = %scan3A_4 to %scan3A_6 step %scan3A_7  : i32 {
      %swap3A = arith.index_cast %scan3A_50 : i32 to index
      %swap3A_51 = arith.constant 0 : index
      %swap3A_52 = tpu.vector_load %arg8[%swap3A, %swap3A_51] {strides = array<i32>} : memref<128x128xf32, #tpu.memory_space<vmem>>, vector<1x16xf32>,
      %swap3A_53 = vector.shape_cast %swap3A_52 : vector<1x16xf32> to vector<16xf32>
      %swap3A_54 = vector.shape_cast %broadcast_in_dim3A_3 : vector<16xf32> to vector<1x16xf32>
      tpu.vector_store %arg8[%swap3A, %swap3A_51], %swap3A_54 {strides = array<i32>} : memref<128x128xf32, #tpu.memory_space<vmem>>, vector<1x16xf32>,
      %swap3A_55 = arith.index_cast %scan3A_50 : i32 to index
      %swap3A_56 = arith.constant 16 : index
      %swap3A_57 = tpu.vector_load %arg8[%swap3A_55, %swap3A_56] {strides = array<i32>} : memref<128x128xf32, #tpu.memory_space<vmem>>, vector<1x16xf32>,
      %swap3A_58 = vector.shape_cast %swap3A_57 : vector<1x16xf32> to vector<16xf32>
      %swap3A_59 = vector.shape_cast %broadcast_in_dim3A_3 : vector<16xf32> to vector<1x16xf32>
      tpu.vector_store %arg8[%swap3A_55, %swap3A_56], %swap3A_59 {strides = array<i32>} : memref<128x128xf32, #tpu.memory_space<vmem>>, vector<1x16xf32>,
      %swap3A_60 = arith.index_cast %scan3A_50 : i32 to index
      %swap3A_61 = arith.constant 32 : index
      %swap3A_62 = tpu.vector_load %arg8[%swap3A_60, %swap3A_61] {strides = array<i32>} : memref<128x128xf32, #tpu.memory_space<vmem>>, vector<1x16xf32>,
      %swap3A_63 = vector.shape_cast %swap3A_62 : vector<1x16xf32> to vector<16xf32>
      %swap3A_64 = vector.shape_cast %broadcast_in_dim3A_3 : vector<16xf32> to vector<1x16xf32>
      tpu.vector_store %arg8[%swap3A_60, %swap3A_61], %swap3A_64 {strides = array<i32>} : memref<128x128xf32, #tpu.memory_space<vmem>>, vector<1x16xf32>,
      %swap3A_65 = arith.index_cast %scan3A_50 : i32 to index
      %swap3A_66 = arith.constant 48 : index
      %swap3A_67 = tpu.vector_load %arg8[%swap3A_65, %swap3A_66] {strides = array<i32>} : memref<128x128xf32, #tpu.memory_space<vmem>>, vector<1x16xf32>,
      %swap3A_68 = vector.shape_cast %swap3A_67 : vector<1x16xf32> to vector<16xf32>
      %swap3A_69 = vector.shape_cast %broadcast_in_dim3A_3 : vector<16xf32> to vector<1x16xf32>
      tpu.vector_store %arg8[%swap3A_65, %swap3A_66], %swap3A_69 {strides = array<i32>} : memref<128x128xf32, #tpu.memory_space<vmem>>, vector<1x16xf32>,
      %swap3A_70 = arith.index_cast %scan3A_50 : i32 to index
      %swap3A_71 = arith.constant 64 : index
      %swap3A_72 = tpu.vector_load %arg8[%swap3A_70, %swap3A_71] {strides = array<i32>} : memref<128x128xf32, #tpu.memory_space<vmem>>, vector<1x16xf32>,
      %swap3A_73 = vector.shape_cast %swap3A_72 : vector<1x16xf32> to vector<16xf32>
      %swap3A_74 = vector.shape_cast %broadcast_in_dim3A_3 : vector<16xf32> to vector<1x16xf32>
      tpu.vector_store %arg8[%swap3A_70, %swap3A_71], %swap3A_74 {strides = array<i32>} : memref<128x128xf32, #tpu.memory_space<vmem>>, vector<1x16xf32>,
      %swap3A_75 = arith.index_cast %scan3A_50 : i32 to index
      %swap3A_76 = arith.constant 80 : index
      %swap3A_77 = tpu.vector_load %arg8[%swap3A_75, %swap3A_76] {strides = array<i32>} : memref<128x128xf32, #tpu.memory_space<vmem>>, vector<1x16xf32>,
      %swap3A_78 = vector.shape_cast %swap3A_77 : vector<1x16xf32> to vector<16xf32>
      %swap3A_79 = vector.shape_cast %broadcast_in_dim3A_3 : vector<16xf32> to vector<1x16xf32>
      tpu.vector_store %arg8[%swap3A_75, %swap3A_76], %swap3A_79 {strides = array<i32>} : memref<128x128xf32, #tpu.memory_space<vmem>>, vector<1x16xf32>,
      %swap3A_80 = arith.index_cast %scan3A_50 : i32 to index
      %swap3A_81 = arith.constant 96 : index
      %swap3A_82 = tpu.vector_load %arg8[%swap3A_80, %swap3A_81] {strides = array<i32>} : memref<128x128xf32, #tpu.memory_space<vmem>>, vector<1x16xf32>,
      %swap3A_83 = vector.shape_cast %swap3A_82 : vector<1x16xf32> to vector<16xf32>
      %swap3A_84 = vector.shape_cast %broadcast_in_dim3A_3 : vector<16xf32> to vector<1x16xf32>
      tpu.vector_store %arg8[%swap3A_80, %swap3A_81], %swap3A_84 {strides = array<i32>} : memref<128x128xf32, #tpu.memory_space<vmem>>, vector<1x16xf32>,
      %swap3A_85 = arith.index_cast %scan3A_50 : i32 to index
      %swap3A_86 = arith.constant 112 : index
      %swap3A_87 = tpu.vector_load %arg8[%swap3A_85, %swap3A_86] {strides = array<i32>} : memref<128x128xf32, #tpu.memory_space<vmem>>, vector<1x16xf32>,
      %swap3A_88 = vector.shape_cast %swap3A_87 : vector<1x16xf32> to vector<16xf32>
      %swap3A_89 = vector.shape_cast %broadcast_in_dim3A_3 : vector<16xf32> to vector<1x16xf32>
      tpu.vector_store %arg8[%swap3A_85, %swap3A_86], %swap3A_89 {strides = array<i32>} : memref<128x128xf32, #tpu.memory_space<vmem>>, vector<1x16xf32>,
    }
    %scan3A_8 = arith.constant 128 : i32
    %mul3A_9 = arith.constant 624 : i32
    %mul3A_10 = arith.muli %arg1, %mul3A_9 : i32
    %add3A_11 = arith.constant 0 : i32
    %add3A_12 = arith.addi %mul3A_10, %add3A_11 : i32
    "tpu.region"() ({
      %run_scoped3A = tpu.sem_alloc : memref<!tpu.dma_semaphore, #tpu.memory_space<semaphore_mem>>
      %dma_start3A = arith.constant 0 : i32
      %dma_start3A_50 = tpu.memref_slice %arg10[%add3A_12, %dma_start3A] : memref<10008x128xf32, #tpu.memory_space<vmem_shared>> -> memref<128x128xf32, #tpu.memory_space<vmem_shared>>
      %dma_start3A_51 = arith.constant 0 : i32
      %dma_start3A_52 = tpu.memref_slice %arg10[%add3A_12, %dma_start3A_51] : memref<10008x128xf32, #tpu.memory_space<vmem_shared>> -> memref<128x128xf32, #tpu.memory_space<vmem_shared>>
      tpu.enqueue_dma source(%arg8 : memref<128x128xf32, #tpu.memory_space<vmem>>) target(%dma_start3A_52 : memref<128x128xf32, #tpu.memory_space<vmem_shared>>) target_semaphore(%run_scoped3A : memref<!tpu.dma_semaphore, #tpu.memory_space<semaphore_mem>>)
      %dma_wait3A = arith.constant 0 : i32
      %dma_wait3A_53 = tpu.memref_slice %arg10[%add3A_12, %dma_wait3A] : memref<10008x128xf32, #tpu.memory_space<vmem_shared>> -> memref<128x128xf32, #tpu.memory_space<vmem_shared>>
      %dma_wait3A_54 = arith.constant 0 : i32
      %dma_wait3A_55 = tpu.memref_slice %arg10[%add3A_12, %dma_wait3A_54] : memref<10008x128xf32, #tpu.memory_space<vmem_shared>> -> memref<128x128xf32, #tpu.memory_space<vmem_shared>>
      tpu.wait_dma2 semaphore(%run_scoped3A : memref<!tpu.dma_semaphore, #tpu.memory_space<semaphore_mem>>) src(%arg8 : memref<128x128xf32, #tpu.memory_space<vmem>>) dst(%dma_wait3A_55 : memref<128x128xf32, #tpu.memory_space<vmem_shared>>)
      tpu.yield
    }) : () -> ()
    %mul3A_13 = arith.constant 624 : i32
    %mul3A_14 = arith.muli %arg1, %mul3A_13 : i32
    %add3A_15 = arith.constant 128 : i32
    %add3A_16 = arith.addi %mul3A_14, %add3A_15 : i32
    "tpu.region"() ({
      %run_scoped3A = tpu.sem_alloc : memref<!tpu.dma_semaphore, #tpu.memory_space<semaphore_mem>>
      %dma_start3A = arith.constant 0 : i32
      %dma_start3A_50 = tpu.memref_slice %arg10[%add3A_16, %dma_start3A] : memref<10008x128xf32, #tpu.memory_space<vmem_shared>> -> memref<128x128xf32, #tpu.memory_space<vmem_shared>>
      %dma_start3A_51 = arith.constant 0 : i32
      %dma_start3A_52 = tpu.memref_slice %arg10[%add3A_16, %dma_start3A_51] : memref<10008x128xf32, #tpu.memory_space<vmem_shared>> -> memref<128x128xf32, #tpu.memory_space<vmem_shared>>
      tpu.enqueue_dma source(%arg8 : memref<128x128xf32, #tpu.memory_space<vmem>>) target(%dma_start3A_52 : memref<128x128xf32, #tpu.memory_space<vmem_shared>>) target_semaphore(%run_scoped3A : memref<!tpu.dma_semaphore, #tpu.memory_space<semaphore_mem>>)
      %dma_wait3A = arith.constant 0 : i32
      %dma_wait3A_53 = tpu.memref_slice %arg10[%add3A_16, %dma_wait3A] : memref<10008x128xf32, #tpu.memory_space<vmem_shared>> -> memref<128x128xf32, #tpu.memory_space<vmem_shared>>
      %dma_wait3A_54 = arith.constant 0 : i32
      %dma_wait3A_55 = tpu.memref_slice %arg10[%add3A_16, %dma_wait3A_54] : memref<10008x128xf32, #tpu.memory_space<vmem_shared>> -> memref<128x128xf32, #tpu.memory_space<vmem_shared>>
      tpu.wait_dma2 semaphore(%run_scoped3A : memref<!tpu.dma_semaphore, #tpu.memory_space<semaphore_mem>>) src(%arg8 : memref<128x128xf32, #tpu.memory_space<vmem>>) dst(%dma_wait3A_55 : memref<128x128xf32, #tpu.memory_space<vmem_shared>>)
      tpu.yield
    }) : () -> ()
    %mul3A_17 = arith.constant 624 : i32
    %mul3A_18 = arith.muli %arg1, %mul3A_17 : i32
    %add3A_19 = arith.constant 256 : i32
    %add3A_20 = arith.addi %mul3A_18, %add3A_19 : i32
    "tpu.region"() ({
      %run_scoped3A = tpu.sem_alloc : memref<!tpu.dma_semaphore, #tpu.memory_space<semaphore_mem>>
      %dma_start3A = arith.constant 0 : i32
      %dma_start3A_50 = tpu.memref_slice %arg10[%add3A_20, %dma_start3A] : memref<10008x128xf32, #tpu.memory_space<vmem_shared>> -> memref<128x128xf32, #tpu.memory_space<vmem_shared>>
      %dma_start3A_51 = arith.constant 0 : i32
      %dma_start3A_52 = tpu.memref_slice %arg10[%add3A_20, %dma_start3A_51] : memref<10008x128xf32, #tpu.memory_space<vmem_shared>> -> memref<128x128xf32, #tpu.memory_space<vmem_shared>>
      tpu.enqueue_dma source(%arg8 : memref<128x128xf32, #tpu.memory_space<vmem>>) target(%dma_start3A_52 : memref<128x128xf32, #tpu.memory_space<vmem_shared>>) target_semaphore(%run_scoped3A : memref<!tpu.dma_semaphore, #tpu.memory_space<semaphore_mem>>)
      %dma_wait3A = arith.constant 0 : i32
      %dma_wait3A_53 = tpu.memref_slice %arg10[%add3A_20, %dma_wait3A] : memref<10008x128xf32, #tpu.memory_space<vmem_shared>> -> memref<128x128xf32, #tpu.memory_space<vmem_shared>>
      %dma_wait3A_54 = arith.constant 0 : i32
      %dma_wait3A_55 = tpu.memref_slice %arg10[%add3A_20, %dma_wait3A_54] : memref<10008x128xf32, #tpu.memory_space<vmem_shared>> -> memref<128x128xf32, #tpu.memory_space<vmem_shared>>
      tpu.wait_dma2 semaphore(%run_scoped3A : memref<!tpu.dma_semaphore, #tpu.memory_space<semaphore_mem>>) src(%arg8 : memref<128x128xf32, #tpu.memory_space<vmem>>) dst(%dma_wait3A_55 : memref<128x128xf32, #tpu.memory_space<vmem_shared>>)
      tpu.yield
    }) : () -> ()
    %mul3A_21 = arith.constant 624 : i32
    %mul3A_22 = arith.muli %arg1, %mul3A_21 : i32
    %add3A_23 = arith.constant 384 : i32
    %add3A_24 = arith.addi %mul3A_22, %add3A_23 : i32
    "tpu.region"() ({
      %run_scoped3A = tpu.sem_alloc : memref<!tpu.dma_semaphore, #tpu.memory_space<semaphore_mem>>
      %dma_start3A = arith.constant 0 : i32
      %dma_start3A_50 = tpu.memref_slice %arg10[%add3A_24, %dma_start3A] : memref<10008x128xf32, #tpu.memory_space<vmem_shared>> -> memref<128x128xf32, #tpu.memory_space<vmem_shared>>
      %dma_start3A_51 = arith.constant 0 : i32
      %dma_start3A_52 = tpu.memref_slice %arg10[%add3A_24, %dma_start3A_51] : memref<10008x128xf32, #tpu.memory_space<vmem_shared>> -> memref<128x128xf32, #tpu.memory_space<vmem_shared>>
      tpu.enqueue_dma source(%arg8 : memref<128x128xf32, #tpu.memory_space<vmem>>) target(%dma_start3A_52 : memref<128x128xf32, #tpu.memory_space<vmem_shared>>) target_semaphore(%run_scoped3A : memref<!tpu.dma_semaphore, #tpu.memory_space<semaphore_mem>>)
      %dma_wait3A = arith.constant 0 : i32
      %dma_wait3A_53 = tpu.memref_slice %arg10[%add3A_24, %dma_wait3A] : memref<10008x128xf32, #tpu.memory_space<vmem_shared>> -> memref<128x128xf32, #tpu.memory_space<vmem_shared>>
      %dma_wait3A_54 = arith.constant 0 : i32
      %dma_wait3A_55 = tpu.memref_slice %arg10[%add3A_24, %dma_wait3A_54] : memref<10008x128xf32, #tpu.memory_space<vmem_shared>> -> memref<128x128xf32, #tpu.memory_space<vmem_shared>>
      tpu.wait_dma2 semaphore(%run_scoped3A : memref<!tpu.dma_semaphore, #tpu.memory_space<semaphore_mem>>) src(%arg8 : memref<128x128xf32, #tpu.memory_space<vmem>>) dst(%dma_wait3A_55 : memref<128x128xf32, #tpu.memory_space<vmem_shared>>)
      tpu.yield
    }) : () -> ()
    %mul3A_25 = arith.constant 624 : i32
    %mul3A_26 = arith.muli %arg1, %mul3A_25 : i32
    %add3A_27 = arith.constant 512 : i32
    %add3A_28 = arith.addi %mul3A_26, %add3A_27 : i32
    "tpu.region"() ({
      %run_scoped3A = tpu.sem_alloc : memref<!tpu.dma_semaphore, #tpu.memory_space<semaphore_mem>>
      %dma_start3A = arith.constant 0 : i32
      %dma_start3A_50 = arith.constant 0 : i32
      %dma_start3A_51 = tpu.memref_slice %arg8[%dma_start3A, %dma_start3A_50] : memref<128x128xf32, #tpu.memory_space<vmem>> -> memref<112x128xf32, #tpu.memory_space<vmem>>
      %dma_start3A_52 = arith.constant 0 : i32
      %dma_start3A_53 = tpu.memref_slice %arg10[%add3A_28, %dma_start3A_52] : memref<10008x128xf32, #tpu.memory_space<vmem_shared>> -> memref<112x128xf32, #tpu.memory_space<vmem_shared>>
      %dma_start3A_54 = arith.constant 0 : i32
      %dma_start3A_55 = tpu.memref_slice %arg10[%add3A_28, %dma_start3A_54] : memref<10008x128xf32, #tpu.memory_space<vmem_shared>> -> memref<112x128xf32, #tpu.memory_space<vmem_shared>>
      %dma_start3A_56 = arith.constant 0 : i32
      %dma_start3A_57 = arith.constant 0 : i32
      %dma_start3A_58 = tpu.memref_slice %arg8[%dma_start3A_56, %dma_start3A_57] : memref<128x128xf32, #tpu.memory_space<vmem>> -> memref<112x128xf32, #tpu.memory_space<vmem>>
      tpu.enqueue_dma source(%dma_start3A_58 : memref<112x128xf32, #tpu.memory_space<vmem>>) target(%dma_start3A_55 : memref<112x128xf32, #tpu.memory_space<vmem_shared>>) target_semaphore(%run_scoped3A : memref<!tpu.dma_semaphore, #tpu.memory_space<semaphore_mem>>)
      %dma_wait3A = arith.constant 0 : i32
      %dma_wait3A_59 = arith.constant 0 : i32
      %dma_wait3A_60 = tpu.memref_slice %arg8[%dma_wait3A, %dma_wait3A_59] : memref<128x128xf32, #tpu.memory_space<vmem>> -> memref<112x128xf32, #tpu.memory_space<vmem>>
      %dma_wait3A_61 = arith.constant 0 : i32
      %dma_wait3A_62 = tpu.memref_slice %arg10[%add3A_28, %dma_wait3A_61] : memref<10008x128xf32, #tpu.memory_space<vmem_shared>> -> memref<112x128xf32, #tpu.memory_space<vmem_shared>>
      %dma_wait3A_63 = arith.constant 0 : i32
      %dma_wait3A_64 = tpu.memref_slice %arg10[%add3A_28, %dma_wait3A_63] : memref<10008x128xf32, #tpu.memory_space<vmem_shared>> -> memref<112x128xf32, #tpu.memory_space<vmem_shared>>
      %dma_wait3A_65 = arith.constant 0 : i32
      %dma_wait3A_66 = arith.constant 0 : i32
      %dma_wait3A_67 = tpu.memref_slice %arg8[%dma_wait3A_65, %dma_wait3A_66] : memref<128x128xf32, #tpu.memory_space<vmem>> -> memref<112x128xf32, #tpu.memory_space<vmem>>
      tpu.wait_dma2 semaphore(%run_scoped3A : memref<!tpu.dma_semaphore, #tpu.memory_space<semaphore_mem>>) src(%dma_wait3A_67 : memref<112x128xf32, #tpu.memory_space<vmem>>) dst(%dma_wait3A_64 : memref<112x128xf32, #tpu.memory_space<vmem_shared>>)
      tpu.yield
    }) : () -> ()
    %eq3A = arith.constant 15 : i32
    %eq3A_29 = arith.cmpi eq, %arg1, %eq3A : i32
    %convert_element_type3A = arith.extui %eq3A_29 : i1 to i32
    %cond3A = arith.constant 0 : i32
    %cond3A_30 = arith.cmpi ne, %convert_element_type3A, %cond3A : i32
    scf.if %cond3A_30 {
      "tpu.region"() ({
        %run_scoped3A = tpu.sem_alloc : memref<!tpu.dma_semaphore, #tpu.memory_space<semaphore_mem>>
        %dma_start3A = arith.constant 0 : i32
        %dma_start3A_50 = arith.constant 0 : i32
        %dma_start3A_51 = tpu.memref_slice %arg8[%dma_start3A, %dma_start3A_50] : memref<128x128xf32, #tpu.memory_space<vmem>> -> memref<24x128xf32, #tpu.memory_space<vmem>>
        %dma_start3A_52 = arith.constant 9984 : i32
        %dma_start3A_53 = arith.constant 0 : i32
        %dma_start3A_54 = tpu.memref_slice %arg10[%dma_start3A_52, %dma_start3A_53] : memref<10008x128xf32, #tpu.memory_space<vmem_shared>> -> memref<24x128xf32, #tpu.memory_space<vmem_shared>>
        %dma_start3A_55 = arith.constant 9984 : i32
        %dma_start3A_56 = arith.constant 0 : i32
        %dma_start3A_57 = tpu.memref_slice %arg10[%dma_start3A_55, %dma_start3A_56] : memref<10008x128xf32, #tpu.memory_space<vmem_shared>> -> memref<24x128xf32, #tpu.memory_space<vmem_shared>>
        %dma_start3A_58 = arith.constant 0 : i32
        %dma_start3A_59 = arith.constant 0 : i32
        %dma_start3A_60 = tpu.memref_slice %arg8[%dma_start3A_58, %dma_start3A_59] : memref<128x128xf32, #tpu.memory_space<vmem>> -> memref<24x128xf32, #tpu.memory_space<vmem>>
        tpu.enqueue_dma source(%dma_start3A_60 : memref<24x128xf32, #tpu.memory_space<vmem>>) target(%dma_start3A_57 : memref<24x128xf32, #tpu.memory_space<vmem_shared>>) target_semaphore(%run_scoped3A : memref<!tpu.dma_semaphore, #tpu.memory_space<semaphore_mem>>)
        %dma_wait3A = arith.constant 0 : i32
        %dma_wait3A_61 = arith.constant 0 : i32
        %dma_wait3A_62 = tpu.memref_slice %arg8[%dma_wait3A, %dma_wait3A_61] : memref<128x128xf32, #tpu.memory_space<vmem>> -> memref<24x128xf32, #tpu.memory_space<vmem>>
        %dma_wait3A_63 = arith.constant 9984 : i32
        %dma_wait3A_64 = arith.constant 0 : i32
        %dma_wait3A_65 = tpu.memref_slice %arg10[%dma_wait3A_63, %dma_wait3A_64] : memref<10008x128xf32, #tpu.memory_space<vmem_shared>> -> memref<24x128xf32, #tpu.memory_space<vmem_shared>>
        %dma_wait3A_66 = arith.constant 9984 : i32
        %dma_wait3A_67 = arith.constant 0 : i32
        %dma_wait3A_68 = tpu.memref_slice %arg10[%dma_wait3A_66, %dma_wait3A_67] : memref<10008x128xf32, #tpu.memory_space<vmem_shared>> -> memref<24x128xf32, #tpu.memory_space<vmem_shared>>
        %dma_wait3A_69 = arith.constant 0 : i32
        %dma_wait3A_70 = arith.constant 0 : i32
        %dma_wait3A_71 = tpu.memref_slice %arg8[%dma_wait3A_69, %dma_wait3A_70] : memref<128x128xf32, #tpu.memory_space<vmem>> -> memref<24x128xf32, #tpu.memory_space<vmem>>
        tpu.wait_dma2 semaphore(%run_scoped3A : memref<!tpu.dma_semaphore, #tpu.memory_space<semaphore_mem>>) src(%dma_wait3A_71 : memref<24x128xf32, #tpu.memory_space<vmem>>) dst(%dma_wait3A_68 : memref<24x128xf32, #tpu.memory_space<vmem_shared>>)
        tpu.yield
      }) : () -> ()
    } else {
    }
    %barrier3A = arith.constant 0 : index
    tpu.barrier barrier_id(%barrier3A)
    %scan3A_31 = arith.constant 0 : i32
    %scan3A_32 = arith.constant 0 : i32
    %scan3A_33 = arith.constant 10 : i32
    %scan3A_34 = arith.addi %scan3A_32, %scan3A_33 : i32
    %scan3A_35 = arith.constant 1 : i32
    scf.for %scan3A_50 = %scan3A_32 to %scan3A_34 step %scan3A_35  : i32 {
      %mul3A_51 = arith.constant 8 : i32
      %mul3A_52 = arith.muli %scan3A_50, %mul3A_51 : i32
      %add3A_53 = arith.addi %mul3A_2, %mul3A_52 : i32
      "tpu.region"() ({
        %run_scoped3A = tpu.sem_alloc : memref<!tpu.dma_semaphore, #tpu.memory_space<semaphore_mem>>
        %dma_start3A_276 = arith.constant 0 : i32
        %dma_start3A_277 = tpu.memref_slice %arg3[%arg0, %add3A_53, %dma_start3A_276] : memref<2x2560x128xi32, #tpu.memory_space<hbm>> -> memref<1x8x128xi32, #tpu.memory_space<hbm>>
        %dma_start3A_278 = tpu.memref_squeeze %dma_start3A_277 : memref<1x8x128xi32, #tpu.memory_space<hbm>> -> memref<8x128xi32, #tpu.memory_space<hbm>>
        %dma_start3A_279 = arith.constant 0 : i32
        %dma_start3A_280 = tpu.memref_slice %arg3[%arg0, %add3A_53, %dma_start3A_279] : memref<2x2560x128xi32, #tpu.memory_space<hbm>> -> memref<1x8x128xi32, #tpu.memory_space<hbm>>
        %dma_start3A_281 = tpu.memref_squeeze %dma_start3A_280 : memref<1x8x128xi32, #tpu.memory_space<hbm>> -> memref<8x128xi32, #tpu.memory_space<hbm>>
        tpu.enqueue_dma source(%dma_start3A_281 : memref<8x128xi32, #tpu.memory_space<hbm>>) target(%arg6 : memref<8x128xi32, #tpu.memory_space<vmem>>) target_semaphore(%run_scoped3A : memref<!tpu.dma_semaphore, #tpu.memory_space<semaphore_mem>>)
        %dma_wait3A_282 = arith.constant 0 : i32
        %dma_wait3A_283 = tpu.memref_slice %arg3[%arg0, %add3A_53, %dma_wait3A_282] : memref<2x2560x128xi32, #tpu.memory_space<hbm>> -> memref<1x8x128xi32, #tpu.memory_space<hbm>>
        %dma_wait3A_284 = tpu.memref_squeeze %dma_wait3A_283 : memref<1x8x128xi32, #tpu.memory_space<hbm>> -> memref<8x128xi32, #tpu.memory_space<hbm>>
        %dma_wait3A_285 = arith.constant 0 : i32
        %dma_wait3A_286 = tpu.memref_slice %arg3[%arg0, %add3A_53, %dma_wait3A_285] : memref<2x2560x128xi32, #tpu.memory_space<hbm>> -> memref<1x8x128xi32, #tpu.memory_space<hbm>>
        %dma_wait3A_287 = tpu.memref_squeeze %dma_wait3A_286 : memref<1x8x128xi32, #tpu.memory_space<hbm>> -> memref<8x128xi32, #tpu.memory_space<hbm>>
        tpu.wait_dma2 semaphore(%run_scoped3A : memref<!tpu.dma_semaphore, #tpu.memory_space<semaphore_mem>>) src(%dma_wait3A_287 : memref<8x128xi32, #tpu.memory_space<hbm>>) dst(%arg6 : memref<8x128xi32, #tpu.memory_space<vmem>>)
        tpu.yield
      }) : () -> ()
      "tpu.region"() ({
        %run_scoped3A = tpu.sem_alloc : memref<!tpu.dma_semaphore, #tpu.memory_space<semaphore_mem>>
        %dma_start3A_276 = arith.constant 0 : i32
        %dma_start3A_277 = tpu.memref_slice %arg4[%arg0, %add3A_53, %dma_start3A_276] : memref<2x2560x128xi32, #tpu.memory_space<hbm>> -> memref<1x8x128xi32, #tpu.memory_space<hbm>>
        %dma_start3A_278 = tpu.memref_squeeze %dma_start3A_277 : memref<1x8x128xi32, #tpu.memory_space<hbm>> -> memref<8x128xi32, #tpu.memory_space<hbm>>
        %dma_start3A_279 = arith.constant 0 : i32
        %dma_start3A_280 = tpu.memref_slice %arg4[%arg0, %add3A_53, %dma_start3A_279] : memref<2x2560x128xi32, #tpu.memory_space<hbm>> -> memref<1x8x128xi32, #tpu.memory_space<hbm>>
        %dma_start3A_281 = tpu.memref_squeeze %dma_start3A_280 : memref<1x8x128xi32, #tpu.memory_space<hbm>> -> memref<8x128xi32, #tpu.memory_space<hbm>>
        tpu.enqueue_dma source(%dma_start3A_281 : memref<8x128xi32, #tpu.memory_space<hbm>>) target(%arg7 : memref<8x128xi32, #tpu.memory_space<vmem>>) target_semaphore(%run_scoped3A : memref<!tpu.dma_semaphore, #tpu.memory_space<semaphore_mem>>)
        %dma_wait3A_282 = arith.constant 0 : i32
        %dma_wait3A_283 = tpu.memref_slice %arg4[%arg0, %add3A_53, %dma_wait3A_282] : memref<2x2560x128xi32, #tpu.memory_space<hbm>> -> memref<1x8x128xi32, #tpu.memory_space<hbm>>
        %dma_wait3A_284 = tpu.memref_squeeze %dma_wait3A_283 : memref<1x8x128xi32, #tpu.memory_space<hbm>> -> memref<8x128xi32, #tpu.memory_space<hbm>>
        %dma_wait3A_285 = arith.constant 0 : i32
        %dma_wait3A_286 = tpu.memref_slice %arg4[%arg0, %add3A_53, %dma_wait3A_285] : memref<2x2560x128xi32, #tpu.memory_space<hbm>> -> memref<1x8x128xi32, #tpu.memory_space<hbm>>
        %dma_wait3A_287 = tpu.memref_squeeze %dma_wait3A_286 : memref<1x8x128xi32, #tpu.memory_space<hbm>> -> memref<8x128xi32, #tpu.memory_space<hbm>>
        tpu.wait_dma2 semaphore(%run_scoped3A : memref<!tpu.dma_semaphore, #tpu.memory_space<semaphore_mem>>) src(%dma_wait3A_287 : memref<8x128xi32, #tpu.memory_space<hbm>>) dst(%arg7 : memref<8x128xi32, #tpu.memory_space<vmem>>)
        tpu.yield
      }) : () -> ()
      %dma_start3A = arith.constant 0 : i32
      %dma_start3A_54 = arith.constant 0 : i32
      %dma_start3A_55 = tpu.memref_slice %arg6[%dma_start3A, %dma_start3A_54] : memref<8x128xi32, #tpu.memory_space<vmem>> -> memref<1x128xi32, #tpu.memory_space<vmem>>
      %dma_start3A_56 = tpu.memref_squeeze %dma_start3A_55 : memref<1x128xi32, #tpu.memory_space<vmem>> -> memref<128xi32, #tpu.memory_space<vmem>>
      %dma_start3A_57 = arith.constant 0 : i32
      %dma_start3A_58 = arith.constant 0 : i32
      %dma_start3A_59 = tpu.memref_slice %arg2[%dma_start3A_57, %dma_start3A_58] : memref<10000x128xf32, #tpu.memory_space<hbm>> -> memref<10000x128xf32, #tpu.memory_space<hbm>>
      tpu.enqueue_indirect_dma source(%dma_start3A_59 : memref<10000x128xf32, #tpu.memory_space<hbm>>) target(%arg8 : memref<128x128xf32, #tpu.memory_space<vmem>>) offsets(%dma_start3A_56 : memref<128xi32, #tpu.memory_space<vmem>>) semaphore(%arg11 : memref<!tpu.dma_semaphore, #tpu.memory_space<semaphore_mem>>)
      %dma_start3A_60 = arith.constant 1 : i32
      %dma_start3A_61 = arith.constant 0 : i32
      %dma_start3A_62 = tpu.memref_slice %arg6[%dma_start3A_60, %dma_start3A_61] : memref<8x128xi32, #tpu.memory_space<vmem>> -> memref<1x128xi32, #tpu.memory_space<vmem>>
      %dma_start3A_63 = tpu.memref_squeeze %dma_start3A_62 : memref<1x128xi32, #tpu.memory_space<vmem>> -> memref<128xi32, #tpu.memory_space<vmem>>
      %dma_start3A_64 = arith.constant 0 : i32
      %dma_start3A_65 = arith.constant 0 : i32
      %dma_start3A_66 = tpu.memref_slice %arg2[%dma_start3A_64, %dma_start3A_65] : memref<10000x128xf32, #tpu.memory_space<hbm>> -> memref<10000x128xf32, #tpu.memory_space<hbm>>
      tpu.enqueue_indirect_dma source(%dma_start3A_66 : memref<10000x128xf32, #tpu.memory_space<hbm>>) target(%arg9 : memref<128x128xf32, #tpu.memory_space<vmem>>) offsets(%dma_start3A_63 : memref<128xi32, #tpu.memory_space<vmem>>) semaphore(%arg12 : memref<!tpu.dma_semaphore, #tpu.memory_space<semaphore_mem>>)
      %dma_wait3A = arith.constant 0 : i32
      %dma_wait3A_67 = arith.constant 0 : i32
      %dma_wait3A_68 = tpu.memref_slice %arg6[%dma_wait3A, %dma_wait3A_67] : memref<8x128xi32, #tpu.memory_space<vmem>> -> memref<1x128xi32, #tpu.memory_space<vmem>>
      %dma_wait3A_69 = tpu.memref_squeeze %dma_wait3A_68 : memref<1x128xi32, #tpu.memory_space<vmem>> -> memref<128xi32, #tpu.memory_space<vmem>>
      %dma_wait3A_70 = arith.constant 0 : i32
      %dma_wait3A_71 = arith.constant 0 : i32
      %dma_wait3A_72 = tpu.memref_slice %arg2[%dma_wait3A_70, %dma_wait3A_71] : memref<10000x128xf32, #tpu.memory_space<hbm>> -> memref<10000x128xf32, #tpu.memory_space<hbm>>
      tpu.wait_indirect_dma semaphore(%arg11 : memref<!tpu.dma_semaphore, #tpu.memory_space<semaphore_mem>>) src(%dma_wait3A_72 : memref<10000x128xf32, #tpu.memory_space<hbm>>) dst(%arg8 : memref<128x128xf32, #tpu.memory_space<vmem>>)
      %dma_start3A_73 = arith.constant 0 : i32
      %dma_start3A_74 = arith.constant 0 : i32
      %dma_start3A_75 = tpu.memref_slice %arg7[%dma_start3A_73, %dma_start3A_74] : memref<8x128xi32, #tpu.memory_space<vmem>> -> memref<1x128xi32, #tpu.memory_space<vmem>>
      %dma_start3A_76 = tpu.memref_squeeze %dma_start3A_75 : memref<1x128xi32, #tpu.memory_space<vmem>> -> memref<128xi32, #tpu.memory_space<vmem>>
      %dma_start3A_77 = arith.constant 0 : i32
      %dma_start3A_78 = arith.constant 0 : i32
      %dma_start3A_79 = tpu.memref_slice %arg10[%dma_start3A_77, %dma_start3A_78] : memref<10008x128xf32, #tpu.memory_space<vmem_shared>> -> memref<10008x128xf32, #tpu.memory_space<vmem_shared>>
      tpu.enqueue_indirect_dma source(%arg8 : memref<128x128xf32, #tpu.memory_space<vmem>>) target(%dma_start3A_79 : memref<10008x128xf32, #tpu.memory_space<vmem_shared>>) offsets(%dma_start3A_76 : memref<128xi32, #tpu.memory_space<vmem>>) semaphore(%arg13 : memref<!tpu.dma_semaphore, #tpu.memory_space<semaphore_mem>>) {add = true}
      %dma_wait3A_80 = arith.constant 1 : i32
      %dma_wait3A_81 = arith.constant 0 : i32
      %dma_wait3A_82 = tpu.memref_slice %arg6[%dma_wait3A_80, %dma_wait3A_81] : memref<8x128xi32, #tpu.memory_space<vmem>> -> memref<1x128xi32, #tpu.memory_space<vmem>>
      %dma_wait3A_83 = tpu.memref_squeeze %dma_wait3A_82 : memref<1x128xi32, #tpu.memory_space<vmem>> -> memref<128xi32, #tpu.memory_space<vmem>>
      %dma_wait3A_84 = arith.constant 0 : i32
      %dma_wait3A_85 = arith.constant 0 : i32
      %dma_wait3A_86 = tpu.memref_slice %arg2[%dma_wait3A_84, %dma_wait3A_85] : memref<10000x128xf32, #tpu.memory_space<hbm>> -> memref<10000x128xf32, #tpu.memory_space<hbm>>
      tpu.wait_indirect_dma semaphore(%arg12 : memref<!tpu.dma_semaphore, #tpu.memory_space<semaphore_mem>>) src(%dma_wait3A_86 : memref<10000x128xf32, #tpu.memory_space<hbm>>) dst(%arg9 : memref<128x128xf32, #tpu.memory_space<vmem>>)
      %dma_start3A_87 = arith.constant 1 : i32
      %dma_start3A_88 = arith.constant 0 : i32
      %dma_start3A_89 = tpu.memref_slice %arg7[%dma_start3A_87, %dma_start3A_88] : memref<8x128xi32, #tpu.memory_space<vmem>> -> memref<1x128xi32, #tpu.memory_space<vmem>>
      %dma_start3A_90 = tpu.memref_squeeze %dma_start3A_89 : memref<1x128xi32, #tpu.memory_space<vmem>> -> memref<128xi32, #tpu.memory_space<vmem>>
      %dma_start3A_91 = arith.constant 0 : i32
      %dma_start3A_92 = arith.constant 0 : i32
      %dma_start3A_93 = tpu.memref_slice %arg10[%dma_start3A_91, %dma_start3A_92] : memref<10008x128xf32, #tpu.memory_space<vmem_shared>> -> memref<10008x128xf32, #tpu.memory_space<vmem_shared>>
      tpu.enqueue_indirect_dma source(%arg9 : memref<128x128xf32, #tpu.memory_space<vmem>>) target(%dma_start3A_93 : memref<10008x128xf32, #tpu.memory_space<vmem_shared>>) offsets(%dma_start3A_90 : memref<128xi32, #tpu.memory_space<vmem>>) semaphore(%arg14 : memref<!tpu.dma_semaphore, #tpu.memory_space<semaphore_mem>>) {add = true}
      %dma_wait3A_94 = arith.constant 0 : i32
      %dma_wait3A_95 = arith.constant 0 : i32
      %dma_wait3A_96 = tpu.memref_slice %arg7[%dma_wait3A_94, %dma_wait3A_95] : memref<8x128xi32, #tpu.memory_space<vmem>> -> memref<1x128xi32, #tpu.memory_space<vmem>>
      %dma_wait3A_97 = tpu.memref_squeeze %dma_wait3A_96 : memref<1x128xi32, #tpu.memory_space<vmem>> -> memref<128xi32, #tpu.memory_space<vmem>>
      %dma_wait3A_98 = arith.constant 0 : i32
      %dma_wait3A_99 = arith.constant 0 : i32
      %dma_wait3A_100 = tpu.memref_slice %arg10[%dma_wait3A_98, %dma_wait3A_99] : memref<10008x128xf32, #tpu.memory_space<vmem_shared>> -> memref<10008x128xf32, #tpu.memory_space<vmem_shared>>
      tpu.wait_indirect_dma semaphore(%arg13 : memref<!tpu.dma_semaphore, #tpu.memory_space<semaphore_mem>>) src(%arg8 : memref<128x128xf32, #tpu.memory_space<vmem>>) dst(%dma_wait3A_100 : memref<10008x128xf32, #tpu.memory_space<vmem_shared>>)
      %dma_wait3A_101 = arith.constant 1 : i32
      %dma_wait3A_102 = arith.constant 0 : i32
      %dma_wait3A_103 = tpu.memref_slice %arg7[%dma_wait3A_101, %dma_wait3A_102] : memref<8x128xi32, #tpu.memory_space<vmem>> -> memref<1x128xi32, #tpu.memory_space<vmem>>
      %dma_wait3A_104 = tpu.memref_squeeze %dma_wait3A_103 : memref<1x128xi32, #tpu.memory_space<vmem>> -> memref<128xi32, #tpu.memory_space<vmem>>
      %dma_wait3A_105 = arith.constant 0 : i32
      %dma_wait3A_106 = arith.constant 0 : i32
      %dma_wait3A_107 = tpu.memref_slice %arg10[%dma_wait3A_105, %dma_wait3A_106] : memref<10008x128xf32, #tpu.memory_space<vmem_shared>> -> memref<10008x128xf32, #tpu.memory_space<vmem_shared>>
      tpu.wait_indirect_dma semaphore(%arg14 : memref<!tpu.dma_semaphore, #tpu.memory_space<semaphore_mem>>) src(%arg9 : memref<128x128xf32, #tpu.memory_space<vmem>>) dst(%dma_wait3A_107 : memref<10008x128xf32, #tpu.memory_space<vmem_shared>>)
      %dma_start3A_108 = arith.constant 2 : i32
      %dma_start3A_109 = arith.constant 0 : i32
      %dma_start3A_110 = tpu.memref_slice %arg6[%dma_start3A_108, %dma_start3A_109] : memref<8x128xi32, #tpu.memory_space<vmem>> -> memref<1x128xi32, #tpu.memory_space<vmem>>
      %dma_start3A_111 = tpu.memref_squeeze %dma_start3A_110 : memref<1x128xi32, #tpu.memory_space<vmem>> -> memref<128xi32, #tpu.memory_space<vmem>>
      %dma_start3A_112 = arith.constant 0 : i32
      %dma_start3A_113 = arith.constant 0 : i32
      %dma_start3A_114 = tpu.memref_slice %arg2[%dma_start3A_112, %dma_start3A_113] : memref<10000x128xf32, #tpu.memory_space<hbm>> -> memref<10000x128xf32, #tpu.memory_space<hbm>>
      tpu.enqueue_indirect_dma source(%dma_start3A_114 : memref<10000x128xf32, #tpu.memory_space<hbm>>) target(%arg8 : memref<128x128xf32, #tpu.memory_space<vmem>>) offsets(%dma_start3A_111 : memref<128xi32, #tpu.memory_space<vmem>>) semaphore(%arg11 : memref<!tpu.dma_semaphore, #tpu.memory_space<semaphore_mem>>)
      %dma_start3A_115 = arith.constant 3 : i32
      %dma_start3A_116 = arith.constant 0 : i32
      %dma_start3A_117 = tpu.memref_slice %arg6[%dma_start3A_115, %dma_start3A_116] : memref<8x128xi32, #tpu.memory_space<vmem>> -> memref<1x128xi32, #tpu.memory_space<vmem>>
      %dma_start3A_118 = tpu.memref_squeeze %dma_start3A_117 : memref<1x128xi32, #tpu.memory_space<vmem>> -> memref<128xi32, #tpu.memory_space<vmem>>
      %dma_start3A_119 = arith.constant 0 : i32
      %dma_start3A_120 = arith.constant 0 : i32
      %dma_start3A_121 = tpu.memref_slice %arg2[%dma_start3A_119, %dma_start3A_120] : memref<10000x128xf32, #tpu.memory_space<hbm>> -> memref<10000x128xf32, #tpu.memory_space<hbm>>
      tpu.enqueue_indirect_dma source(%dma_start3A_121 : memref<10000x128xf32, #tpu.memory_space<hbm>>) target(%arg9 : memref<128x128xf32, #tpu.memory_space<vmem>>) offsets(%dma_start3A_118 : memref<128xi32, #tpu.memory_space<vmem>>) semaphore(%arg12 : memref<!tpu.dma_semaphore, #tpu.memory_space<semaphore_mem>>)
      %dma_wait3A_122 = arith.constant 2 : i32
      %dma_wait3A_123 = arith.constant 0 : i32
      %dma_wait3A_124 = tpu.memref_slice %arg6[%dma_wait3A_122, %dma_wait3A_123] : memref<8x128xi32, #tpu.memory_space<vmem>> -> memref<1x128xi32, #tpu.memory_space<vmem>>
      %dma_wait3A_125 = tpu.memref_squeeze %dma_wait3A_124 : memref<1x128xi32, #tpu.memory_space<vmem>> -> memref<128xi32, #tpu.memory_space<vmem>>
      %dma_wait3A_126 = arith.constant 0 : i32
      %dma_wait3A_127 = arith.constant 0 : i32
      %dma_wait3A_128 = tpu.memref_slice %arg2[%dma_wait3A_126, %dma_wait3A_127] : memref<10000x128xf32, #tpu.memory_space<hbm>> -> memref<10000x128xf32, #tpu.memory_space<hbm>>
      tpu.wait_indirect_dma semaphore(%arg11 : memref<!tpu.dma_semaphore, #tpu.memory_space<semaphore_mem>>) src(%dma_wait3A_128 : memref<10000x128xf32, #tpu.memory_space<hbm>>) dst(%arg8 : memref<128x128xf32, #tpu.memory_space<vmem>>)
      %dma_start3A_129 = arith.constant 2 : i32
      %dma_start3A_130 = arith.constant 0 : i32
      %dma_start3A_131 = tpu.memref_slice %arg7[%dma_start3A_129, %dma_start3A_130] : memref<8x128xi32, #tpu.memory_space<vmem>> -> memref<1x128xi32, #tpu.memory_space<vmem>>
      %dma_start3A_132 = tpu.memref_squeeze %dma_start3A_131 : memref<1x128xi32, #tpu.memory_space<vmem>> -> memref<128xi32, #tpu.memory_space<vmem>>
      %dma_start3A_133 = arith.constant 0 : i32
      %dma_start3A_134 = arith.constant 0 : i32
      %dma_start3A_135 = tpu.memref_slice %arg10[%dma_start3A_133, %dma_start3A_134] : memref<10008x128xf32, #tpu.memory_space<vmem_shared>> -> memref<10008x128xf32, #tpu.memory_space<vmem_shared>>
      tpu.enqueue_indirect_dma source(%arg8 : memref<128x128xf32, #tpu.memory_space<vmem>>) target(%dma_start3A_135 : memref<10008x128xf32, #tpu.memory_space<vmem_shared>>) offsets(%dma_start3A_132 : memref<128xi32, #tpu.memory_space<vmem>>) semaphore(%arg13 : memref<!tpu.dma_semaphore, #tpu.memory_space<semaphore_mem>>) {add = true}
      %dma_wait3A_136 = arith.constant 3 : i32
      %dma_wait3A_137 = arith.constant 0 : i32
      %dma_wait3A_138 = tpu.memref_slice %arg6[%dma_wait3A_136, %dma_wait3A_137] : memref<8x128xi32, #tpu.memory_space<vmem>> -> memref<1x128xi32, #tpu.memory_space<vmem>>
      %dma_wait3A_139 = tpu.memref_squeeze %dma_wait3A_138 : memref<1x128xi32, #tpu.memory_space<vmem>> -> memref<128xi32, #tpu.memory_space<vmem>>
      %dma_wait3A_140 = arith.constant 0 : i32
      %dma_wait3A_141 = arith.constant 0 : i32
      %dma_wait3A_142 = tpu.memref_slice %arg2[%dma_wait3A_140, %dma_wait3A_141] : memref<10000x128xf32, #tpu.memory_space<hbm>> -> memref<10000x128xf32, #tpu.memory_space<hbm>>
      tpu.wait_indirect_dma semaphore(%arg12 : memref<!tpu.dma_semaphore, #tpu.memory_space<semaphore_mem>>) src(%dma_wait3A_142 : memref<10000x128xf32, #tpu.memory_space<hbm>>) dst(%arg9 : memref<128x128xf32, #tpu.memory_space<vmem>>)
      %dma_start3A_143 = arith.constant 3 : i32
      %dma_start3A_144 = arith.constant 0 : i32
      %dma_start3A_145 = tpu.memref_slice %arg7[%dma_start3A_143, %dma_start3A_144] : memref<8x128xi32, #tpu.memory_space<vmem>> -> memref<1x128xi32, #tpu.memory_space<vmem>>
      %dma_start3A_146 = tpu.memref_squeeze %dma_start3A_145 : memref<1x128xi32, #tpu.memory_space<vmem>> -> memref<128xi32, #tpu.memory_space<vmem>>
      %dma_start3A_147 = arith.constant 0 : i32
      %dma_start3A_148 = arith.constant 0 : i32
      %dma_start3A_149 = tpu.memref_slice %arg10[%dma_start3A_147, %dma_start3A_148] : memref<10008x128xf32, #tpu.memory_space<vmem_shared>> -> memref<10008x128xf32, #tpu.memory_space<vmem_shared>>
      tpu.enqueue_indirect_dma source(%arg9 : memref<128x128xf32, #tpu.memory_space<vmem>>) target(%dma_start3A_149 : memref<10008x128xf32, #tpu.memory_space<vmem_shared>>) offsets(%dma_start3A_146 : memref<128xi32, #tpu.memory_space<vmem>>) semaphore(%arg14 : memref<!tpu.dma_semaphore, #tpu.memory_space<semaphore_mem>>) {add = true}
      %dma_wait3A_150 = arith.constant 2 : i32
      %dma_wait3A_151 = arith.constant 0 : i32
      %dma_wait3A_152 = tpu.memref_slice %arg7[%dma_wait3A_150, %dma_wait3A_151] : memref<8x128xi32, #tpu.memory_space<vmem>> -> memref<1x128xi32, #tpu.memory_space<vmem>>
      %dma_wait3A_153 = tpu.memref_squeeze %dma_wait3A_152 : memref<1x128xi32, #tpu.memory_space<vmem>> -> memref<128xi32, #tpu.memory_space<vmem>>
      %dma_wait3A_154 = arith.constant 0 : i32
      %dma_wait3A_155 = arith.constant 0 : i32
      %dma_wait3A_156 = tpu.memref_slice %arg10[%dma_wait3A_154, %dma_wait3A_155] : memref<10008x128xf32, #tpu.memory_space<vmem_shared>> -> memref<10008x128xf32, #tpu.memory_space<vmem_shared>>
      tpu.wait_indirect_dma semaphore(%arg13 : memref<!tpu.dma_semaphore, #tpu.memory_space<semaphore_mem>>) src(%arg8 : memref<128x128xf32, #tpu.memory_space<vmem>>) dst(%dma_wait3A_156 : memref<10008x128xf32, #tpu.memory_space<vmem_shared>>)
      %dma_wait3A_157 = arith.constant 3 : i32
      %dma_wait3A_158 = arith.constant 0 : i32
      %dma_wait3A_159 = tpu.memref_slice %arg7[%dma_wait3A_157, %dma_wait3A_158] : memref<8x128xi32, #tpu.memory_space<vmem>> -> memref<1x128xi32, #tpu.memory_space<vmem>>
      %dma_wait3A_160 = tpu.memref_squeeze %dma_wait3A_159 : memref<1x128xi32, #tpu.memory_space<vmem>> -> memref<128xi32, #tpu.memory_space<vmem>>
      %dma_wait3A_161 = arith.constant 0 : i32
      %dma_wait3A_162 = arith.constant 0 : i32
      %dma_wait3A_163 = tpu.memref_slice %arg10[%dma_wait3A_161, %dma_wait3A_162] : memref<10008x128xf32, #tpu.memory_space<vmem_shared>> -> memref<10008x128xf32, #tpu.memory_space<vmem_shared>>
      tpu.wait_indirect_dma semaphore(%arg14 : memref<!tpu.dma_semaphore, #tpu.memory_space<semaphore_mem>>) src(%arg9 : memref<128x128xf32, #tpu.memory_space<vmem>>) dst(%dma_wait3A_163 : memref<10008x128xf32, #tpu.memory_space<vmem_shared>>)
      %dma_start3A_164 = arith.constant 4 : i32
      %dma_start3A_165 = arith.constant 0 : i32
      %dma_start3A_166 = tpu.memref_slice %arg6[%dma_start3A_164, %dma_start3A_165] : memref<8x128xi32, #tpu.memory_space<vmem>> -> memref<1x128xi32, #tpu.memory_space<vmem>>
      %dma_start3A_167 = tpu.memref_squeeze %dma_start3A_166 : memref<1x128xi32, #tpu.memory_space<vmem>> -> memref<128xi32, #tpu.memory_space<vmem>>
      %dma_start3A_168 = arith.constant 0 : i32
      %dma_start3A_169 = arith.constant 0 : i32
      %dma_start3A_170 = tpu.memref_slice %arg2[%dma_start3A_168, %dma_start3A_169] : memref<10000x128xf32, #tpu.memory_space<hbm>> -> memref<10000x128xf32, #tpu.memory_space<hbm>>
      tpu.enqueue_indirect_dma source(%dma_start3A_170 : memref<10000x128xf32, #tpu.memory_space<hbm>>) target(%arg8 : memref<128x128xf32, #tpu.memory_space<vmem>>) offsets(%dma_start3A_167 : memref<128xi32, #tpu.memory_space<vmem>>) semaphore(%arg11 : memref<!tpu.dma_semaphore, #tpu.memory_space<semaphore_mem>>)
      %dma_start3A_171 = arith.constant 5 : i32
      %dma_start3A_172 = arith.constant 0 : i32
      %dma_start3A_173 = tpu.memref_slice %arg6[%dma_start3A_171, %dma_start3A_172] : memref<8x128xi32, #tpu.memory_space<vmem>> -> memref<1x128xi32, #tpu.memory_space<vmem>>
      %dma_start3A_174 = tpu.memref_squeeze %dma_start3A_173 : memref<1x128xi32, #tpu.memory_space<vmem>> -> memref<128xi32, #tpu.memory_space<vmem>>
      %dma_start3A_175 = arith.constant 0 : i32
      %dma_start3A_176 = arith.constant 0 : i32
      %dma_start3A_177 = tpu.memref_slice %arg2[%dma_start3A_175, %dma_start3A_176] : memref<10000x128xf32, #tpu.memory_space<hbm>> -> memref<10000x128xf32, #tpu.memory_space<hbm>>
      tpu.enqueue_indirect_dma source(%dma_start3A_177 : memref<10000x128xf32, #tpu.memory_space<hbm>>) target(%arg9 : memref<128x128xf32, #tpu.memory_space<vmem>>) offsets(%dma_start3A_174 : memref<128xi32, #tpu.memory_space<vmem>>) semaphore(%arg12 : memref<!tpu.dma_semaphore, #tpu.memory_space<semaphore_mem>>)
      %dma_wait3A_178 = arith.constant 4 : i32
      %dma_wait3A_179 = arith.constant 0 : i32
      %dma_wait3A_180 = tpu.memref_slice %arg6[%dma_wait3A_178, %dma_wait3A_179] : memref<8x128xi32, #tpu.memory_space<vmem>> -> memref<1x128xi32, #tpu.memory_space<vmem>>
      %dma_wait3A_181 = tpu.memref_squeeze %dma_wait3A_180 : memref<1x128xi32, #tpu.memory_space<vmem>> -> memref<128xi32, #tpu.memory_space<vmem>>
      %dma_wait3A_182 = arith.constant 0 : i32
      %dma_wait3A_183 = arith.constant 0 : i32
      %dma_wait3A_184 = tpu.memref_slice %arg2[%dma_wait3A_182, %dma_wait3A_183] : memref<10000x128xf32, #tpu.memory_space<hbm>> -> memref<10000x128xf32, #tpu.memory_space<hbm>>
      tpu.wait_indirect_dma semaphore(%arg11 : memref<!tpu.dma_semaphore, #tpu.memory_space<semaphore_mem>>) src(%dma_wait3A_184 : memref<10000x128xf32, #tpu.memory_space<hbm>>) dst(%arg8 : memref<128x128xf32, #tpu.memory_space<vmem>>)
      %dma_start3A_185 = arith.constant 4 : i32
      %dma_start3A_186 = arith.constant 0 : i32
      %dma_start3A_187 = tpu.memref_slice %arg7[%dma_start3A_185, %dma_start3A_186] : memref<8x128xi32, #tpu.memory_space<vmem>> -> memref<1x128xi32, #tpu.memory_space<vmem>>
      %dma_start3A_188 = tpu.memref_squeeze %dma_start3A_187 : memref<1x128xi32, #tpu.memory_space<vmem>> -> memref<128xi32, #tpu.memory_space<vmem>>
      %dma_start3A_189 = arith.constant 0 : i32
      %dma_start3A_190 = arith.constant 0 : i32
      %dma_start3A_191 = tpu.memref_slice %arg10[%dma_start3A_189, %dma_start3A_190] : memref<10008x128xf32, #tpu.memory_space<vmem_shared>> -> memref<10008x128xf32, #tpu.memory_space<vmem_shared>>
      tpu.enqueue_indirect_dma source(%arg8 : memref<128x128xf32, #tpu.memory_space<vmem>>) target(%dma_start3A_191 : memref<10008x128xf32, #tpu.memory_space<vmem_shared>>) offsets(%dma_start3A_188 : memref<128xi32, #tpu.memory_space<vmem>>) semaphore(%arg13 : memref<!tpu.dma_semaphore, #tpu.memory_space<semaphore_mem>>) {add = true}
      %dma_wait3A_192 = arith.constant 5 : i32
      %dma_wait3A_193 = arith.constant 0 : i32
      %dma_wait3A_194 = tpu.memref_slice %arg6[%dma_wait3A_192, %dma_wait3A_193] : memref<8x128xi32, #tpu.memory_space<vmem>> -> memref<1x128xi32, #tpu.memory_space<vmem>>
      %dma_wait3A_195 = tpu.memref_squeeze %dma_wait3A_194 : memref<1x128xi32, #tpu.memory_space<vmem>> -> memref<128xi32, #tpu.memory_space<vmem>>
      %dma_wait3A_196 = arith.constant 0 : i32
      %dma_wait3A_197 = arith.constant 0 : i32
      %dma_wait3A_198 = tpu.memref_slice %arg2[%dma_wait3A_196, %dma_wait3A_197] : memref<10000x128xf32, #tpu.memory_space<hbm>> -> memref<10000x128xf32, #tpu.memory_space<hbm>>
      tpu.wait_indirect_dma semaphore(%arg12 : memref<!tpu.dma_semaphore, #tpu.memory_space<semaphore_mem>>) src(%dma_wait3A_198 : memref<10000x128xf32, #tpu.memory_space<hbm>>) dst(%arg9 : memref<128x128xf32, #tpu.memory_space<vmem>>)
      %dma_start3A_199 = arith.constant 5 : i32
      %dma_start3A_200 = arith.constant 0 : i32
      %dma_start3A_201 = tpu.memref_slice %arg7[%dma_start3A_199, %dma_start3A_200] : memref<8x128xi32, #tpu.memory_space<vmem>> -> memref<1x128xi32, #tpu.memory_space<vmem>>
      %dma_start3A_202 = tpu.memref_squeeze %dma_start3A_201 : memref<1x128xi32, #tpu.memory_space<vmem>> -> memref<128xi32, #tpu.memory_space<vmem>>
      %dma_start3A_203 = arith.constant 0 : i32
      %dma_start3A_204 = arith.constant 0 : i32
      %dma_start3A_205 = tpu.memref_slice %arg10[%dma_start3A_203, %dma_start3A_204] : memref<10008x128xf32, #tpu.memory_space<vmem_shared>> -> memref<10008x128xf32, #tpu.memory_space<vmem_shared>>
      tpu.enqueue_indirect_dma source(%arg9 : memref<128x128xf32, #tpu.memory_space<vmem>>) target(%dma_start3A_205 : memref<10008x128xf32, #tpu.memory_space<vmem_shared>>) offsets(%dma_start3A_202 : memref<128xi32, #tpu.memory_space<vmem>>) semaphore(%arg14 : memref<!tpu.dma_semaphore, #tpu.memory_space<semaphore_mem>>) {add = true}
      %dma_wait3A_206 = arith.constant 4 : i32
      %dma_wait3A_207 = arith.constant 0 : i32
      %dma_wait3A_208 = tpu.memref_slice %arg7[%dma_wait3A_206, %dma_wait3A_207] : memref<8x128xi32, #tpu.memory_space<vmem>> -> memref<1x128xi32, #tpu.memory_space<vmem>>
      %dma_wait3A_209 = tpu.memref_squeeze %dma_wait3A_208 : memref<1x128xi32, #tpu.memory_space<vmem>> -> memref<128xi32, #tpu.memory_space<vmem>>
      %dma_wait3A_210 = arith.constant 0 : i32
      %dma_wait3A_211 = arith.constant 0 : i32
      %dma_wait3A_212 = tpu.memref_slice %arg10[%dma_wait3A_210, %dma_wait3A_211] : memref<10008x128xf32, #tpu.memory_space<vmem_shared>> -> memref<10008x128xf32, #tpu.memory_space<vmem_shared>>
      tpu.wait_indirect_dma semaphore(%arg13 : memref<!tpu.dma_semaphore, #tpu.memory_space<semaphore_mem>>) src(%arg8 : memref<128x128xf32, #tpu.memory_space<vmem>>) dst(%dma_wait3A_212 : memref<10008x128xf32, #tpu.memory_space<vmem_shared>>)
      %dma_wait3A_213 = arith.constant 5 : i32
      %dma_wait3A_214 = arith.constant 0 : i32
      %dma_wait3A_215 = tpu.memref_slice %arg7[%dma_wait3A_213, %dma_wait3A_214] : memref<8x128xi32, #tpu.memory_space<vmem>> -> memref<1x128xi32, #tpu.memory_space<vmem>>
      %dma_wait3A_216 = tpu.memref_squeeze %dma_wait3A_215 : memref<1x128xi32, #tpu.memory_space<vmem>> -> memref<128xi32, #tpu.memory_space<vmem>>
      %dma_wait3A_217 = arith.constant 0 : i32
      %dma_wait3A_218 = arith.constant 0 : i32
      %dma_wait3A_219 = tpu.memref_slice %arg10[%dma_wait3A_217, %dma_wait3A_218] : memref<10008x128xf32, #tpu.memory_space<vmem_shared>> -> memref<10008x128xf32, #tpu.memory_space<vmem_shared>>
      tpu.wait_indirect_dma semaphore(%arg14 : memref<!tpu.dma_semaphore, #tpu.memory_space<semaphore_mem>>) src(%arg9 : memref<128x128xf32, #tpu.memory_space<vmem>>) dst(%dma_wait3A_219 : memref<10008x128xf32, #tpu.memory_space<vmem_shared>>)
      %dma_start3A_220 = arith.constant 6 : i32
      %dma_start3A_221 = arith.constant 0 : i32
      %dma_start3A_222 = tpu.memref_slice %arg6[%dma_start3A_220, %dma_start3A_221] : memref<8x128xi32, #tpu.memory_space<vmem>> -> memref<1x128xi32, #tpu.memory_space<vmem>>
      %dma_start3A_223 = tpu.memref_squeeze %dma_start3A_222 : memref<1x128xi32, #tpu.memory_space<vmem>> -> memref<128xi32, #tpu.memory_space<vmem>>
      %dma_start3A_224 = arith.constant 0 : i32
      %dma_start3A_225 = arith.constant 0 : i32
      %dma_start3A_226 = tpu.memref_slice %arg2[%dma_start3A_224, %dma_start3A_225] : memref<10000x128xf32, #tpu.memory_space<hbm>> -> memref<10000x128xf32, #tpu.memory_space<hbm>>
      tpu.enqueue_indirect_dma source(%dma_start3A_226 : memref<10000x128xf32, #tpu.memory_space<hbm>>) target(%arg8 : memref<128x128xf32, #tpu.memory_space<vmem>>) offsets(%dma_start3A_223 : memref<128xi32, #tpu.memory_space<vmem>>) semaphore(%arg11 : memref<!tpu.dma_semaphore, #tpu.memory_space<semaphore_mem>>)
      %dma_start3A_227 = arith.constant 7 : i32
      %dma_start3A_228 = arith.constant 0 : i32
      %dma_start3A_229 = tpu.memref_slice %arg6[%dma_start3A_227, %dma_start3A_228] : memref<8x128xi32, #tpu.memory_space<vmem>> -> memref<1x128xi32, #tpu.memory_space<vmem>>
      %dma_start3A_230 = tpu.memref_squeeze %dma_start3A_229 : memref<1x128xi32, #tpu.memory_space<vmem>> -> memref<128xi32, #tpu.memory_space<vmem>>
      %dma_start3A_231 = arith.constant 0 : i32
      %dma_start3A_232 = arith.constant 0 : i32
      %dma_start3A_233 = tpu.memref_slice %arg2[%dma_start3A_231, %dma_start3A_232] : memref<10000x128xf32, #tpu.memory_space<hbm>> -> memref<10000x128xf32, #tpu.memory_space<hbm>>
      tpu.enqueue_indirect_dma source(%dma_start3A_233 : memref<10000x128xf32, #tpu.memory_space<hbm>>) target(%arg9 : memref<128x128xf32, #tpu.memory_space<vmem>>) offsets(%dma_start3A_230 : memref<128xi32, #tpu.memory_space<vmem>>) semaphore(%arg12 : memref<!tpu.dma_semaphore, #tpu.memory_space<semaphore_mem>>)
      %dma_wait3A_234 = arith.constant 6 : i32
      %dma_wait3A_235 = arith.constant 0 : i32
      %dma_wait3A_236 = tpu.memref_slice %arg6[%dma_wait3A_234, %dma_wait3A_235] : memref<8x128xi32, #tpu.memory_space<vmem>> -> memref<1x128xi32, #tpu.memory_space<vmem>>
      %dma_wait3A_237 = tpu.memref_squeeze %dma_wait3A_236 : memref<1x128xi32, #tpu.memory_space<vmem>> -> memref<128xi32, #tpu.memory_space<vmem>>
      %dma_wait3A_238 = arith.constant 0 : i32
      %dma_wait3A_239 = arith.constant 0 : i32
      %dma_wait3A_240 = tpu.memref_slice %arg2[%dma_wait3A_238, %dma_wait3A_239] : memref<10000x128xf32, #tpu.memory_space<hbm>> -> memref<10000x128xf32, #tpu.memory_space<hbm>>
      tpu.wait_indirect_dma semaphore(%arg11 : memref<!tpu.dma_semaphore, #tpu.memory_space<semaphore_mem>>) src(%dma_wait3A_240 : memref<10000x128xf32, #tpu.memory_space<hbm>>) dst(%arg8 : memref<128x128xf32, #tpu.memory_space<vmem>>)
      %dma_start3A_241 = arith.constant 6 : i32
      %dma_start3A_242 = arith.constant 0 : i32
      %dma_start3A_243 = tpu.memref_slice %arg7[%dma_start3A_241, %dma_start3A_242] : memref<8x128xi32, #tpu.memory_space<vmem>> -> memref<1x128xi32, #tpu.memory_space<vmem>>
      %dma_start3A_244 = tpu.memref_squeeze %dma_start3A_243 : memref<1x128xi32, #tpu.memory_space<vmem>> -> memref<128xi32, #tpu.memory_space<vmem>>
      %dma_start3A_245 = arith.constant 0 : i32
      %dma_start3A_246 = arith.constant 0 : i32
      %dma_start3A_247 = tpu.memref_slice %arg10[%dma_start3A_245, %dma_start3A_246] : memref<10008x128xf32, #tpu.memory_space<vmem_shared>> -> memref<10008x128xf32, #tpu.memory_space<vmem_shared>>
      tpu.enqueue_indirect_dma source(%arg8 : memref<128x128xf32, #tpu.memory_space<vmem>>) target(%dma_start3A_247 : memref<10008x128xf32, #tpu.memory_space<vmem_shared>>) offsets(%dma_start3A_244 : memref<128xi32, #tpu.memory_space<vmem>>) semaphore(%arg13 : memref<!tpu.dma_semaphore, #tpu.memory_space<semaphore_mem>>) {add = true}
      %dma_wait3A_248 = arith.constant 7 : i32
      %dma_wait3A_249 = arith.constant 0 : i32
      %dma_wait3A_250 = tpu.memref_slice %arg6[%dma_wait3A_248, %dma_wait3A_249] : memref<8x128xi32, #tpu.memory_space<vmem>> -> memref<1x128xi32, #tpu.memory_space<vmem>>
      %dma_wait3A_251 = tpu.memref_squeeze %dma_wait3A_250 : memref<1x128xi32, #tpu.memory_space<vmem>> -> memref<128xi32, #tpu.memory_space<vmem>>
      %dma_wait3A_252 = arith.constant 0 : i32
      %dma_wait3A_253 = arith.constant 0 : i32
      %dma_wait3A_254 = tpu.memref_slice %arg2[%dma_wait3A_252, %dma_wait3A_253] : memref<10000x128xf32, #tpu.memory_space<hbm>> -> memref<10000x128xf32, #tpu.memory_space<hbm>>
      tpu.wait_indirect_dma semaphore(%arg12 : memref<!tpu.dma_semaphore, #tpu.memory_space<semaphore_mem>>) src(%dma_wait3A_254 : memref<10000x128xf32, #tpu.memory_space<hbm>>) dst(%arg9 : memref<128x128xf32, #tpu.memory_space<vmem>>)
      %dma_start3A_255 = arith.constant 7 : i32
      %dma_start3A_256 = arith.constant 0 : i32
      %dma_start3A_257 = tpu.memref_slice %arg7[%dma_start3A_255, %dma_start3A_256] : memref<8x128xi32, #tpu.memory_space<vmem>> -> memref<1x128xi32, #tpu.memory_space<vmem>>
      %dma_start3A_258 = tpu.memref_squeeze %dma_start3A_257 : memref<1x128xi32, #tpu.memory_space<vmem>> -> memref<128xi32, #tpu.memory_space<vmem>>
      %dma_start3A_259 = arith.constant 0 : i32
      %dma_start3A_260 = arith.constant 0 : i32
      %dma_start3A_261 = tpu.memref_slice %arg10[%dma_start3A_259, %dma_start3A_260] : memref<10008x128xf32, #tpu.memory_space<vmem_shared>> -> memref<10008x128xf32, #tpu.memory_space<vmem_shared>>
      tpu.enqueue_indirect_dma source(%arg9 : memref<128x128xf32, #tpu.memory_space<vmem>>) target(%dma_start3A_261 : memref<10008x128xf32, #tpu.memory_space<vmem_shared>>) offsets(%dma_start3A_258 : memref<128xi32, #tpu.memory_space<vmem>>) semaphore(%arg14 : memref<!tpu.dma_semaphore, #tpu.memory_space<semaphore_mem>>) {add = true}
      %dma_wait3A_262 = arith.constant 6 : i32
      %dma_wait3A_263 = arith.constant 0 : i32
      %dma_wait3A_264 = tpu.memref_slice %arg7[%dma_wait3A_262, %dma_wait3A_263] : memref<8x128xi32, #tpu.memory_space<vmem>> -> memref<1x128xi32, #tpu.memory_space<vmem>>
      %dma_wait3A_265 = tpu.memref_squeeze %dma_wait3A_264 : memref<1x128xi32, #tpu.memory_space<vmem>> -> memref<128xi32, #tpu.memory_space<vmem>>
      %dma_wait3A_266 = arith.constant 0 : i32
      %dma_wait3A_267 = arith.constant 0 : i32
      %dma_wait3A_268 = tpu.memref_slice %arg10[%dma_wait3A_266, %dma_wait3A_267] : memref<10008x128xf32, #tpu.memory_space<vmem_shared>> -> memref<10008x128xf32, #tpu.memory_space<vmem_shared>>
      tpu.wait_indirect_dma semaphore(%arg13 : memref<!tpu.dma_semaphore, #tpu.memory_space<semaphore_mem>>) src(%arg8 : memref<128x128xf32, #tpu.memory_space<vmem>>) dst(%dma_wait3A_268 : memref<10008x128xf32, #tpu.memory_space<vmem_shared>>)
      %dma_wait3A_269 = arith.constant 7 : i32
      %dma_wait3A_270 = arith.constant 0 : i32
      %dma_wait3A_271 = tpu.memref_slice %arg7[%dma_wait3A_269, %dma_wait3A_270] : memref<8x128xi32, #tpu.memory_space<vmem>> -> memref<1x128xi32, #tpu.memory_space<vmem>>
      %dma_wait3A_272 = tpu.memref_squeeze %dma_wait3A_271 : memref<1x128xi32, #tpu.memory_space<vmem>> -> memref<128xi32, #tpu.memory_space<vmem>>
      %dma_wait3A_273 = arith.constant 0 : i32
      %dma_wait3A_274 = arith.constant 0 : i32
      %dma_wait3A_275 = tpu.memref_slice %arg10[%dma_wait3A_273, %dma_wait3A_274] : memref<10008x128xf32, #tpu.memory_space<vmem_shared>> -> memref<10008x128xf32, #tpu.memory_space<vmem_shared>>
      tpu.wait_indirect_dma semaphore(%arg14 : memref<!tpu.dma_semaphore, #tpu.memory_space<semaphore_mem>>) src(%arg9 : memref<128x128xf32, #tpu.memory_space<vmem>>) dst(%dma_wait3A_275 : memref<10008x128xf32, #tpu.memory_space<vmem_shared>>)
    }
    %scan3A_36 = arith.constant 10 : i32
    %barrier3A_37 = arith.constant 0 : index
    tpu.barrier barrier_id(%barrier3A_37)
    %mul3A_38 = arith.constant 624 : i32
    %mul3A_39 = arith.muli %arg1, %mul3A_38 : i32
    %mul3A_40 = arith.constant 10000 : i32
    %mul3A_41 = arith.muli %arg0, %mul3A_40 : i32
    %mul3A_42 = arith.constant 624 : i32
    %mul3A_43 = arith.muli %arg1, %mul3A_42 : i32
    %add3A_44 = arith.addi %mul3A_41, %mul3A_43 : i32
    "tpu.region"() ({
      %run_scoped3A = tpu.sem_alloc : memref<!tpu.dma_semaphore, #tpu.memory_space<semaphore_mem>>
      %dma_start3A = arith.constant 0 : i32
      %dma_start3A_50 = tpu.memref_slice %arg5[%add3A_44, %dma_start3A] : memref<20000x128xf32, #tpu.memory_space<hbm>> -> memref<624x128xf32, #tpu.memory_space<hbm>>
      %dma_start3A_51 = arith.constant 0 : i32
      %dma_start3A_52 = tpu.memref_slice %arg10[%mul3A_39, %dma_start3A_51] : memref<10008x128xf32, #tpu.memory_space<vmem_shared>> -> memref<624x128xf32, #tpu.memory_space<vmem_shared>>
      tpu.enqueue_dma source(%dma_start3A_52 : memref<624x128xf32, #tpu.memory_space<vmem_shared>>) target(%dma_start3A_50 : memref<624x128xf32, #tpu.memory_space<hbm>>) target_semaphore(%run_scoped3A : memref<!tpu.dma_semaphore, #tpu.memory_space<semaphore_mem>>)
      %dma_wait3A = arith.constant 0 : i32
      %dma_wait3A_53 = tpu.memref_slice %arg5[%add3A_44, %dma_wait3A] : memref<20000x128xf32, #tpu.memory_space<hbm>> -> memref<624x128xf32, #tpu.memory_space<hbm>>
      %dma_wait3A_54 = arith.constant 0 : i32
      %dma_wait3A_55 = tpu.memref_slice %arg10[%mul3A_39, %dma_wait3A_54] : memref<10008x128xf32, #tpu.memory_space<vmem_shared>> -> memref<624x128xf32, #tpu.memory_space<vmem_shared>>
      tpu.wait_dma2 semaphore(%run_scoped3A : memref<!tpu.dma_semaphore, #tpu.memory_space<semaphore_mem>>) src(%dma_wait3A_55 : memref<624x128xf32, #tpu.memory_space<vmem_shared>>) dst(%dma_wait3A_53 : memref<624x128xf32, #tpu.memory_space<hbm>>)
      tpu.yield
    }) : () -> ()
    %eq3A_45 = arith.constant 15 : i32
    %eq3A_46 = arith.cmpi eq, %arg1, %eq3A_45 : i32
    %convert_element_type3A_47 = arith.extui %eq3A_46 : i1 to i32
    %cond3A_48 = arith.constant 0 : i32
    %cond3A_49 = arith.cmpi ne, %convert_element_type3A_47, %cond3A_48 : i32
    scf.if %cond3A_49 {
      %mul3A_50 = arith.constant 10000 : i32
      %mul3A_51 = arith.muli %arg0, %mul3A_50 : i32
      %add3A_52 = arith.constant 9984 : i32
      %add3A_53 = arith.addi %mul3A_51, %add3A_52 : i32
      "tpu.region"() ({
        %run_scoped3A = tpu.sem_alloc : memref<!tpu.dma_semaphore, #tpu.memory_space<semaphore_mem>>
        %dma_start3A = arith.constant 0 : i32
        %dma_start3A_54 = tpu.memref_slice %arg5[%add3A_53, %dma_start3A] : memref<20000x128xf32, #tpu.memory_space<hbm>> -> memref<16x128xf32, #tpu.memory_space<hbm>>
        %dma_start3A_55 = arith.constant 9984 : i32
        %dma_start3A_56 = arith.constant 0 : i32
        %dma_start3A_57 = tpu.memref_slice %arg10[%dma_start3A_55, %dma_start3A_56] : memref<10008x128xf32, #tpu.memory_space<vmem_shared>> -> memref<16x128xf32, #tpu.memory_space<vmem_shared>>
        tpu.enqueue_dma source(%dma_start3A_57 : memref<16x128xf32, #tpu.memory_space<vmem_shared>>) target(%dma_start3A_54 : memref<16x128xf32, #tpu.memory_space<hbm>>) target_semaphore(%run_scoped3A : memref<!tpu.dma_semaphore, #tpu.memory_space<semaphore_mem>>)
        %dma_wait3A = arith.constant 0 : i32
        %dma_wait3A_58 = tpu.memref_slice %arg5[%add3A_53, %dma_wait3A] : memref<20000x128xf32, #tpu.memory_space<hbm>> -> memref<16x128xf32, #tpu.memory_space<hbm>>
        %dma_wait3A_59 = arith.constant 9984 : i32
        %dma_wait3A_60 = arith.constant 0 : i32
        %dma_wait3A_61 = tpu.memref_slice %arg10[%dma_wait3A_59, %dma_wait3A_60] : memref<10008x128xf32, #tpu.memory_space<vmem_shared>> -> memref<16x128xf32, #tpu.memory_space<vmem_shared>>
        tpu.wait_dma2 semaphore(%run_scoped3A : memref<!tpu.dma_semaphore, #tpu.memory_space<semaphore_mem>>) src(%dma_wait3A_61 : memref<16x128xf32, #tpu.memory_space<vmem_shared>>) dst(%dma_wait3A_58 : memref<16x128xf32, #tpu.memory_space<hbm>>)
        tpu.yield
      }) : () -> ()
    } else {
    }
    return
  }
}

#map = affine_map<(d0, d1) -> (0, 0, 0)>
#map1 = affine_map<(d0, d1) -> (0, 0)>
module attributes {stable_mosaic.version = 14 : i64} {
  func.func @body(%arg0: i32, %arg1: i32, %arg2: memref<2x2560x128xi32, #tpu.memory_space<hbm>>, %arg3: memref<20000x128xf32, #tpu.memory_space<hbm>>, %arg4: memref<8x128xi32, #tpu.memory_space<vmem>>, %arg5: memref<128x128xf32, #tpu.memory_space<vmem>>, %arg6: memref<10008x128xf32, #tpu.memory_space<vmem_shared>>, %arg7: memref<!tpu.dma_semaphore, #tpu.memory_space<semaphore_mem>>) attributes {dimension_semantics = [#tpu.dimension_semantics<core_parallel>, #tpu.dimension_semantics<subcore_parallel>], iteration_bounds = array<i64: 2, 16>, scalar_prefetch = 0 : i64, scratch_operands = 4 : i64, tpu.core_type = #tpu.core_type<sc_vector_subcore>, window_params = [{transform_indices = #map}, {transform_indices = #map1}]} {
    %mul3A = arith.constant 16 : i32
    %mul3A_0 = arith.muli %arg0, %mul3A : i32
    %add3A = arith.addi %mul3A_0, %arg1 : i32
    %mul3A_1 = arith.constant 80 : i32
    %mul3A_2 = arith.muli %add3A, %mul3A_1 : i32
    %broadcast_in_dim3A = arith.constant 0.000000e+00 : f32
    %broadcast_in_dim3A_3 = vector.broadcast %broadcast_in_dim3A : f32 to vector<16xf32>
    %scan3A = arith.constant 0 : i32
    %scan3A_4 = arith.constant 0 : i32
    %scan3A_5 = arith.constant 128 : i32
    %scan3A_6 = arith.addi %scan3A_4, %scan3A_5 : i32
    %scan3A_7 = arith.constant 1 : i32
    scf.for %scan3A_58 = %scan3A_4 to %scan3A_6 step %scan3A_7  : i32 {
      %swap3A = arith.index_cast %scan3A_58 : i32 to index
      %swap3A_59 = arith.constant 0 : index
      %swap3A_60 = tpu.vector_load %arg5[%swap3A, %swap3A_59] {strides = array<i32>} : memref<128x128xf32, #tpu.memory_space<vmem>>, vector<1x16xf32>,
      %swap3A_61 = vector.shape_cast %swap3A_60 : vector<1x16xf32> to vector<16xf32>
      %swap3A_62 = vector.shape_cast %broadcast_in_dim3A_3 : vector<16xf32> to vector<1x16xf32>
      tpu.vector_store %arg5[%swap3A, %swap3A_59], %swap3A_62 {strides = array<i32>} : memref<128x128xf32, #tpu.memory_space<vmem>>, vector<1x16xf32>,
      %swap3A_63 = arith.index_cast %scan3A_58 : i32 to index
      %swap3A_64 = arith.constant 16 : index
      %swap3A_65 = tpu.vector_load %arg5[%swap3A_63, %swap3A_64] {strides = array<i32>} : memref<128x128xf32, #tpu.memory_space<vmem>>, vector<1x16xf32>,
      %swap3A_66 = vector.shape_cast %swap3A_65 : vector<1x16xf32> to vector<16xf32>
      %swap3A_67 = vector.shape_cast %broadcast_in_dim3A_3 : vector<16xf32> to vector<1x16xf32>
      tpu.vector_store %arg5[%swap3A_63, %swap3A_64], %swap3A_67 {strides = array<i32>} : memref<128x128xf32, #tpu.memory_space<vmem>>, vector<1x16xf32>,
      %swap3A_68 = arith.index_cast %scan3A_58 : i32 to index
      %swap3A_69 = arith.constant 32 : index
      %swap3A_70 = tpu.vector_load %arg5[%swap3A_68, %swap3A_69] {strides = array<i32>} : memref<128x128xf32, #tpu.memory_space<vmem>>, vector<1x16xf32>,
      %swap3A_71 = vector.shape_cast %swap3A_70 : vector<1x16xf32> to vector<16xf32>
      %swap3A_72 = vector.shape_cast %broadcast_in_dim3A_3 : vector<16xf32> to vector<1x16xf32>
      tpu.vector_store %arg5[%swap3A_68, %swap3A_69], %swap3A_72 {strides = array<i32>} : memref<128x128xf32, #tpu.memory_space<vmem>>, vector<1x16xf32>,
      %swap3A_73 = arith.index_cast %scan3A_58 : i32 to index
      %swap3A_74 = arith.constant 48 : index
      %swap3A_75 = tpu.vector_load %arg5[%swap3A_73, %swap3A_74] {strides = array<i32>} : memref<128x128xf32, #tpu.memory_space<vmem>>, vector<1x16xf32>,
      %swap3A_76 = vector.shape_cast %swap3A_75 : vector<1x16xf32> to vector<16xf32>
      %swap3A_77 = vector.shape_cast %broadcast_in_dim3A_3 : vector<16xf32> to vector<1x16xf32>
      tpu.vector_store %arg5[%swap3A_73, %swap3A_74], %swap3A_77 {strides = array<i32>} : memref<128x128xf32, #tpu.memory_space<vmem>>, vector<1x16xf32>,
      %swap3A_78 = arith.index_cast %scan3A_58 : i32 to index
      %swap3A_79 = arith.constant 64 : index
      %swap3A_80 = tpu.vector_load %arg5[%swap3A_78, %swap3A_79] {strides = array<i32>} : memref<128x128xf32, #tpu.memory_space<vmem>>, vector<1x16xf32>,
      %swap3A_81 = vector.shape_cast %swap3A_80 : vector<1x16xf32> to vector<16xf32>
      %swap3A_82 = vector.shape_cast %broadcast_in_dim3A_3 : vector<16xf32> to vector<1x16xf32>
      tpu.vector_store %arg5[%swap3A_78, %swap3A_79], %swap3A_82 {strides = array<i32>} : memref<128x128xf32, #tpu.memory_space<vmem>>, vector<1x16xf32>,
      %swap3A_83 = arith.index_cast %scan3A_58 : i32 to index
      %swap3A_84 = arith.constant 80 : index
      %swap3A_85 = tpu.vector_load %arg5[%swap3A_83, %swap3A_84] {strides = array<i32>} : memref<128x128xf32, #tpu.memory_space<vmem>>, vector<1x16xf32>,
      %swap3A_86 = vector.shape_cast %swap3A_85 : vector<1x16xf32> to vector<16xf32>
      %swap3A_87 = vector.shape_cast %broadcast_in_dim3A_3 : vector<16xf32> to vector<1x16xf32>
      tpu.vector_store %arg5[%swap3A_83, %swap3A_84], %swap3A_87 {strides = array<i32>} : memref<128x128xf32, #tpu.memory_space<vmem>>, vector<1x16xf32>,
      %swap3A_88 = arith.index_cast %scan3A_58 : i32 to index
      %swap3A_89 = arith.constant 96 : index
      %swap3A_90 = tpu.vector_load %arg5[%swap3A_88, %swap3A_89] {strides = array<i32>} : memref<128x128xf32, #tpu.memory_space<vmem>>, vector<1x16xf32>,
      %swap3A_91 = vector.shape_cast %swap3A_90 : vector<1x16xf32> to vector<16xf32>
      %swap3A_92 = vector.shape_cast %broadcast_in_dim3A_3 : vector<16xf32> to vector<1x16xf32>
      tpu.vector_store %arg5[%swap3A_88, %swap3A_89], %swap3A_92 {strides = array<i32>} : memref<128x128xf32, #tpu.memory_space<vmem>>, vector<1x16xf32>,
      %swap3A_93 = arith.index_cast %scan3A_58 : i32 to index
      %swap3A_94 = arith.constant 112 : index
      %swap3A_95 = tpu.vector_load %arg5[%swap3A_93, %swap3A_94] {strides = array<i32>} : memref<128x128xf32, #tpu.memory_space<vmem>>, vector<1x16xf32>,
      %swap3A_96 = vector.shape_cast %swap3A_95 : vector<1x16xf32> to vector<16xf32>
      %swap3A_97 = vector.shape_cast %broadcast_in_dim3A_3 : vector<16xf32> to vector<1x16xf32>
      tpu.vector_store %arg5[%swap3A_93, %swap3A_94], %swap3A_97 {strides = array<i32>} : memref<128x128xf32, #tpu.memory_space<vmem>>, vector<1x16xf32>,
    }
    %scan3A_8 = arith.constant 128 : i32
    %mul3A_9 = arith.constant 624 : i32
    %mul3A_10 = arith.muli %arg1, %mul3A_9 : i32
    %add3A_11 = arith.constant 0 : i32
    %add3A_12 = arith.addi %mul3A_10, %add3A_11 : i32
    "tpu.region"() ({
      %run_scoped3A = tpu.sem_alloc : memref<!tpu.dma_semaphore, #tpu.memory_space<semaphore_mem>>
      %dma_start3A = arith.constant 0 : i32
      %dma_start3A_58 = tpu.memref_slice %arg6[%add3A_12, %dma_start3A] : memref<10008x128xf32, #tpu.memory_space<vmem_shared>> -> memref<128x128xf32, #tpu.memory_space<vmem_shared>>
      %dma_start3A_59 = arith.constant 0 : i32
      %dma_start3A_60 = tpu.memref_slice %arg6[%add3A_12, %dma_start3A_59] : memref<10008x128xf32, #tpu.memory_space<vmem_shared>> -> memref<128x128xf32, #tpu.memory_space<vmem_shared>>
      tpu.enqueue_dma source(%arg5 : memref<128x128xf32, #tpu.memory_space<vmem>>) target(%dma_start3A_60 : memref<128x128xf32, #tpu.memory_space<vmem_shared>>) target_semaphore(%run_scoped3A : memref<!tpu.dma_semaphore, #tpu.memory_space<semaphore_mem>>)
      %dma_wait3A = arith.constant 0 : i32
      %dma_wait3A_61 = tpu.memref_slice %arg6[%add3A_12, %dma_wait3A] : memref<10008x128xf32, #tpu.memory_space<vmem_shared>> -> memref<128x128xf32, #tpu.memory_space<vmem_shared>>
      %dma_wait3A_62 = arith.constant 0 : i32
      %dma_wait3A_63 = tpu.memref_slice %arg6[%add3A_12, %dma_wait3A_62] : memref<10008x128xf32, #tpu.memory_space<vmem_shared>> -> memref<128x128xf32, #tpu.memory_space<vmem_shared>>
      tpu.wait_dma2 semaphore(%run_scoped3A : memref<!tpu.dma_semaphore, #tpu.memory_space<semaphore_mem>>) src(%arg5 : memref<128x128xf32, #tpu.memory_space<vmem>>) dst(%dma_wait3A_63 : memref<128x128xf32, #tpu.memory_space<vmem_shared>>)
      tpu.yield
    }) : () -> ()
    %mul3A_13 = arith.constant 624 : i32
    %mul3A_14 = arith.muli %arg1, %mul3A_13 : i32
    %add3A_15 = arith.constant 128 : i32
    %add3A_16 = arith.addi %mul3A_14, %add3A_15 : i32
    "tpu.region"() ({
      %run_scoped3A = tpu.sem_alloc : memref<!tpu.dma_semaphore, #tpu.memory_space<semaphore_mem>>
      %dma_start3A = arith.constant 0 : i32
      %dma_start3A_58 = tpu.memref_slice %arg6[%add3A_16, %dma_start3A] : memref<10008x128xf32, #tpu.memory_space<vmem_shared>> -> memref<128x128xf32, #tpu.memory_space<vmem_shared>>
      %dma_start3A_59 = arith.constant 0 : i32
      %dma_start3A_60 = tpu.memref_slice %arg6[%add3A_16, %dma_start3A_59] : memref<10008x128xf32, #tpu.memory_space<vmem_shared>> -> memref<128x128xf32, #tpu.memory_space<vmem_shared>>
      tpu.enqueue_dma source(%arg5 : memref<128x128xf32, #tpu.memory_space<vmem>>) target(%dma_start3A_60 : memref<128x128xf32, #tpu.memory_space<vmem_shared>>) target_semaphore(%run_scoped3A : memref<!tpu.dma_semaphore, #tpu.memory_space<semaphore_mem>>)
      %dma_wait3A = arith.constant 0 : i32
      %dma_wait3A_61 = tpu.memref_slice %arg6[%add3A_16, %dma_wait3A] : memref<10008x128xf32, #tpu.memory_space<vmem_shared>> -> memref<128x128xf32, #tpu.memory_space<vmem_shared>>
      %dma_wait3A_62 = arith.constant 0 : i32
      %dma_wait3A_63 = tpu.memref_slice %arg6[%add3A_16, %dma_wait3A_62] : memref<10008x128xf32, #tpu.memory_space<vmem_shared>> -> memref<128x128xf32, #tpu.memory_space<vmem_shared>>
      tpu.wait_dma2 semaphore(%run_scoped3A : memref<!tpu.dma_semaphore, #tpu.memory_space<semaphore_mem>>) src(%arg5 : memref<128x128xf32, #tpu.memory_space<vmem>>) dst(%dma_wait3A_63 : memref<128x128xf32, #tpu.memory_space<vmem_shared>>)
      tpu.yield
    }) : () -> ()
    %mul3A_17 = arith.constant 624 : i32
    %mul3A_18 = arith.muli %arg1, %mul3A_17 : i32
    %add3A_19 = arith.constant 256 : i32
    %add3A_20 = arith.addi %mul3A_18, %add3A_19 : i32
    "tpu.region"() ({
      %run_scoped3A = tpu.sem_alloc : memref<!tpu.dma_semaphore, #tpu.memory_space<semaphore_mem>>
      %dma_start3A = arith.constant 0 : i32
      %dma_start3A_58 = tpu.memref_slice %arg6[%add3A_20, %dma_start3A] : memref<10008x128xf32, #tpu.memory_space<vmem_shared>> -> memref<128x128xf32, #tpu.memory_space<vmem_shared>>
      %dma_start3A_59 = arith.constant 0 : i32
      %dma_start3A_60 = tpu.memref_slice %arg6[%add3A_20, %dma_start3A_59] : memref<10008x128xf32, #tpu.memory_space<vmem_shared>> -> memref<128x128xf32, #tpu.memory_space<vmem_shared>>
      tpu.enqueue_dma source(%arg5 : memref<128x128xf32, #tpu.memory_space<vmem>>) target(%dma_start3A_60 : memref<128x128xf32, #tpu.memory_space<vmem_shared>>) target_semaphore(%run_scoped3A : memref<!tpu.dma_semaphore, #tpu.memory_space<semaphore_mem>>)
      %dma_wait3A = arith.constant 0 : i32
      %dma_wait3A_61 = tpu.memref_slice %arg6[%add3A_20, %dma_wait3A] : memref<10008x128xf32, #tpu.memory_space<vmem_shared>> -> memref<128x128xf32, #tpu.memory_space<vmem_shared>>
      %dma_wait3A_62 = arith.constant 0 : i32
      %dma_wait3A_63 = tpu.memref_slice %arg6[%add3A_20, %dma_wait3A_62] : memref<10008x128xf32, #tpu.memory_space<vmem_shared>> -> memref<128x128xf32, #tpu.memory_space<vmem_shared>>
      tpu.wait_dma2 semaphore(%run_scoped3A : memref<!tpu.dma_semaphore, #tpu.memory_space<semaphore_mem>>) src(%arg5 : memref<128x128xf32, #tpu.memory_space<vmem>>) dst(%dma_wait3A_63 : memref<128x128xf32, #tpu.memory_space<vmem_shared>>)
      tpu.yield
    }) : () -> ()
    %mul3A_21 = arith.constant 624 : i32
    %mul3A_22 = arith.muli %arg1, %mul3A_21 : i32
    %add3A_23 = arith.constant 384 : i32
    %add3A_24 = arith.addi %mul3A_22, %add3A_23 : i32
    "tpu.region"() ({
      %run_scoped3A = tpu.sem_alloc : memref<!tpu.dma_semaphore, #tpu.memory_space<semaphore_mem>>
      %dma_start3A = arith.constant 0 : i32
      %dma_start3A_58 = tpu.memref_slice %arg6[%add3A_24, %dma_start3A] : memref<10008x128xf32, #tpu.memory_space<vmem_shared>> -> memref<128x128xf32, #tpu.memory_space<vmem_shared>>
      %dma_start3A_59 = arith.constant 0 : i32
      %dma_start3A_60 = tpu.memref_slice %arg6[%add3A_24, %dma_start3A_59] : memref<10008x128xf32, #tpu.memory_space<vmem_shared>> -> memref<128x128xf32, #tpu.memory_space<vmem_shared>>
      tpu.enqueue_dma source(%arg5 : memref<128x128xf32, #tpu.memory_space<vmem>>) target(%dma_start3A_60 : memref<128x128xf32, #tpu.memory_space<vmem_shared>>) target_semaphore(%run_scoped3A : memref<!tpu.dma_semaphore, #tpu.memory_space<semaphore_mem>>)
      %dma_wait3A = arith.constant 0 : i32
      %dma_wait3A_61 = tpu.memref_slice %arg6[%add3A_24, %dma_wait3A] : memref<10008x128xf32, #tpu.memory_space<vmem_shared>> -> memref<128x128xf32, #tpu.memory_space<vmem_shared>>
      %dma_wait3A_62 = arith.constant 0 : i32
      %dma_wait3A_63 = tpu.memref_slice %arg6[%add3A_24, %dma_wait3A_62] : memref<10008x128xf32, #tpu.memory_space<vmem_shared>> -> memref<128x128xf32, #tpu.memory_space<vmem_shared>>
      tpu.wait_dma2 semaphore(%run_scoped3A : memref<!tpu.dma_semaphore, #tpu.memory_space<semaphore_mem>>) src(%arg5 : memref<128x128xf32, #tpu.memory_space<vmem>>) dst(%dma_wait3A_63 : memref<128x128xf32, #tpu.memory_space<vmem_shared>>)
      tpu.yield
    }) : () -> ()
    %mul3A_25 = arith.constant 624 : i32
    %mul3A_26 = arith.muli %arg1, %mul3A_25 : i32
    %add3A_27 = arith.constant 512 : i32
    %add3A_28 = arith.addi %mul3A_26, %add3A_27 : i32
    "tpu.region"() ({
      %run_scoped3A = tpu.sem_alloc : memref<!tpu.dma_semaphore, #tpu.memory_space<semaphore_mem>>
      %dma_start3A = arith.constant 0 : i32
      %dma_start3A_58 = arith.constant 0 : i32
      %dma_start3A_59 = tpu.memref_slice %arg5[%dma_start3A, %dma_start3A_58] : memref<128x128xf32, #tpu.memory_space<vmem>> -> memref<112x128xf32, #tpu.memory_space<vmem>>
      %dma_start3A_60 = arith.constant 0 : i32
      %dma_start3A_61 = tpu.memref_slice %arg6[%add3A_28, %dma_start3A_60] : memref<10008x128xf32, #tpu.memory_space<vmem_shared>> -> memref<112x128xf32, #tpu.memory_space<vmem_shared>>
      %dma_start3A_62 = arith.constant 0 : i32
      %dma_start3A_63 = tpu.memref_slice %arg6[%add3A_28, %dma_start3A_62] : memref<10008x128xf32, #tpu.memory_space<vmem_shared>> -> memref<112x128xf32, #tpu.memory_space<vmem_shared>>
      %dma_start3A_64 = arith.constant 0 : i32
      %dma_start3A_65 = arith.constant 0 : i32
      %dma_start3A_66 = tpu.memref_slice %arg5[%dma_start3A_64, %dma_start3A_65] : memref<128x128xf32, #tpu.memory_space<vmem>> -> memref<112x128xf32, #tpu.memory_space<vmem>>
      tpu.enqueue_dma source(%dma_start3A_66 : memref<112x128xf32, #tpu.memory_space<vmem>>) target(%dma_start3A_63 : memref<112x128xf32, #tpu.memory_space<vmem_shared>>) target_semaphore(%run_scoped3A : memref<!tpu.dma_semaphore, #tpu.memory_space<semaphore_mem>>)
      %dma_wait3A = arith.constant 0 : i32
      %dma_wait3A_67 = arith.constant 0 : i32
      %dma_wait3A_68 = tpu.memref_slice %arg5[%dma_wait3A, %dma_wait3A_67] : memref<128x128xf32, #tpu.memory_space<vmem>> -> memref<112x128xf32, #tpu.memory_space<vmem>>
      %dma_wait3A_69 = arith.constant 0 : i32
      %dma_wait3A_70 = tpu.memref_slice %arg6[%add3A_28, %dma_wait3A_69] : memref<10008x128xf32, #tpu.memory_space<vmem_shared>> -> memref<112x128xf32, #tpu.memory_space<vmem_shared>>
      %dma_wait3A_71 = arith.constant 0 : i32
      %dma_wait3A_72 = tpu.memref_slice %arg6[%add3A_28, %dma_wait3A_71] : memref<10008x128xf32, #tpu.memory_space<vmem_shared>> -> memref<112x128xf32, #tpu.memory_space<vmem_shared>>
      %dma_wait3A_73 = arith.constant 0 : i32
      %dma_wait3A_74 = arith.constant 0 : i32
      %dma_wait3A_75 = tpu.memref_slice %arg5[%dma_wait3A_73, %dma_wait3A_74] : memref<128x128xf32, #tpu.memory_space<vmem>> -> memref<112x128xf32, #tpu.memory_space<vmem>>
      tpu.wait_dma2 semaphore(%run_scoped3A : memref<!tpu.dma_semaphore, #tpu.memory_space<semaphore_mem>>) src(%dma_wait3A_75 : memref<112x128xf32, #tpu.memory_space<vmem>>) dst(%dma_wait3A_72 : memref<112x128xf32, #tpu.memory_space<vmem_shared>>)
      tpu.yield
    }) : () -> ()
    %eq3A = arith.constant 15 : i32
    %eq3A_29 = arith.cmpi eq, %arg1, %eq3A : i32
    %convert_element_type3A = arith.extui %eq3A_29 : i1 to i32
    %cond3A = arith.constant 0 : i32
    %cond3A_30 = arith.cmpi ne, %convert_element_type3A, %cond3A : i32
    scf.if %cond3A_30 {
      "tpu.region"() ({
        %run_scoped3A = tpu.sem_alloc : memref<!tpu.dma_semaphore, #tpu.memory_space<semaphore_mem>>
        %dma_start3A = arith.constant 0 : i32
        %dma_start3A_58 = arith.constant 0 : i32
        %dma_start3A_59 = tpu.memref_slice %arg5[%dma_start3A, %dma_start3A_58] : memref<128x128xf32, #tpu.memory_space<vmem>> -> memref<24x128xf32, #tpu.memory_space<vmem>>
        %dma_start3A_60 = arith.constant 9984 : i32
        %dma_start3A_61 = arith.constant 0 : i32
        %dma_start3A_62 = tpu.memref_slice %arg6[%dma_start3A_60, %dma_start3A_61] : memref<10008x128xf32, #tpu.memory_space<vmem_shared>> -> memref<24x128xf32, #tpu.memory_space<vmem_shared>>
        %dma_start3A_63 = arith.constant 9984 : i32
        %dma_start3A_64 = arith.constant 0 : i32
        %dma_start3A_65 = tpu.memref_slice %arg6[%dma_start3A_63, %dma_start3A_64] : memref<10008x128xf32, #tpu.memory_space<vmem_shared>> -> memref<24x128xf32, #tpu.memory_space<vmem_shared>>
        %dma_start3A_66 = arith.constant 0 : i32
        %dma_start3A_67 = arith.constant 0 : i32
        %dma_start3A_68 = tpu.memref_slice %arg5[%dma_start3A_66, %dma_start3A_67] : memref<128x128xf32, #tpu.memory_space<vmem>> -> memref<24x128xf32, #tpu.memory_space<vmem>>
        tpu.enqueue_dma source(%dma_start3A_68 : memref<24x128xf32, #tpu.memory_space<vmem>>) target(%dma_start3A_65 : memref<24x128xf32, #tpu.memory_space<vmem_shared>>) target_semaphore(%run_scoped3A : memref<!tpu.dma_semaphore, #tpu.memory_space<semaphore_mem>>)
        %dma_wait3A = arith.constant 0 : i32
        %dma_wait3A_69 = arith.constant 0 : i32
        %dma_wait3A_70 = tpu.memref_slice %arg5[%dma_wait3A, %dma_wait3A_69] : memref<128x128xf32, #tpu.memory_space<vmem>> -> memref<24x128xf32, #tpu.memory_space<vmem>>
        %dma_wait3A_71 = arith.constant 9984 : i32
        %dma_wait3A_72 = arith.constant 0 : i32
        %dma_wait3A_73 = tpu.memref_slice %arg6[%dma_wait3A_71, %dma_wait3A_72] : memref<10008x128xf32, #tpu.memory_space<vmem_shared>> -> memref<24x128xf32, #tpu.memory_space<vmem_shared>>
        %dma_wait3A_74 = arith.constant 9984 : i32
        %dma_wait3A_75 = arith.constant 0 : i32
        %dma_wait3A_76 = tpu.memref_slice %arg6[%dma_wait3A_74, %dma_wait3A_75] : memref<10008x128xf32, #tpu.memory_space<vmem_shared>> -> memref<24x128xf32, #tpu.memory_space<vmem_shared>>
        %dma_wait3A_77 = arith.constant 0 : i32
        %dma_wait3A_78 = arith.constant 0 : i32
        %dma_wait3A_79 = tpu.memref_slice %arg5[%dma_wait3A_77, %dma_wait3A_78] : memref<128x128xf32, #tpu.memory_space<vmem>> -> memref<24x128xf32, #tpu.memory_space<vmem>>
        tpu.wait_dma2 semaphore(%run_scoped3A : memref<!tpu.dma_semaphore, #tpu.memory_space<semaphore_mem>>) src(%dma_wait3A_79 : memref<24x128xf32, #tpu.memory_space<vmem>>) dst(%dma_wait3A_76 : memref<24x128xf32, #tpu.memory_space<vmem_shared>>)
        tpu.yield
      }) : () -> ()
    } else {
    }
    %broadcast_in_dim3A_31 = arith.constant 1.000000e+00 : f32
    %broadcast_in_dim3A_32 = vector.broadcast %broadcast_in_dim3A_31 : f32 to vector<16xf32>
    %scan3A_33 = arith.constant 0 : i32
    %scan3A_34 = arith.constant 0 : i32
    %scan3A_35 = arith.constant 128 : i32
    %scan3A_36 = arith.addi %scan3A_34, %scan3A_35 : i32
    %scan3A_37 = arith.constant 1 : i32
    scf.for %scan3A_58 = %scan3A_34 to %scan3A_36 step %scan3A_37  : i32 {
      %swap3A = arith.index_cast %scan3A_58 : i32 to index
      %swap3A_59 = arith.constant 0 : index
      %swap3A_60 = tpu.vector_load %arg5[%swap3A, %swap3A_59] {strides = array<i32>} : memref<128x128xf32, #tpu.memory_space<vmem>>, vector<1x16xf32>,
      %swap3A_61 = vector.shape_cast %swap3A_60 : vector<1x16xf32> to vector<16xf32>
      %swap3A_62 = vector.shape_cast %broadcast_in_dim3A_32 : vector<16xf32> to vector<1x16xf32>
      tpu.vector_store %arg5[%swap3A, %swap3A_59], %swap3A_62 {strides = array<i32>} : memref<128x128xf32, #tpu.memory_space<vmem>>, vector<1x16xf32>,
      %swap3A_63 = arith.index_cast %scan3A_58 : i32 to index
      %swap3A_64 = arith.constant 16 : index
      %swap3A_65 = tpu.vector_load %arg5[%swap3A_63, %swap3A_64] {strides = array<i32>} : memref<128x128xf32, #tpu.memory_space<vmem>>, vector<1x16xf32>,
      %swap3A_66 = vector.shape_cast %swap3A_65 : vector<1x16xf32> to vector<16xf32>
      %swap3A_67 = vector.shape_cast %broadcast_in_dim3A_32 : vector<16xf32> to vector<1x16xf32>
      tpu.vector_store %arg5[%swap3A_63, %swap3A_64], %swap3A_67 {strides = array<i32>} : memref<128x128xf32, #tpu.memory_space<vmem>>, vector<1x16xf32>,
      %swap3A_68 = arith.index_cast %scan3A_58 : i32 to index
      %swap3A_69 = arith.constant 32 : index
      %swap3A_70 = tpu.vector_load %arg5[%swap3A_68, %swap3A_69] {strides = array<i32>} : memref<128x128xf32, #tpu.memory_space<vmem>>, vector<1x16xf32>,
      %swap3A_71 = vector.shape_cast %swap3A_70 : vector<1x16xf32> to vector<16xf32>
      %swap3A_72 = vector.shape_cast %broadcast_in_dim3A_32 : vector<16xf32> to vector<1x16xf32>
      tpu.vector_store %arg5[%swap3A_68, %swap3A_69], %swap3A_72 {strides = array<i32>} : memref<128x128xf32, #tpu.memory_space<vmem>>, vector<1x16xf32>,
      %swap3A_73 = arith.index_cast %scan3A_58 : i32 to index
      %swap3A_74 = arith.constant 48 : index
      %swap3A_75 = tpu.vector_load %arg5[%swap3A_73, %swap3A_74] {strides = array<i32>} : memref<128x128xf32, #tpu.memory_space<vmem>>, vector<1x16xf32>,
      %swap3A_76 = vector.shape_cast %swap3A_75 : vector<1x16xf32> to vector<16xf32>
      %swap3A_77 = vector.shape_cast %broadcast_in_dim3A_32 : vector<16xf32> to vector<1x16xf32>
      tpu.vector_store %arg5[%swap3A_73, %swap3A_74], %swap3A_77 {strides = array<i32>} : memref<128x128xf32, #tpu.memory_space<vmem>>, vector<1x16xf32>,
      %swap3A_78 = arith.index_cast %scan3A_58 : i32 to index
      %swap3A_79 = arith.constant 64 : index
      %swap3A_80 = tpu.vector_load %arg5[%swap3A_78, %swap3A_79] {strides = array<i32>} : memref<128x128xf32, #tpu.memory_space<vmem>>, vector<1x16xf32>,
      %swap3A_81 = vector.shape_cast %swap3A_80 : vector<1x16xf32> to vector<16xf32>
      %swap3A_82 = vector.shape_cast %broadcast_in_dim3A_32 : vector<16xf32> to vector<1x16xf32>
      tpu.vector_store %arg5[%swap3A_78, %swap3A_79], %swap3A_82 {strides = array<i32>} : memref<128x128xf32, #tpu.memory_space<vmem>>, vector<1x16xf32>,
      %swap3A_83 = arith.index_cast %scan3A_58 : i32 to index
      %swap3A_84 = arith.constant 80 : index
      %swap3A_85 = tpu.vector_load %arg5[%swap3A_83, %swap3A_84] {strides = array<i32>} : memref<128x128xf32, #tpu.memory_space<vmem>>, vector<1x16xf32>,
      %swap3A_86 = vector.shape_cast %swap3A_85 : vector<1x16xf32> to vector<16xf32>
      %swap3A_87 = vector.shape_cast %broadcast_in_dim3A_32 : vector<16xf32> to vector<1x16xf32>
      tpu.vector_store %arg5[%swap3A_83, %swap3A_84], %swap3A_87 {strides = array<i32>} : memref<128x128xf32, #tpu.memory_space<vmem>>, vector<1x16xf32>,
      %swap3A_88 = arith.index_cast %scan3A_58 : i32 to index
      %swap3A_89 = arith.constant 96 : index
      %swap3A_90 = tpu.vector_load %arg5[%swap3A_88, %swap3A_89] {strides = array<i32>} : memref<128x128xf32, #tpu.memory_space<vmem>>, vector<1x16xf32>,
      %swap3A_91 = vector.shape_cast %swap3A_90 : vector<1x16xf32> to vector<16xf32>
      %swap3A_92 = vector.shape_cast %broadcast_in_dim3A_32 : vector<16xf32> to vector<1x16xf32>
      tpu.vector_store %arg5[%swap3A_88, %swap3A_89], %swap3A_92 {strides = array<i32>} : memref<128x128xf32, #tpu.memory_space<vmem>>, vector<1x16xf32>,
      %swap3A_93 = arith.index_cast %scan3A_58 : i32 to index
      %swap3A_94 = arith.constant 112 : index
      %swap3A_95 = tpu.vector_load %arg5[%swap3A_93, %swap3A_94] {strides = array<i32>} : memref<128x128xf32, #tpu.memory_space<vmem>>, vector<1x16xf32>,
      %swap3A_96 = vector.shape_cast %swap3A_95 : vector<1x16xf32> to vector<16xf32>
      %swap3A_97 = vector.shape_cast %broadcast_in_dim3A_32 : vector<16xf32> to vector<1x16xf32>
      tpu.vector_store %arg5[%swap3A_93, %swap3A_94], %swap3A_97 {strides = array<i32>} : memref<128x128xf32, #tpu.memory_space<vmem>>, vector<1x16xf32>,
    }
    %scan3A_38 = arith.constant 128 : i32
    %barrier3A = arith.constant 0 : index
    tpu.barrier barrier_id(%barrier3A)
    %scan3A_39 = arith.constant 0 : i32
    %scan3A_40 = arith.constant 0 : i32
    %scan3A_41 = arith.constant 10 : i32
    %scan3A_42 = arith.addi %scan3A_40, %scan3A_41 : i32
    %scan3A_43 = arith.constant 1 : i32
    scf.for %scan3A_58 = %scan3A_40 to %scan3A_42 step %scan3A_43  : i32 {
      %mul3A_59 = arith.constant 8 : i32
      %mul3A_60 = arith.muli %scan3A_58, %mul3A_59 : i32
      %add3A_61 = arith.addi %mul3A_2, %mul3A_60 : i32
      "tpu.region"() ({
        %run_scoped3A = tpu.sem_alloc : memref<!tpu.dma_semaphore, #tpu.memory_space<semaphore_mem>>
        %dma_start3A_172 = arith.constant 0 : i32
        %dma_start3A_173 = tpu.memref_slice %arg2[%arg0, %add3A_61, %dma_start3A_172] : memref<2x2560x128xi32, #tpu.memory_space<hbm>> -> memref<1x8x128xi32, #tpu.memory_space<hbm>>
        %dma_start3A_174 = tpu.memref_squeeze %dma_start3A_173 : memref<1x8x128xi32, #tpu.memory_space<hbm>> -> memref<8x128xi32, #tpu.memory_space<hbm>>
        %dma_start3A_175 = arith.constant 0 : i32
        %dma_start3A_176 = tpu.memref_slice %arg2[%arg0, %add3A_61, %dma_start3A_175] : memref<2x2560x128xi32, #tpu.memory_space<hbm>> -> memref<1x8x128xi32, #tpu.memory_space<hbm>>
        %dma_start3A_177 = tpu.memref_squeeze %dma_start3A_176 : memref<1x8x128xi32, #tpu.memory_space<hbm>> -> memref<8x128xi32, #tpu.memory_space<hbm>>
        tpu.enqueue_dma source(%dma_start3A_177 : memref<8x128xi32, #tpu.memory_space<hbm>>) target(%arg4 : memref<8x128xi32, #tpu.memory_space<vmem>>) target_semaphore(%run_scoped3A : memref<!tpu.dma_semaphore, #tpu.memory_space<semaphore_mem>>)
        %dma_wait3A_178 = arith.constant 0 : i32
        %dma_wait3A_179 = tpu.memref_slice %arg2[%arg0, %add3A_61, %dma_wait3A_178] : memref<2x2560x128xi32, #tpu.memory_space<hbm>> -> memref<1x8x128xi32, #tpu.memory_space<hbm>>
        %dma_wait3A_180 = tpu.memref_squeeze %dma_wait3A_179 : memref<1x8x128xi32, #tpu.memory_space<hbm>> -> memref<8x128xi32, #tpu.memory_space<hbm>>
        %dma_wait3A_181 = arith.constant 0 : i32
        %dma_wait3A_182 = tpu.memref_slice %arg2[%arg0, %add3A_61, %dma_wait3A_181] : memref<2x2560x128xi32, #tpu.memory_space<hbm>> -> memref<1x8x128xi32, #tpu.memory_space<hbm>>
        %dma_wait3A_183 = tpu.memref_squeeze %dma_wait3A_182 : memref<1x8x128xi32, #tpu.memory_space<hbm>> -> memref<8x128xi32, #tpu.memory_space<hbm>>
        tpu.wait_dma2 semaphore(%run_scoped3A : memref<!tpu.dma_semaphore, #tpu.memory_space<semaphore_mem>>) src(%dma_wait3A_183 : memref<8x128xi32, #tpu.memory_space<hbm>>) dst(%arg4 : memref<8x128xi32, #tpu.memory_space<vmem>>)
        tpu.yield
      }) : () -> ()
      %dma_start3A = arith.constant 0 : i32
      %dma_start3A_62 = arith.constant 0 : i32
      %dma_start3A_63 = tpu.memref_slice %arg4[%dma_start3A, %dma_start3A_62] : memref<8x128xi32, #tpu.memory_space<vmem>> -> memref<1x128xi32, #tpu.memory_space<vmem>>
      %dma_start3A_64 = tpu.memref_squeeze %dma_start3A_63 : memref<1x128xi32, #tpu.memory_space<vmem>> -> memref<128xi32, #tpu.memory_space<vmem>>
      %dma_start3A_65 = arith.constant 0 : i32
      %dma_start3A_66 = arith.constant 0 : i32
      %dma_start3A_67 = tpu.memref_slice %arg6[%dma_start3A_65, %dma_start3A_66] : memref<10008x128xf32, #tpu.memory_space<vmem_shared>> -> memref<10008x128xf32, #tpu.memory_space<vmem_shared>>
      tpu.enqueue_indirect_dma source(%arg5 : memref<128x128xf32, #tpu.memory_space<vmem>>) target(%dma_start3A_67 : memref<10008x128xf32, #tpu.memory_space<vmem_shared>>) offsets(%dma_start3A_64 : memref<128xi32, #tpu.memory_space<vmem>>) semaphore(%arg7 : memref<!tpu.dma_semaphore, #tpu.memory_space<semaphore_mem>>) {add = true}
      %dma_start3A_68 = arith.constant 1 : i32
      %dma_start3A_69 = arith.constant 0 : i32
      %dma_start3A_70 = tpu.memref_slice %arg4[%dma_start3A_68, %dma_start3A_69] : memref<8x128xi32, #tpu.memory_space<vmem>> -> memref<1x128xi32, #tpu.memory_space<vmem>>
      %dma_start3A_71 = tpu.memref_squeeze %dma_start3A_70 : memref<1x128xi32, #tpu.memory_space<vmem>> -> memref<128xi32, #tpu.memory_space<vmem>>
      %dma_start3A_72 = arith.constant 0 : i32
      %dma_start3A_73 = arith.constant 0 : i32
      %dma_start3A_74 = tpu.memref_slice %arg6[%dma_start3A_72, %dma_start3A_73] : memref<10008x128xf32, #tpu.memory_space<vmem_shared>> -> memref<10008x128xf32, #tpu.memory_space<vmem_shared>>
      tpu.enqueue_indirect_dma source(%arg5 : memref<128x128xf32, #tpu.memory_space<vmem>>) target(%dma_start3A_74 : memref<10008x128xf32, #tpu.memory_space<vmem_shared>>) offsets(%dma_start3A_71 : memref<128xi32, #tpu.memory_space<vmem>>) semaphore(%arg7 : memref<!tpu.dma_semaphore, #tpu.memory_space<semaphore_mem>>) {add = true}
      %dma_start3A_75 = arith.constant 2 : i32
      %dma_start3A_76 = arith.constant 0 : i32
      %dma_start3A_77 = tpu.memref_slice %arg4[%dma_start3A_75, %dma_start3A_76] : memref<8x128xi32, #tpu.memory_space<vmem>> -> memref<1x128xi32, #tpu.memory_space<vmem>>
      %dma_start3A_78 = tpu.memref_squeeze %dma_start3A_77 : memref<1x128xi32, #tpu.memory_space<vmem>> -> memref<128xi32, #tpu.memory_space<vmem>>
      %dma_start3A_79 = arith.constant 0 : i32
      %dma_start3A_80 = arith.constant 0 : i32
      %dma_start3A_81 = tpu.memref_slice %arg6[%dma_start3A_79, %dma_start3A_80] : memref<10008x128xf32, #tpu.memory_space<vmem_shared>> -> memref<10008x128xf32, #tpu.memory_space<vmem_shared>>
      tpu.enqueue_indirect_dma source(%arg5 : memref<128x128xf32, #tpu.memory_space<vmem>>) target(%dma_start3A_81 : memref<10008x128xf32, #tpu.memory_space<vmem_shared>>) offsets(%dma_start3A_78 : memref<128xi32, #tpu.memory_space<vmem>>) semaphore(%arg7 : memref<!tpu.dma_semaphore, #tpu.memory_space<semaphore_mem>>) {add = true}
      %dma_start3A_82 = arith.constant 3 : i32
      %dma_start3A_83 = arith.constant 0 : i32
      %dma_start3A_84 = tpu.memref_slice %arg4[%dma_start3A_82, %dma_start3A_83] : memref<8x128xi32, #tpu.memory_space<vmem>> -> memref<1x128xi32, #tpu.memory_space<vmem>>
      %dma_start3A_85 = tpu.memref_squeeze %dma_start3A_84 : memref<1x128xi32, #tpu.memory_space<vmem>> -> memref<128xi32, #tpu.memory_space<vmem>>
      %dma_start3A_86 = arith.constant 0 : i32
      %dma_start3A_87 = arith.constant 0 : i32
      %dma_start3A_88 = tpu.memref_slice %arg6[%dma_start3A_86, %dma_start3A_87] : memref<10008x128xf32, #tpu.memory_space<vmem_shared>> -> memref<10008x128xf32, #tpu.memory_space<vmem_shared>>
      tpu.enqueue_indirect_dma source(%arg5 : memref<128x128xf32, #tpu.memory_space<vmem>>) target(%dma_start3A_88 : memref<10008x128xf32, #tpu.memory_space<vmem_shared>>) offsets(%dma_start3A_85 : memref<128xi32, #tpu.memory_space<vmem>>) semaphore(%arg7 : memref<!tpu.dma_semaphore, #tpu.memory_space<semaphore_mem>>) {add = true}
      %dma_start3A_89 = arith.constant 4 : i32
      %dma_start3A_90 = arith.constant 0 : i32
      %dma_start3A_91 = tpu.memref_slice %arg4[%dma_start3A_89, %dma_start3A_90] : memref<8x128xi32, #tpu.memory_space<vmem>> -> memref<1x128xi32, #tpu.memory_space<vmem>>
      %dma_start3A_92 = tpu.memref_squeeze %dma_start3A_91 : memref<1x128xi32, #tpu.memory_space<vmem>> -> memref<128xi32, #tpu.memory_space<vmem>>
      %dma_start3A_93 = arith.constant 0 : i32
      %dma_start3A_94 = arith.constant 0 : i32
      %dma_start3A_95 = tpu.memref_slice %arg6[%dma_start3A_93, %dma_start3A_94] : memref<10008x128xf32, #tpu.memory_space<vmem_shared>> -> memref<10008x128xf32, #tpu.memory_space<vmem_shared>>
      tpu.enqueue_indirect_dma source(%arg5 : memref<128x128xf32, #tpu.memory_space<vmem>>) target(%dma_start3A_95 : memref<10008x128xf32, #tpu.memory_space<vmem_shared>>) offsets(%dma_start3A_92 : memref<128xi32, #tpu.memory_space<vmem>>) semaphore(%arg7 : memref<!tpu.dma_semaphore, #tpu.memory_space<semaphore_mem>>) {add = true}
      %dma_start3A_96 = arith.constant 5 : i32
      %dma_start3A_97 = arith.constant 0 : i32
      %dma_start3A_98 = tpu.memref_slice %arg4[%dma_start3A_96, %dma_start3A_97] : memref<8x128xi32, #tpu.memory_space<vmem>> -> memref<1x128xi32, #tpu.memory_space<vmem>>
      %dma_start3A_99 = tpu.memref_squeeze %dma_start3A_98 : memref<1x128xi32, #tpu.memory_space<vmem>> -> memref<128xi32, #tpu.memory_space<vmem>>
      %dma_start3A_100 = arith.constant 0 : i32
      %dma_start3A_101 = arith.constant 0 : i32
      %dma_start3A_102 = tpu.memref_slice %arg6[%dma_start3A_100, %dma_start3A_101] : memref<10008x128xf32, #tpu.memory_space<vmem_shared>> -> memref<10008x128xf32, #tpu.memory_space<vmem_shared>>
      tpu.enqueue_indirect_dma source(%arg5 : memref<128x128xf32, #tpu.memory_space<vmem>>) target(%dma_start3A_102 : memref<10008x128xf32, #tpu.memory_space<vmem_shared>>) offsets(%dma_start3A_99 : memref<128xi32, #tpu.memory_space<vmem>>) semaphore(%arg7 : memref<!tpu.dma_semaphore, #tpu.memory_space<semaphore_mem>>) {add = true}
      %dma_start3A_103 = arith.constant 6 : i32
      %dma_start3A_104 = arith.constant 0 : i32
      %dma_start3A_105 = tpu.memref_slice %arg4[%dma_start3A_103, %dma_start3A_104] : memref<8x128xi32, #tpu.memory_space<vmem>> -> memref<1x128xi32, #tpu.memory_space<vmem>>
      %dma_start3A_106 = tpu.memref_squeeze %dma_start3A_105 : memref<1x128xi32, #tpu.memory_space<vmem>> -> memref<128xi32, #tpu.memory_space<vmem>>
      %dma_start3A_107 = arith.constant 0 : i32
      %dma_start3A_108 = arith.constant 0 : i32
      %dma_start3A_109 = tpu.memref_slice %arg6[%dma_start3A_107, %dma_start3A_108] : memref<10008x128xf32, #tpu.memory_space<vmem_shared>> -> memref<10008x128xf32, #tpu.memory_space<vmem_shared>>
      tpu.enqueue_indirect_dma source(%arg5 : memref<128x128xf32, #tpu.memory_space<vmem>>) target(%dma_start3A_109 : memref<10008x128xf32, #tpu.memory_space<vmem_shared>>) offsets(%dma_start3A_106 : memref<128xi32, #tpu.memory_space<vmem>>) semaphore(%arg7 : memref<!tpu.dma_semaphore, #tpu.memory_space<semaphore_mem>>) {add = true}
      %dma_start3A_110 = arith.constant 7 : i32
      %dma_start3A_111 = arith.constant 0 : i32
      %dma_start3A_112 = tpu.memref_slice %arg4[%dma_start3A_110, %dma_start3A_111] : memref<8x128xi32, #tpu.memory_space<vmem>> -> memref<1x128xi32, #tpu.memory_space<vmem>>
      %dma_start3A_113 = tpu.memref_squeeze %dma_start3A_112 : memref<1x128xi32, #tpu.memory_space<vmem>> -> memref<128xi32, #tpu.memory_space<vmem>>
      %dma_start3A_114 = arith.constant 0 : i32
      %dma_start3A_115 = arith.constant 0 : i32
      %dma_start3A_116 = tpu.memref_slice %arg6[%dma_start3A_114, %dma_start3A_115] : memref<10008x128xf32, #tpu.memory_space<vmem_shared>> -> memref<10008x128xf32, #tpu.memory_space<vmem_shared>>
      tpu.enqueue_indirect_dma source(%arg5 : memref<128x128xf32, #tpu.memory_space<vmem>>) target(%dma_start3A_116 : memref<10008x128xf32, #tpu.memory_space<vmem_shared>>) offsets(%dma_start3A_113 : memref<128xi32, #tpu.memory_space<vmem>>) semaphore(%arg7 : memref<!tpu.dma_semaphore, #tpu.memory_space<semaphore_mem>>) {add = true}
      %dma_wait3A = arith.constant 0 : i32
      %dma_wait3A_117 = arith.constant 0 : i32
      %dma_wait3A_118 = tpu.memref_slice %arg4[%dma_wait3A, %dma_wait3A_117] : memref<8x128xi32, #tpu.memory_space<vmem>> -> memref<1x128xi32, #tpu.memory_space<vmem>>
      %dma_wait3A_119 = tpu.memref_squeeze %dma_wait3A_118 : memref<1x128xi32, #tpu.memory_space<vmem>> -> memref<128xi32, #tpu.memory_space<vmem>>
      %dma_wait3A_120 = arith.constant 0 : i32
      %dma_wait3A_121 = arith.constant 0 : i32
      %dma_wait3A_122 = tpu.memref_slice %arg6[%dma_wait3A_120, %dma_wait3A_121] : memref<10008x128xf32, #tpu.memory_space<vmem_shared>> -> memref<10008x128xf32, #tpu.memory_space<vmem_shared>>
      tpu.wait_indirect_dma semaphore(%arg7 : memref<!tpu.dma_semaphore, #tpu.memory_space<semaphore_mem>>) src(%arg5 : memref<128x128xf32, #tpu.memory_space<vmem>>) dst(%dma_wait3A_122 : memref<10008x128xf32, #tpu.memory_space<vmem_shared>>)
      %dma_wait3A_123 = arith.constant 1 : i32
      %dma_wait3A_124 = arith.constant 0 : i32
      %dma_wait3A_125 = tpu.memref_slice %arg4[%dma_wait3A_123, %dma_wait3A_124] : memref<8x128xi32, #tpu.memory_space<vmem>> -> memref<1x128xi32, #tpu.memory_space<vmem>>
      %dma_wait3A_126 = tpu.memref_squeeze %dma_wait3A_125 : memref<1x128xi32, #tpu.memory_space<vmem>> -> memref<128xi32, #tpu.memory_space<vmem>>
      %dma_wait3A_127 = arith.constant 0 : i32
      %dma_wait3A_128 = arith.constant 0 : i32
      %dma_wait3A_129 = tpu.memref_slice %arg6[%dma_wait3A_127, %dma_wait3A_128] : memref<10008x128xf32, #tpu.memory_space<vmem_shared>> -> memref<10008x128xf32, #tpu.memory_space<vmem_shared>>
      tpu.wait_indirect_dma semaphore(%arg7 : memref<!tpu.dma_semaphore, #tpu.memory_space<semaphore_mem>>) src(%arg5 : memref<128x128xf32, #tpu.memory_space<vmem>>) dst(%dma_wait3A_129 : memref<10008x128xf32, #tpu.memory_space<vmem_shared>>)
      %dma_wait3A_130 = arith.constant 2 : i32
      %dma_wait3A_131 = arith.constant 0 : i32
      %dma_wait3A_132 = tpu.memref_slice %arg4[%dma_wait3A_130, %dma_wait3A_131] : memref<8x128xi32, #tpu.memory_space<vmem>> -> memref<1x128xi32, #tpu.memory_space<vmem>>
      %dma_wait3A_133 = tpu.memref_squeeze %dma_wait3A_132 : memref<1x128xi32, #tpu.memory_space<vmem>> -> memref<128xi32, #tpu.memory_space<vmem>>
      %dma_wait3A_134 = arith.constant 0 : i32
      %dma_wait3A_135 = arith.constant 0 : i32
      %dma_wait3A_136 = tpu.memref_slice %arg6[%dma_wait3A_134, %dma_wait3A_135] : memref<10008x128xf32, #tpu.memory_space<vmem_shared>> -> memref<10008x128xf32, #tpu.memory_space<vmem_shared>>
      tpu.wait_indirect_dma semaphore(%arg7 : memref<!tpu.dma_semaphore, #tpu.memory_space<semaphore_mem>>) src(%arg5 : memref<128x128xf32, #tpu.memory_space<vmem>>) dst(%dma_wait3A_136 : memref<10008x128xf32, #tpu.memory_space<vmem_shared>>)
      %dma_wait3A_137 = arith.constant 3 : i32
      %dma_wait3A_138 = arith.constant 0 : i32
      %dma_wait3A_139 = tpu.memref_slice %arg4[%dma_wait3A_137, %dma_wait3A_138] : memref<8x128xi32, #tpu.memory_space<vmem>> -> memref<1x128xi32, #tpu.memory_space<vmem>>
      %dma_wait3A_140 = tpu.memref_squeeze %dma_wait3A_139 : memref<1x128xi32, #tpu.memory_space<vmem>> -> memref<128xi32, #tpu.memory_space<vmem>>
      %dma_wait3A_141 = arith.constant 0 : i32
      %dma_wait3A_142 = arith.constant 0 : i32
      %dma_wait3A_143 = tpu.memref_slice %arg6[%dma_wait3A_141, %dma_wait3A_142] : memref<10008x128xf32, #tpu.memory_space<vmem_shared>> -> memref<10008x128xf32, #tpu.memory_space<vmem_shared>>
      tpu.wait_indirect_dma semaphore(%arg7 : memref<!tpu.dma_semaphore, #tpu.memory_space<semaphore_mem>>) src(%arg5 : memref<128x128xf32, #tpu.memory_space<vmem>>) dst(%dma_wait3A_143 : memref<10008x128xf32, #tpu.memory_space<vmem_shared>>)
      %dma_wait3A_144 = arith.constant 4 : i32
      %dma_wait3A_145 = arith.constant 0 : i32
      %dma_wait3A_146 = tpu.memref_slice %arg4[%dma_wait3A_144, %dma_wait3A_145] : memref<8x128xi32, #tpu.memory_space<vmem>> -> memref<1x128xi32, #tpu.memory_space<vmem>>
      %dma_wait3A_147 = tpu.memref_squeeze %dma_wait3A_146 : memref<1x128xi32, #tpu.memory_space<vmem>> -> memref<128xi32, #tpu.memory_space<vmem>>
      %dma_wait3A_148 = arith.constant 0 : i32
      %dma_wait3A_149 = arith.constant 0 : i32
      %dma_wait3A_150 = tpu.memref_slice %arg6[%dma_wait3A_148, %dma_wait3A_149] : memref<10008x128xf32, #tpu.memory_space<vmem_shared>> -> memref<10008x128xf32, #tpu.memory_space<vmem_shared>>
      tpu.wait_indirect_dma semaphore(%arg7 : memref<!tpu.dma_semaphore, #tpu.memory_space<semaphore_mem>>) src(%arg5 : memref<128x128xf32, #tpu.memory_space<vmem>>) dst(%dma_wait3A_150 : memref<10008x128xf32, #tpu.memory_space<vmem_shared>>)
      %dma_wait3A_151 = arith.constant 5 : i32
      %dma_wait3A_152 = arith.constant 0 : i32
      %dma_wait3A_153 = tpu.memref_slice %arg4[%dma_wait3A_151, %dma_wait3A_152] : memref<8x128xi32, #tpu.memory_space<vmem>> -> memref<1x128xi32, #tpu.memory_space<vmem>>
      %dma_wait3A_154 = tpu.memref_squeeze %dma_wait3A_153 : memref<1x128xi32, #tpu.memory_space<vmem>> -> memref<128xi32, #tpu.memory_space<vmem>>
      %dma_wait3A_155 = arith.constant 0 : i32
      %dma_wait3A_156 = arith.constant 0 : i32
      %dma_wait3A_157 = tpu.memref_slice %arg6[%dma_wait3A_155, %dma_wait3A_156] : memref<10008x128xf32, #tpu.memory_space<vmem_shared>> -> memref<10008x128xf32, #tpu.memory_space<vmem_shared>>
      tpu.wait_indirect_dma semaphore(%arg7 : memref<!tpu.dma_semaphore, #tpu.memory_space<semaphore_mem>>) src(%arg5 : memref<128x128xf32, #tpu.memory_space<vmem>>) dst(%dma_wait3A_157 : memref<10008x128xf32, #tpu.memory_space<vmem_shared>>)
      %dma_wait3A_158 = arith.constant 6 : i32
      %dma_wait3A_159 = arith.constant 0 : i32
      %dma_wait3A_160 = tpu.memref_slice %arg4[%dma_wait3A_158, %dma_wait3A_159] : memref<8x128xi32, #tpu.memory_space<vmem>> -> memref<1x128xi32, #tpu.memory_space<vmem>>
      %dma_wait3A_161 = tpu.memref_squeeze %dma_wait3A_160 : memref<1x128xi32, #tpu.memory_space<vmem>> -> memref<128xi32, #tpu.memory_space<vmem>>
      %dma_wait3A_162 = arith.constant 0 : i32
      %dma_wait3A_163 = arith.constant 0 : i32
      %dma_wait3A_164 = tpu.memref_slice %arg6[%dma_wait3A_162, %dma_wait3A_163] : memref<10008x128xf32, #tpu.memory_space<vmem_shared>> -> memref<10008x128xf32, #tpu.memory_space<vmem_shared>>
      tpu.wait_indirect_dma semaphore(%arg7 : memref<!tpu.dma_semaphore, #tpu.memory_space<semaphore_mem>>) src(%arg5 : memref<128x128xf32, #tpu.memory_space<vmem>>) dst(%dma_wait3A_164 : memref<10008x128xf32, #tpu.memory_space<vmem_shared>>)
      %dma_wait3A_165 = arith.constant 7 : i32
      %dma_wait3A_166 = arith.constant 0 : i32
      %dma_wait3A_167 = tpu.memref_slice %arg4[%dma_wait3A_165, %dma_wait3A_166] : memref<8x128xi32, #tpu.memory_space<vmem>> -> memref<1x128xi32, #tpu.memory_space<vmem>>
      %dma_wait3A_168 = tpu.memref_squeeze %dma_wait3A_167 : memref<1x128xi32, #tpu.memory_space<vmem>> -> memref<128xi32, #tpu.memory_space<vmem>>
      %dma_wait3A_169 = arith.constant 0 : i32
      %dma_wait3A_170 = arith.constant 0 : i32
      %dma_wait3A_171 = tpu.memref_slice %arg6[%dma_wait3A_169, %dma_wait3A_170] : memref<10008x128xf32, #tpu.memory_space<vmem_shared>> -> memref<10008x128xf32, #tpu.memory_space<vmem_shared>>
      tpu.wait_indirect_dma semaphore(%arg7 : memref<!tpu.dma_semaphore, #tpu.memory_space<semaphore_mem>>) src(%arg5 : memref<128x128xf32, #tpu.memory_space<vmem>>) dst(%dma_wait3A_171 : memref<10008x128xf32, #tpu.memory_space<vmem_shared>>)
    }
    %scan3A_44 = arith.constant 10 : i32
    %barrier3A_45 = arith.constant 0 : index
    tpu.barrier barrier_id(%barrier3A_45)
    %mul3A_46 = arith.constant 624 : i32
    %mul3A_47 = arith.muli %arg1, %mul3A_46 : i32
    %mul3A_48 = arith.constant 10000 : i32
    %mul3A_49 = arith.muli %arg0, %mul3A_48 : i32
    %mul3A_50 = arith.constant 624 : i32
    %mul3A_51 = arith.muli %arg1, %mul3A_50 : i32
    %add3A_52 = arith.addi %mul3A_49, %mul3A_51 : i32
    "tpu.region"() ({
      %run_scoped3A = tpu.sem_alloc : memref<!tpu.dma_semaphore, #tpu.memory_space<semaphore_mem>>
      %dma_start3A = arith.constant 0 : i32
      %dma_start3A_58 = tpu.memref_slice %arg3[%add3A_52, %dma_start3A] : memref<20000x128xf32, #tpu.memory_space<hbm>> -> memref<624x128xf32, #tpu.memory_space<hbm>>
      %dma_start3A_59 = arith.constant 0 : i32
      %dma_start3A_60 = tpu.memref_slice %arg6[%mul3A_47, %dma_start3A_59] : memref<10008x128xf32, #tpu.memory_space<vmem_shared>> -> memref<624x128xf32, #tpu.memory_space<vmem_shared>>
      tpu.enqueue_dma source(%dma_start3A_60 : memref<624x128xf32, #tpu.memory_space<vmem_shared>>) target(%dma_start3A_58 : memref<624x128xf32, #tpu.memory_space<hbm>>) target_semaphore(%run_scoped3A : memref<!tpu.dma_semaphore, #tpu.memory_space<semaphore_mem>>)
      %dma_wait3A = arith.constant 0 : i32
      %dma_wait3A_61 = tpu.memref_slice %arg3[%add3A_52, %dma_wait3A] : memref<20000x128xf32, #tpu.memory_space<hbm>> -> memref<624x128xf32, #tpu.memory_space<hbm>>
      %dma_wait3A_62 = arith.constant 0 : i32
      %dma_wait3A_63 = tpu.memref_slice %arg6[%mul3A_47, %dma_wait3A_62] : memref<10008x128xf32, #tpu.memory_space<vmem_shared>> -> memref<624x128xf32, #tpu.memory_space<vmem_shared>>
      tpu.wait_dma2 semaphore(%run_scoped3A : memref<!tpu.dma_semaphore, #tpu.memory_space<semaphore_mem>>) src(%dma_wait3A_63 : memref<624x128xf32, #tpu.memory_space<vmem_shared>>) dst(%dma_wait3A_61 : memref<624x128xf32, #tpu.memory_space<hbm>>)
      tpu.yield
    }) : () -> ()
    %eq3A_53 = arith.constant 15 : i32
    %eq3A_54 = arith.cmpi eq, %arg1, %eq3A_53 : i32
    %convert_element_type3A_55 = arith.extui %eq3A_54 : i1 to i32
    %cond3A_56 = arith.constant 0 : i32
    %cond3A_57 = arith.cmpi ne, %convert_element_type3A_55, %cond3A_56 : i32
    scf.if %cond3A_57 {
      %mul3A_58 = arith.constant 10000 : i32
      %mul3A_59 = arith.muli %arg0, %mul3A_58 : i32
      %add3A_60 = arith.constant 9984 : i32
      %add3A_61 = arith.addi %mul3A_59, %add3A_60 : i32
      "tpu.region"() ({
        %run_scoped3A = tpu.sem_alloc : memref<!tpu.dma_semaphore, #tpu.memory_space<semaphore_mem>>
        %dma_start3A = arith.constant 0 : i32
        %dma_start3A_62 = tpu.memref_slice %arg3[%add3A_61, %dma_start3A] : memref<20000x128xf32, #tpu.memory_space<hbm>> -> memref<16x128xf32, #tpu.memory_space<hbm>>
        %dma_start3A_63 = arith.constant 9984 : i32
        %dma_start3A_64 = arith.constant 0 : i32
        %dma_start3A_65 = tpu.memref_slice %arg6[%dma_start3A_63, %dma_start3A_64] : memref<10008x128xf32, #tpu.memory_space<vmem_shared>> -> memref<16x128xf32, #tpu.memory_space<vmem_shared>>
        tpu.enqueue_dma source(%dma_start3A_65 : memref<16x128xf32, #tpu.memory_space<vmem_shared>>) target(%dma_start3A_62 : memref<16x128xf32, #tpu.memory_space<hbm>>) target_semaphore(%run_scoped3A : memref<!tpu.dma_semaphore, #tpu.memory_space<semaphore_mem>>)
        %dma_wait3A = arith.constant 0 : i32
        %dma_wait3A_66 = tpu.memref_slice %arg3[%add3A_61, %dma_wait3A] : memref<20000x128xf32, #tpu.memory_space<hbm>> -> memref<16x128xf32, #tpu.memory_space<hbm>>
        %dma_wait3A_67 = arith.constant 9984 : i32
        %dma_wait3A_68 = arith.constant 0 : i32
        %dma_wait3A_69 = tpu.memref_slice %arg6[%dma_wait3A_67, %dma_wait3A_68] : memref<10008x128xf32, #tpu.memory_space<vmem_shared>> -> memref<16x128xf32, #tpu.memory_space<vmem_shared>>
        tpu.wait_dma2 semaphore(%run_scoped3A : memref<!tpu.dma_semaphore, #tpu.memory_space<semaphore_mem>>) src(%dma_wait3A_69 : memref<16x128xf32, #tpu.memory_space<vmem_shared>>) dst(%dma_wait3A_66 : memref<16x128xf32, #tpu.memory_space<hbm>>)
        tpu.yield
      }) : () -> ()
    } else {
    }
    return
  }
}

#map = affine_map<(d0, d1) -> (0, 0)>
#map1 = affine_map<(d0, d1) -> (0, 0, 0)>
module attributes {stable_mosaic.version = 14 : i64} {
  func.func @body(%arg0: i32, %arg1: i32, %arg2: memref<20000x128xf32, #tpu.memory_space<hbm>>, %arg3: memref<2x2560x128xi32, #tpu.memory_space<hbm>>, %arg4: memref<2x2560x128xi32, #tpu.memory_space<hbm>>, %arg5: memref<20000x128xf32, #tpu.memory_space<hbm>>, %arg6: memref<8x128xi32, #tpu.memory_space<vmem>>, %arg7: memref<8x128xi32, #tpu.memory_space<vmem>>, %arg8: memref<128x128xf32, #tpu.memory_space<vmem>>, %arg9: memref<128x128xf32, #tpu.memory_space<vmem>>, %arg10: memref<10008x128xf32, #tpu.memory_space<vmem_shared>>, %arg11: memref<!tpu.dma_semaphore, #tpu.memory_space<semaphore_mem>>, %arg12: memref<!tpu.dma_semaphore, #tpu.memory_space<semaphore_mem>>, %arg13: memref<!tpu.dma_semaphore, #tpu.memory_space<semaphore_mem>>, %arg14: memref<!tpu.dma_semaphore, #tpu.memory_space<semaphore_mem>>) attributes {dimension_semantics = [#tpu.dimension_semantics<core_parallel>, #tpu.dimension_semantics<subcore_parallel>], iteration_bounds = array<i64: 2, 16>, scalar_prefetch = 0 : i64, scratch_operands = 9 : i64, tpu.core_type = #tpu.core_type<sc_vector_subcore>, window_params = [{transform_indices = #map}, {transform_indices = #map1}, {transform_indices = #map1}, {transform_indices = #map}]} {
    %mul3A = arith.constant 160 : i32
    %mul3A_0 = arith.muli %arg1, %mul3A : i32
    %broadcast_in_dim3A = arith.constant 0.000000e+00 : f32
    %broadcast_in_dim3A_1 = vector.broadcast %broadcast_in_dim3A : f32 to vector<16xf32>
    %scan3A = arith.constant 0 : i32
    %scan3A_2 = arith.constant 0 : i32
    %scan3A_3 = arith.constant 128 : i32
    %scan3A_4 = arith.addi %scan3A_2, %scan3A_3 : i32
    %scan3A_5 = arith.constant 1 : i32
    scf.for %scan3A_47 = %scan3A_2 to %scan3A_4 step %scan3A_5  : i32 {
      %swap3A = arith.index_cast %scan3A_47 : i32 to index
      %swap3A_48 = arith.constant 0 : index
      %swap3A_49 = tpu.vector_load %arg8[%swap3A, %swap3A_48] {strides = array<i32>} : memref<128x128xf32, #tpu.memory_space<vmem>>, vector<1x16xf32>,
      %swap3A_50 = vector.shape_cast %swap3A_49 : vector<1x16xf32> to vector<16xf32>
      %swap3A_51 = vector.shape_cast %broadcast_in_dim3A_1 : vector<16xf32> to vector<1x16xf32>
      tpu.vector_store %arg8[%swap3A, %swap3A_48], %swap3A_51 {strides = array<i32>} : memref<128x128xf32, #tpu.memory_space<vmem>>, vector<1x16xf32>,
      %swap3A_52 = arith.index_cast %scan3A_47 : i32 to index
      %swap3A_53 = arith.constant 16 : index
      %swap3A_54 = tpu.vector_load %arg8[%swap3A_52, %swap3A_53] {strides = array<i32>} : memref<128x128xf32, #tpu.memory_space<vmem>>, vector<1x16xf32>,
      %swap3A_55 = vector.shape_cast %swap3A_54 : vector<1x16xf32> to vector<16xf32>
      %swap3A_56 = vector.shape_cast %broadcast_in_dim3A_1 : vector<16xf32> to vector<1x16xf32>
      tpu.vector_store %arg8[%swap3A_52, %swap3A_53], %swap3A_56 {strides = array<i32>} : memref<128x128xf32, #tpu.memory_space<vmem>>, vector<1x16xf32>,
      %swap3A_57 = arith.index_cast %scan3A_47 : i32 to index
      %swap3A_58 = arith.constant 32 : index
      %swap3A_59 = tpu.vector_load %arg8[%swap3A_57, %swap3A_58] {strides = array<i32>} : memref<128x128xf32, #tpu.memory_space<vmem>>, vector<1x16xf32>,
      %swap3A_60 = vector.shape_cast %swap3A_59 : vector<1x16xf32> to vector<16xf32>
      %swap3A_61 = vector.shape_cast %broadcast_in_dim3A_1 : vector<16xf32> to vector<1x16xf32>
      tpu.vector_store %arg8[%swap3A_57, %swap3A_58], %swap3A_61 {strides = array<i32>} : memref<128x128xf32, #tpu.memory_space<vmem>>, vector<1x16xf32>,
      %swap3A_62 = arith.index_cast %scan3A_47 : i32 to index
      %swap3A_63 = arith.constant 48 : index
      %swap3A_64 = tpu.vector_load %arg8[%swap3A_62, %swap3A_63] {strides = array<i32>} : memref<128x128xf32, #tpu.memory_space<vmem>>, vector<1x16xf32>,
      %swap3A_65 = vector.shape_cast %swap3A_64 : vector<1x16xf32> to vector<16xf32>
      %swap3A_66 = vector.shape_cast %broadcast_in_dim3A_1 : vector<16xf32> to vector<1x16xf32>
      tpu.vector_store %arg8[%swap3A_62, %swap3A_63], %swap3A_66 {strides = array<i32>} : memref<128x128xf32, #tpu.memory_space<vmem>>, vector<1x16xf32>,
      %swap3A_67 = arith.index_cast %scan3A_47 : i32 to index
      %swap3A_68 = arith.constant 64 : index
      %swap3A_69 = tpu.vector_load %arg8[%swap3A_67, %swap3A_68] {strides = array<i32>} : memref<128x128xf32, #tpu.memory_space<vmem>>, vector<1x16xf32>,
      %swap3A_70 = vector.shape_cast %swap3A_69 : vector<1x16xf32> to vector<16xf32>
      %swap3A_71 = vector.shape_cast %broadcast_in_dim3A_1 : vector<16xf32> to vector<1x16xf32>
      tpu.vector_store %arg8[%swap3A_67, %swap3A_68], %swap3A_71 {strides = array<i32>} : memref<128x128xf32, #tpu.memory_space<vmem>>, vector<1x16xf32>,
      %swap3A_72 = arith.index_cast %scan3A_47 : i32 to index
      %swap3A_73 = arith.constant 80 : index
      %swap3A_74 = tpu.vector_load %arg8[%swap3A_72, %swap3A_73] {strides = array<i32>} : memref<128x128xf32, #tpu.memory_space<vmem>>, vector<1x16xf32>,
      %swap3A_75 = vector.shape_cast %swap3A_74 : vector<1x16xf32> to vector<16xf32>
      %swap3A_76 = vector.shape_cast %broadcast_in_dim3A_1 : vector<16xf32> to vector<1x16xf32>
      tpu.vector_store %arg8[%swap3A_72, %swap3A_73], %swap3A_76 {strides = array<i32>} : memref<128x128xf32, #tpu.memory_space<vmem>>, vector<1x16xf32>,
      %swap3A_77 = arith.index_cast %scan3A_47 : i32 to index
      %swap3A_78 = arith.constant 96 : index
      %swap3A_79 = tpu.vector_load %arg8[%swap3A_77, %swap3A_78] {strides = array<i32>} : memref<128x128xf32, #tpu.memory_space<vmem>>, vector<1x16xf32>,
      %swap3A_80 = vector.shape_cast %swap3A_79 : vector<1x16xf32> to vector<16xf32>
      %swap3A_81 = vector.shape_cast %broadcast_in_dim3A_1 : vector<16xf32> to vector<1x16xf32>
      tpu.vector_store %arg8[%swap3A_77, %swap3A_78], %swap3A_81 {strides = array<i32>} : memref<128x128xf32, #tpu.memory_space<vmem>>, vector<1x16xf32>,
      %swap3A_82 = arith.index_cast %scan3A_47 : i32 to index
      %swap3A_83 = arith.constant 112 : index
      %swap3A_84 = tpu.vector_load %arg8[%swap3A_82, %swap3A_83] {strides = array<i32>} : memref<128x128xf32, #tpu.memory_space<vmem>>, vector<1x16xf32>,
      %swap3A_85 = vector.shape_cast %swap3A_84 : vector<1x16xf32> to vector<16xf32>
      %swap3A_86 = vector.shape_cast %broadcast_in_dim3A_1 : vector<16xf32> to vector<1x16xf32>
      tpu.vector_store %arg8[%swap3A_82, %swap3A_83], %swap3A_86 {strides = array<i32>} : memref<128x128xf32, #tpu.memory_space<vmem>>, vector<1x16xf32>,
    }
    %scan3A_6 = arith.constant 128 : i32
    %mul3A_7 = arith.constant 624 : i32
    %mul3A_8 = arith.muli %arg1, %mul3A_7 : i32
    %add3A = arith.constant 0 : i32
    %add3A_9 = arith.addi %mul3A_8, %add3A : i32
    "tpu.region"() ({
      %run_scoped3A = tpu.sem_alloc : memref<!tpu.dma_semaphore, #tpu.memory_space<semaphore_mem>>
      %dma_start3A = arith.constant 0 : i32
      %dma_start3A_47 = tpu.memref_slice %arg10[%add3A_9, %dma_start3A] : memref<10008x128xf32, #tpu.memory_space<vmem_shared>> -> memref<128x128xf32, #tpu.memory_space<vmem_shared>>
      %dma_start3A_48 = arith.constant 0 : i32
      %dma_start3A_49 = tpu.memref_slice %arg10[%add3A_9, %dma_start3A_48] : memref<10008x128xf32, #tpu.memory_space<vmem_shared>> -> memref<128x128xf32, #tpu.memory_space<vmem_shared>>
      tpu.enqueue_dma source(%arg8 : memref<128x128xf32, #tpu.memory_space<vmem>>) target(%dma_start3A_49 : memref<128x128xf32, #tpu.memory_space<vmem_shared>>) target_semaphore(%run_scoped3A : memref<!tpu.dma_semaphore, #tpu.memory_space<semaphore_mem>>)
      %dma_wait3A = arith.constant 0 : i32
      %dma_wait3A_50 = tpu.memref_slice %arg10[%add3A_9, %dma_wait3A] : memref<10008x128xf32, #tpu.memory_space<vmem_shared>> -> memref<128x128xf32, #tpu.memory_space<vmem_shared>>
      %dma_wait3A_51 = arith.constant 0 : i32
      %dma_wait3A_52 = tpu.memref_slice %arg10[%add3A_9, %dma_wait3A_51] : memref<10008x128xf32, #tpu.memory_space<vmem_shared>> -> memref<128x128xf32, #tpu.memory_space<vmem_shared>>
      tpu.wait_dma2 semaphore(%run_scoped3A : memref<!tpu.dma_semaphore, #tpu.memory_space<semaphore_mem>>) src(%arg8 : memref<128x128xf32, #tpu.memory_space<vmem>>) dst(%dma_wait3A_52 : memref<128x128xf32, #tpu.memory_space<vmem_shared>>)
      tpu.yield
    }) : () -> ()
    %mul3A_10 = arith.constant 624 : i32
    %mul3A_11 = arith.muli %arg1, %mul3A_10 : i32
    %add3A_12 = arith.constant 128 : i32
    %add3A_13 = arith.addi %mul3A_11, %add3A_12 : i32
    "tpu.region"() ({
      %run_scoped3A = tpu.sem_alloc : memref<!tpu.dma_semaphore, #tpu.memory_space<semaphore_mem>>
      %dma_start3A = arith.constant 0 : i32
      %dma_start3A_47 = tpu.memref_slice %arg10[%add3A_13, %dma_start3A] : memref<10008x128xf32, #tpu.memory_space<vmem_shared>> -> memref<128x128xf32, #tpu.memory_space<vmem_shared>>
      %dma_start3A_48 = arith.constant 0 : i32
      %dma_start3A_49 = tpu.memref_slice %arg10[%add3A_13, %dma_start3A_48] : memref<10008x128xf32, #tpu.memory_space<vmem_shared>> -> memref<128x128xf32, #tpu.memory_space<vmem_shared>>
      tpu.enqueue_dma source(%arg8 : memref<128x128xf32, #tpu.memory_space<vmem>>) target(%dma_start3A_49 : memref<128x128xf32, #tpu.memory_space<vmem_shared>>) target_semaphore(%run_scoped3A : memref<!tpu.dma_semaphore, #tpu.memory_space<semaphore_mem>>)
      %dma_wait3A = arith.constant 0 : i32
      %dma_wait3A_50 = tpu.memref_slice %arg10[%add3A_13, %dma_wait3A] : memref<10008x128xf32, #tpu.memory_space<vmem_shared>> -> memref<128x128xf32, #tpu.memory_space<vmem_shared>>
      %dma_wait3A_51 = arith.constant 0 : i32
      %dma_wait3A_52 = tpu.memref_slice %arg10[%add3A_13, %dma_wait3A_51] : memref<10008x128xf32, #tpu.memory_space<vmem_shared>> -> memref<128x128xf32, #tpu.memory_space<vmem_shared>>
      tpu.wait_dma2 semaphore(%run_scoped3A : memref<!tpu.dma_semaphore, #tpu.memory_space<semaphore_mem>>) src(%arg8 : memref<128x128xf32, #tpu.memory_space<vmem>>) dst(%dma_wait3A_52 : memref<128x128xf32, #tpu.memory_space<vmem_shared>>)
      tpu.yield
    }) : () -> ()
    %mul3A_14 = arith.constant 624 : i32
    %mul3A_15 = arith.muli %arg1, %mul3A_14 : i32
    %add3A_16 = arith.constant 256 : i32
    %add3A_17 = arith.addi %mul3A_15, %add3A_16 : i32
    "tpu.region"() ({
      %run_scoped3A = tpu.sem_alloc : memref<!tpu.dma_semaphore, #tpu.memory_space<semaphore_mem>>
      %dma_start3A = arith.constant 0 : i32
      %dma_start3A_47 = tpu.memref_slice %arg10[%add3A_17, %dma_start3A] : memref<10008x128xf32, #tpu.memory_space<vmem_shared>> -> memref<128x128xf32, #tpu.memory_space<vmem_shared>>
      %dma_start3A_48 = arith.constant 0 : i32
      %dma_start3A_49 = tpu.memref_slice %arg10[%add3A_17, %dma_start3A_48] : memref<10008x128xf32, #tpu.memory_space<vmem_shared>> -> memref<128x128xf32, #tpu.memory_space<vmem_shared>>
      tpu.enqueue_dma source(%arg8 : memref<128x128xf32, #tpu.memory_space<vmem>>) target(%dma_start3A_49 : memref<128x128xf32, #tpu.memory_space<vmem_shared>>) target_semaphore(%run_scoped3A : memref<!tpu.dma_semaphore, #tpu.memory_space<semaphore_mem>>)
      %dma_wait3A = arith.constant 0 : i32
      %dma_wait3A_50 = tpu.memref_slice %arg10[%add3A_17, %dma_wait3A] : memref<10008x128xf32, #tpu.memory_space<vmem_shared>> -> memref<128x128xf32, #tpu.memory_space<vmem_shared>>
      %dma_wait3A_51 = arith.constant 0 : i32
      %dma_wait3A_52 = tpu.memref_slice %arg10[%add3A_17, %dma_wait3A_51] : memref<10008x128xf32, #tpu.memory_space<vmem_shared>> -> memref<128x128xf32, #tpu.memory_space<vmem_shared>>
      tpu.wait_dma2 semaphore(%run_scoped3A : memref<!tpu.dma_semaphore, #tpu.memory_space<semaphore_mem>>) src(%arg8 : memref<128x128xf32, #tpu.memory_space<vmem>>) dst(%dma_wait3A_52 : memref<128x128xf32, #tpu.memory_space<vmem_shared>>)
      tpu.yield
    }) : () -> ()
    %mul3A_18 = arith.constant 624 : i32
    %mul3A_19 = arith.muli %arg1, %mul3A_18 : i32
    %add3A_20 = arith.constant 384 : i32
    %add3A_21 = arith.addi %mul3A_19, %add3A_20 : i32
    "tpu.region"() ({
      %run_scoped3A = tpu.sem_alloc : memref<!tpu.dma_semaphore, #tpu.memory_space<semaphore_mem>>
      %dma_start3A = arith.constant 0 : i32
      %dma_start3A_47 = tpu.memref_slice %arg10[%add3A_21, %dma_start3A] : memref<10008x128xf32, #tpu.memory_space<vmem_shared>> -> memref<128x128xf32, #tpu.memory_space<vmem_shared>>
      %dma_start3A_48 = arith.constant 0 : i32
      %dma_start3A_49 = tpu.memref_slice %arg10[%add3A_21, %dma_start3A_48] : memref<10008x128xf32, #tpu.memory_space<vmem_shared>> -> memref<128x128xf32, #tpu.memory_space<vmem_shared>>
      tpu.enqueue_dma source(%arg8 : memref<128x128xf32, #tpu.memory_space<vmem>>) target(%dma_start3A_49 : memref<128x128xf32, #tpu.memory_space<vmem_shared>>) target_semaphore(%run_scoped3A : memref<!tpu.dma_semaphore, #tpu.memory_space<semaphore_mem>>)
      %dma_wait3A = arith.constant 0 : i32
      %dma_wait3A_50 = tpu.memref_slice %arg10[%add3A_21, %dma_wait3A] : memref<10008x128xf32, #tpu.memory_space<vmem_shared>> -> memref<128x128xf32, #tpu.memory_space<vmem_shared>>
      %dma_wait3A_51 = arith.constant 0 : i32
      %dma_wait3A_52 = tpu.memref_slice %arg10[%add3A_21, %dma_wait3A_51] : memref<10008x128xf32, #tpu.memory_space<vmem_shared>> -> memref<128x128xf32, #tpu.memory_space<vmem_shared>>
      tpu.wait_dma2 semaphore(%run_scoped3A : memref<!tpu.dma_semaphore, #tpu.memory_space<semaphore_mem>>) src(%arg8 : memref<128x128xf32, #tpu.memory_space<vmem>>) dst(%dma_wait3A_52 : memref<128x128xf32, #tpu.memory_space<vmem_shared>>)
      tpu.yield
    }) : () -> ()
    %mul3A_22 = arith.constant 624 : i32
    %mul3A_23 = arith.muli %arg1, %mul3A_22 : i32
    %add3A_24 = arith.constant 512 : i32
    %add3A_25 = arith.addi %mul3A_23, %add3A_24 : i32
    "tpu.region"() ({
      %run_scoped3A = tpu.sem_alloc : memref<!tpu.dma_semaphore, #tpu.memory_space<semaphore_mem>>
      %dma_start3A = arith.constant 0 : i32
      %dma_start3A_47 = arith.constant 0 : i32
      %dma_start3A_48 = tpu.memref_slice %arg8[%dma_start3A, %dma_start3A_47] : memref<128x128xf32, #tpu.memory_space<vmem>> -> memref<112x128xf32, #tpu.memory_space<vmem>>
      %dma_start3A_49 = arith.constant 0 : i32
      %dma_start3A_50 = tpu.memref_slice %arg10[%add3A_25, %dma_start3A_49] : memref<10008x128xf32, #tpu.memory_space<vmem_shared>> -> memref<112x128xf32, #tpu.memory_space<vmem_shared>>
      %dma_start3A_51 = arith.constant 0 : i32
      %dma_start3A_52 = tpu.memref_slice %arg10[%add3A_25, %dma_start3A_51] : memref<10008x128xf32, #tpu.memory_space<vmem_shared>> -> memref<112x128xf32, #tpu.memory_space<vmem_shared>>
      %dma_start3A_53 = arith.constant 0 : i32
      %dma_start3A_54 = arith.constant 0 : i32
      %dma_start3A_55 = tpu.memref_slice %arg8[%dma_start3A_53, %dma_start3A_54] : memref<128x128xf32, #tpu.memory_space<vmem>> -> memref<112x128xf32, #tpu.memory_space<vmem>>
      tpu.enqueue_dma source(%dma_start3A_55 : memref<112x128xf32, #tpu.memory_space<vmem>>) target(%dma_start3A_52 : memref<112x128xf32, #tpu.memory_space<vmem_shared>>) target_semaphore(%run_scoped3A : memref<!tpu.dma_semaphore, #tpu.memory_space<semaphore_mem>>)
      %dma_wait3A = arith.constant 0 : i32
      %dma_wait3A_56 = arith.constant 0 : i32
      %dma_wait3A_57 = tpu.memref_slice %arg8[%dma_wait3A, %dma_wait3A_56] : memref<128x128xf32, #tpu.memory_space<vmem>> -> memref<112x128xf32, #tpu.memory_space<vmem>>
      %dma_wait3A_58 = arith.constant 0 : i32
      %dma_wait3A_59 = tpu.memref_slice %arg10[%add3A_25, %dma_wait3A_58] : memref<10008x128xf32, #tpu.memory_space<vmem_shared>> -> memref<112x128xf32, #tpu.memory_space<vmem_shared>>
      %dma_wait3A_60 = arith.constant 0 : i32
      %dma_wait3A_61 = tpu.memref_slice %arg10[%add3A_25, %dma_wait3A_60] : memref<10008x128xf32, #tpu.memory_space<vmem_shared>> -> memref<112x128xf32, #tpu.memory_space<vmem_shared>>
      %dma_wait3A_62 = arith.constant 0 : i32
      %dma_wait3A_63 = arith.constant 0 : i32
      %dma_wait3A_64 = tpu.memref_slice %arg8[%dma_wait3A_62, %dma_wait3A_63] : memref<128x128xf32, #tpu.memory_space<vmem>> -> memref<112x128xf32, #tpu.memory_space<vmem>>
      tpu.wait_dma2 semaphore(%run_scoped3A : memref<!tpu.dma_semaphore, #tpu.memory_space<semaphore_mem>>) src(%dma_wait3A_64 : memref<112x128xf32, #tpu.memory_space<vmem>>) dst(%dma_wait3A_61 : memref<112x128xf32, #tpu.memory_space<vmem_shared>>)
      tpu.yield
    }) : () -> ()
    %eq3A = arith.constant 15 : i32
    %eq3A_26 = arith.cmpi eq, %arg1, %eq3A : i32
    %convert_element_type3A = arith.extui %eq3A_26 : i1 to i32
    %cond3A = arith.constant 0 : i32
    %cond3A_27 = arith.cmpi ne, %convert_element_type3A, %cond3A : i32
    scf.if %cond3A_27 {
      "tpu.region"() ({
        %run_scoped3A = tpu.sem_alloc : memref<!tpu.dma_semaphore, #tpu.memory_space<semaphore_mem>>
        %dma_start3A = arith.constant 0 : i32
        %dma_start3A_47 = arith.constant 0 : i32
        %dma_start3A_48 = tpu.memref_slice %arg8[%dma_start3A, %dma_start3A_47] : memref<128x128xf32, #tpu.memory_space<vmem>> -> memref<24x128xf32, #tpu.memory_space<vmem>>
        %dma_start3A_49 = arith.constant 9984 : i32
        %dma_start3A_50 = arith.constant 0 : i32
        %dma_start3A_51 = tpu.memref_slice %arg10[%dma_start3A_49, %dma_start3A_50] : memref<10008x128xf32, #tpu.memory_space<vmem_shared>> -> memref<24x128xf32, #tpu.memory_space<vmem_shared>>
        %dma_start3A_52 = arith.constant 9984 : i32
        %dma_start3A_53 = arith.constant 0 : i32
        %dma_start3A_54 = tpu.memref_slice %arg10[%dma_start3A_52, %dma_start3A_53] : memref<10008x128xf32, #tpu.memory_space<vmem_shared>> -> memref<24x128xf32, #tpu.memory_space<vmem_shared>>
        %dma_start3A_55 = arith.constant 0 : i32
        %dma_start3A_56 = arith.constant 0 : i32
        %dma_start3A_57 = tpu.memref_slice %arg8[%dma_start3A_55, %dma_start3A_56] : memref<128x128xf32, #tpu.memory_space<vmem>> -> memref<24x128xf32, #tpu.memory_space<vmem>>
        tpu.enqueue_dma source(%dma_start3A_57 : memref<24x128xf32, #tpu.memory_space<vmem>>) target(%dma_start3A_54 : memref<24x128xf32, #tpu.memory_space<vmem_shared>>) target_semaphore(%run_scoped3A : memref<!tpu.dma_semaphore, #tpu.memory_space<semaphore_mem>>)
        %dma_wait3A = arith.constant 0 : i32
        %dma_wait3A_58 = arith.constant 0 : i32
        %dma_wait3A_59 = tpu.memref_slice %arg8[%dma_wait3A, %dma_wait3A_58] : memref<128x128xf32, #tpu.memory_space<vmem>> -> memref<24x128xf32, #tpu.memory_space<vmem>>
        %dma_wait3A_60 = arith.constant 9984 : i32
        %dma_wait3A_61 = arith.constant 0 : i32
        %dma_wait3A_62 = tpu.memref_slice %arg10[%dma_wait3A_60, %dma_wait3A_61] : memref<10008x128xf32, #tpu.memory_space<vmem_shared>> -> memref<24x128xf32, #tpu.memory_space<vmem_shared>>
        %dma_wait3A_63 = arith.constant 9984 : i32
        %dma_wait3A_64 = arith.constant 0 : i32
        %dma_wait3A_65 = tpu.memref_slice %arg10[%dma_wait3A_63, %dma_wait3A_64] : memref<10008x128xf32, #tpu.memory_space<vmem_shared>> -> memref<24x128xf32, #tpu.memory_space<vmem_shared>>
        %dma_wait3A_66 = arith.constant 0 : i32
        %dma_wait3A_67 = arith.constant 0 : i32
        %dma_wait3A_68 = tpu.memref_slice %arg8[%dma_wait3A_66, %dma_wait3A_67] : memref<128x128xf32, #tpu.memory_space<vmem>> -> memref<24x128xf32, #tpu.memory_space<vmem>>
        tpu.wait_dma2 semaphore(%run_scoped3A : memref<!tpu.dma_semaphore, #tpu.memory_space<semaphore_mem>>) src(%dma_wait3A_68 : memref<24x128xf32, #tpu.memory_space<vmem>>) dst(%dma_wait3A_65 : memref<24x128xf32, #tpu.memory_space<vmem_shared>>)
        tpu.yield
      }) : () -> ()
    } else {
    }
    %barrier3A = arith.constant 0 : index
    tpu.barrier barrier_id(%barrier3A)
    %scan3A_28 = arith.constant 0 : i32
    %scan3A_29 = arith.constant 0 : i32
    %scan3A_30 = arith.constant 20 : i32
    %scan3A_31 = arith.addi %scan3A_29, %scan3A_30 : i32
    %scan3A_32 = arith.constant 1 : i32
    scf.for %scan3A_47 = %scan3A_29 to %scan3A_31 step %scan3A_32  : i32 {
      %mul3A_48 = arith.constant 8 : i32
      %mul3A_49 = arith.muli %scan3A_47, %mul3A_48 : i32
      %add3A_50 = arith.addi %mul3A_0, %mul3A_49 : i32
      "tpu.region"() ({
        %run_scoped3A = tpu.sem_alloc : memref<!tpu.dma_semaphore, #tpu.memory_space<semaphore_mem>>
        %dma_start3A_273 = arith.constant 0 : i32
        %dma_start3A_274 = tpu.memref_slice %arg3[%arg0, %add3A_50, %dma_start3A_273] : memref<2x2560x128xi32, #tpu.memory_space<hbm>> -> memref<1x8x128xi32, #tpu.memory_space<hbm>>
        %dma_start3A_275 = tpu.memref_squeeze %dma_start3A_274 : memref<1x8x128xi32, #tpu.memory_space<hbm>> -> memref<8x128xi32, #tpu.memory_space<hbm>>
        %dma_start3A_276 = arith.constant 0 : i32
        %dma_start3A_277 = tpu.memref_slice %arg3[%arg0, %add3A_50, %dma_start3A_276] : memref<2x2560x128xi32, #tpu.memory_space<hbm>> -> memref<1x8x128xi32, #tpu.memory_space<hbm>>
        %dma_start3A_278 = tpu.memref_squeeze %dma_start3A_277 : memref<1x8x128xi32, #tpu.memory_space<hbm>> -> memref<8x128xi32, #tpu.memory_space<hbm>>
        tpu.enqueue_dma source(%dma_start3A_278 : memref<8x128xi32, #tpu.memory_space<hbm>>) target(%arg6 : memref<8x128xi32, #tpu.memory_space<vmem>>) target_semaphore(%run_scoped3A : memref<!tpu.dma_semaphore, #tpu.memory_space<semaphore_mem>>)
        %dma_wait3A_279 = arith.constant 0 : i32
        %dma_wait3A_280 = tpu.memref_slice %arg3[%arg0, %add3A_50, %dma_wait3A_279] : memref<2x2560x128xi32, #tpu.memory_space<hbm>> -> memref<1x8x128xi32, #tpu.memory_space<hbm>>
        %dma_wait3A_281 = tpu.memref_squeeze %dma_wait3A_280 : memref<1x8x128xi32, #tpu.memory_space<hbm>> -> memref<8x128xi32, #tpu.memory_space<hbm>>
        %dma_wait3A_282 = arith.constant 0 : i32
        %dma_wait3A_283 = tpu.memref_slice %arg3[%arg0, %add3A_50, %dma_wait3A_282] : memref<2x2560x128xi32, #tpu.memory_space<hbm>> -> memref<1x8x128xi32, #tpu.memory_space<hbm>>
        %dma_wait3A_284 = tpu.memref_squeeze %dma_wait3A_283 : memref<1x8x128xi32, #tpu.memory_space<hbm>> -> memref<8x128xi32, #tpu.memory_space<hbm>>
        tpu.wait_dma2 semaphore(%run_scoped3A : memref<!tpu.dma_semaphore, #tpu.memory_space<semaphore_mem>>) src(%dma_wait3A_284 : memref<8x128xi32, #tpu.memory_space<hbm>>) dst(%arg6 : memref<8x128xi32, #tpu.memory_space<vmem>>)
        tpu.yield
      }) : () -> ()
      "tpu.region"() ({
        %run_scoped3A = tpu.sem_alloc : memref<!tpu.dma_semaphore, #tpu.memory_space<semaphore_mem>>
        %dma_start3A_273 = arith.constant 0 : i32
        %dma_start3A_274 = tpu.memref_slice %arg4[%arg0, %add3A_50, %dma_start3A_273] : memref<2x2560x128xi32, #tpu.memory_space<hbm>> -> memref<1x8x128xi32, #tpu.memory_space<hbm>>
        %dma_start3A_275 = tpu.memref_squeeze %dma_start3A_274 : memref<1x8x128xi32, #tpu.memory_space<hbm>> -> memref<8x128xi32, #tpu.memory_space<hbm>>
        %dma_start3A_276 = arith.constant 0 : i32
        %dma_start3A_277 = tpu.memref_slice %arg4[%arg0, %add3A_50, %dma_start3A_276] : memref<2x2560x128xi32, #tpu.memory_space<hbm>> -> memref<1x8x128xi32, #tpu.memory_space<hbm>>
        %dma_start3A_278 = tpu.memref_squeeze %dma_start3A_277 : memref<1x8x128xi32, #tpu.memory_space<hbm>> -> memref<8x128xi32, #tpu.memory_space<hbm>>
        tpu.enqueue_dma source(%dma_start3A_278 : memref<8x128xi32, #tpu.memory_space<hbm>>) target(%arg7 : memref<8x128xi32, #tpu.memory_space<vmem>>) target_semaphore(%run_scoped3A : memref<!tpu.dma_semaphore, #tpu.memory_space<semaphore_mem>>)
        %dma_wait3A_279 = arith.constant 0 : i32
        %dma_wait3A_280 = tpu.memref_slice %arg4[%arg0, %add3A_50, %dma_wait3A_279] : memref<2x2560x128xi32, #tpu.memory_space<hbm>> -> memref<1x8x128xi32, #tpu.memory_space<hbm>>
        %dma_wait3A_281 = tpu.memref_squeeze %dma_wait3A_280 : memref<1x8x128xi32, #tpu.memory_space<hbm>> -> memref<8x128xi32, #tpu.memory_space<hbm>>
        %dma_wait3A_282 = arith.constant 0 : i32
        %dma_wait3A_283 = tpu.memref_slice %arg4[%arg0, %add3A_50, %dma_wait3A_282] : memref<2x2560x128xi32, #tpu.memory_space<hbm>> -> memref<1x8x128xi32, #tpu.memory_space<hbm>>
        %dma_wait3A_284 = tpu.memref_squeeze %dma_wait3A_283 : memref<1x8x128xi32, #tpu.memory_space<hbm>> -> memref<8x128xi32, #tpu.memory_space<hbm>>
        tpu.wait_dma2 semaphore(%run_scoped3A : memref<!tpu.dma_semaphore, #tpu.memory_space<semaphore_mem>>) src(%dma_wait3A_284 : memref<8x128xi32, #tpu.memory_space<hbm>>) dst(%arg7 : memref<8x128xi32, #tpu.memory_space<vmem>>)
        tpu.yield
      }) : () -> ()
      %dma_start3A = arith.constant 0 : i32
      %dma_start3A_51 = arith.constant 0 : i32
      %dma_start3A_52 = tpu.memref_slice %arg6[%dma_start3A, %dma_start3A_51] : memref<8x128xi32, #tpu.memory_space<vmem>> -> memref<1x128xi32, #tpu.memory_space<vmem>>
      %dma_start3A_53 = tpu.memref_squeeze %dma_start3A_52 : memref<1x128xi32, #tpu.memory_space<vmem>> -> memref<128xi32, #tpu.memory_space<vmem>>
      %dma_start3A_54 = arith.constant 0 : i32
      %dma_start3A_55 = arith.constant 0 : i32
      %dma_start3A_56 = tpu.memref_slice %arg2[%dma_start3A_54, %dma_start3A_55] : memref<20000x128xf32, #tpu.memory_space<hbm>> -> memref<20000x128xf32, #tpu.memory_space<hbm>>
      tpu.enqueue_indirect_dma source(%dma_start3A_56 : memref<20000x128xf32, #tpu.memory_space<hbm>>) target(%arg8 : memref<128x128xf32, #tpu.memory_space<vmem>>) offsets(%dma_start3A_53 : memref<128xi32, #tpu.memory_space<vmem>>) semaphore(%arg11 : memref<!tpu.dma_semaphore, #tpu.memory_space<semaphore_mem>>)
      %dma_start3A_57 = arith.constant 1 : i32
      %dma_start3A_58 = arith.constant 0 : i32
      %dma_start3A_59 = tpu.memref_slice %arg6[%dma_start3A_57, %dma_start3A_58] : memref<8x128xi32, #tpu.memory_space<vmem>> -> memref<1x128xi32, #tpu.memory_space<vmem>>
      %dma_start3A_60 = tpu.memref_squeeze %dma_start3A_59 : memref<1x128xi32, #tpu.memory_space<vmem>> -> memref<128xi32, #tpu.memory_space<vmem>>
      %dma_start3A_61 = arith.constant 0 : i32
      %dma_start3A_62 = arith.constant 0 : i32
      %dma_start3A_63 = tpu.memref_slice %arg2[%dma_start3A_61, %dma_start3A_62] : memref<20000x128xf32, #tpu.memory_space<hbm>> -> memref<20000x128xf32, #tpu.memory_space<hbm>>
      tpu.enqueue_indirect_dma source(%dma_start3A_63 : memref<20000x128xf32, #tpu.memory_space<hbm>>) target(%arg9 : memref<128x128xf32, #tpu.memory_space<vmem>>) offsets(%dma_start3A_60 : memref<128xi32, #tpu.memory_space<vmem>>) semaphore(%arg12 : memref<!tpu.dma_semaphore, #tpu.memory_space<semaphore_mem>>)
      %dma_wait3A = arith.constant 0 : i32
      %dma_wait3A_64 = arith.constant 0 : i32
      %dma_wait3A_65 = tpu.memref_slice %arg6[%dma_wait3A, %dma_wait3A_64] : memref<8x128xi32, #tpu.memory_space<vmem>> -> memref<1x128xi32, #tpu.memory_space<vmem>>
      %dma_wait3A_66 = tpu.memref_squeeze %dma_wait3A_65 : memref<1x128xi32, #tpu.memory_space<vmem>> -> memref<128xi32, #tpu.memory_space<vmem>>
      %dma_wait3A_67 = arith.constant 0 : i32
      %dma_wait3A_68 = arith.constant 0 : i32
      %dma_wait3A_69 = tpu.memref_slice %arg2[%dma_wait3A_67, %dma_wait3A_68] : memref<20000x128xf32, #tpu.memory_space<hbm>> -> memref<20000x128xf32, #tpu.memory_space<hbm>>
      tpu.wait_indirect_dma semaphore(%arg11 : memref<!tpu.dma_semaphore, #tpu.memory_space<semaphore_mem>>) src(%dma_wait3A_69 : memref<20000x128xf32, #tpu.memory_space<hbm>>) dst(%arg8 : memref<128x128xf32, #tpu.memory_space<vmem>>)
      %dma_start3A_70 = arith.constant 0 : i32
      %dma_start3A_71 = arith.constant 0 : i32
      %dma_start3A_72 = tpu.memref_slice %arg7[%dma_start3A_70, %dma_start3A_71] : memref<8x128xi32, #tpu.memory_space<vmem>> -> memref<1x128xi32, #tpu.memory_space<vmem>>
      %dma_start3A_73 = tpu.memref_squeeze %dma_start3A_72 : memref<1x128xi32, #tpu.memory_space<vmem>> -> memref<128xi32, #tpu.memory_space<vmem>>
      %dma_start3A_74 = arith.constant 0 : i32
      %dma_start3A_75 = arith.constant 0 : i32
      %dma_start3A_76 = tpu.memref_slice %arg10[%dma_start3A_74, %dma_start3A_75] : memref<10008x128xf32, #tpu.memory_space<vmem_shared>> -> memref<10008x128xf32, #tpu.memory_space<vmem_shared>>
      tpu.enqueue_indirect_dma source(%arg8 : memref<128x128xf32, #tpu.memory_space<vmem>>) target(%dma_start3A_76 : memref<10008x128xf32, #tpu.memory_space<vmem_shared>>) offsets(%dma_start3A_73 : memref<128xi32, #tpu.memory_space<vmem>>) semaphore(%arg13 : memref<!tpu.dma_semaphore, #tpu.memory_space<semaphore_mem>>) {add = true}
      %dma_wait3A_77 = arith.constant 1 : i32
      %dma_wait3A_78 = arith.constant 0 : i32
      %dma_wait3A_79 = tpu.memref_slice %arg6[%dma_wait3A_77, %dma_wait3A_78] : memref<8x128xi32, #tpu.memory_space<vmem>> -> memref<1x128xi32, #tpu.memory_space<vmem>>
      %dma_wait3A_80 = tpu.memref_squeeze %dma_wait3A_79 : memref<1x128xi32, #tpu.memory_space<vmem>> -> memref<128xi32, #tpu.memory_space<vmem>>
      %dma_wait3A_81 = arith.constant 0 : i32
      %dma_wait3A_82 = arith.constant 0 : i32
      %dma_wait3A_83 = tpu.memref_slice %arg2[%dma_wait3A_81, %dma_wait3A_82] : memref<20000x128xf32, #tpu.memory_space<hbm>> -> memref<20000x128xf32, #tpu.memory_space<hbm>>
      tpu.wait_indirect_dma semaphore(%arg12 : memref<!tpu.dma_semaphore, #tpu.memory_space<semaphore_mem>>) src(%dma_wait3A_83 : memref<20000x128xf32, #tpu.memory_space<hbm>>) dst(%arg9 : memref<128x128xf32, #tpu.memory_space<vmem>>)
      %dma_start3A_84 = arith.constant 1 : i32
      %dma_start3A_85 = arith.constant 0 : i32
      %dma_start3A_86 = tpu.memref_slice %arg7[%dma_start3A_84, %dma_start3A_85] : memref<8x128xi32, #tpu.memory_space<vmem>> -> memref<1x128xi32, #tpu.memory_space<vmem>>
      %dma_start3A_87 = tpu.memref_squeeze %dma_start3A_86 : memref<1x128xi32, #tpu.memory_space<vmem>> -> memref<128xi32, #tpu.memory_space<vmem>>
      %dma_start3A_88 = arith.constant 0 : i32
      %dma_start3A_89 = arith.constant 0 : i32
      %dma_start3A_90 = tpu.memref_slice %arg10[%dma_start3A_88, %dma_start3A_89] : memref<10008x128xf32, #tpu.memory_space<vmem_shared>> -> memref<10008x128xf32, #tpu.memory_space<vmem_shared>>
      tpu.enqueue_indirect_dma source(%arg9 : memref<128x128xf32, #tpu.memory_space<vmem>>) target(%dma_start3A_90 : memref<10008x128xf32, #tpu.memory_space<vmem_shared>>) offsets(%dma_start3A_87 : memref<128xi32, #tpu.memory_space<vmem>>) semaphore(%arg14 : memref<!tpu.dma_semaphore, #tpu.memory_space<semaphore_mem>>) {add = true}
      %dma_wait3A_91 = arith.constant 0 : i32
      %dma_wait3A_92 = arith.constant 0 : i32
      %dma_wait3A_93 = tpu.memref_slice %arg7[%dma_wait3A_91, %dma_wait3A_92] : memref<8x128xi32, #tpu.memory_space<vmem>> -> memref<1x128xi32, #tpu.memory_space<vmem>>
      %dma_wait3A_94 = tpu.memref_squeeze %dma_wait3A_93 : memref<1x128xi32, #tpu.memory_space<vmem>> -> memref<128xi32, #tpu.memory_space<vmem>>
      %dma_wait3A_95 = arith.constant 0 : i32
      %dma_wait3A_96 = arith.constant 0 : i32
      %dma_wait3A_97 = tpu.memref_slice %arg10[%dma_wait3A_95, %dma_wait3A_96] : memref<10008x128xf32, #tpu.memory_space<vmem_shared>> -> memref<10008x128xf32, #tpu.memory_space<vmem_shared>>
      tpu.wait_indirect_dma semaphore(%arg13 : memref<!tpu.dma_semaphore, #tpu.memory_space<semaphore_mem>>) src(%arg8 : memref<128x128xf32, #tpu.memory_space<vmem>>) dst(%dma_wait3A_97 : memref<10008x128xf32, #tpu.memory_space<vmem_shared>>)
      %dma_wait3A_98 = arith.constant 1 : i32
      %dma_wait3A_99 = arith.constant 0 : i32
      %dma_wait3A_100 = tpu.memref_slice %arg7[%dma_wait3A_98, %dma_wait3A_99] : memref<8x128xi32, #tpu.memory_space<vmem>> -> memref<1x128xi32, #tpu.memory_space<vmem>>
      %dma_wait3A_101 = tpu.memref_squeeze %dma_wait3A_100 : memref<1x128xi32, #tpu.memory_space<vmem>> -> memref<128xi32, #tpu.memory_space<vmem>>
      %dma_wait3A_102 = arith.constant 0 : i32
      %dma_wait3A_103 = arith.constant 0 : i32
      %dma_wait3A_104 = tpu.memref_slice %arg10[%dma_wait3A_102, %dma_wait3A_103] : memref<10008x128xf32, #tpu.memory_space<vmem_shared>> -> memref<10008x128xf32, #tpu.memory_space<vmem_shared>>
      tpu.wait_indirect_dma semaphore(%arg14 : memref<!tpu.dma_semaphore, #tpu.memory_space<semaphore_mem>>) src(%arg9 : memref<128x128xf32, #tpu.memory_space<vmem>>) dst(%dma_wait3A_104 : memref<10008x128xf32, #tpu.memory_space<vmem_shared>>)
      %dma_start3A_105 = arith.constant 2 : i32
      %dma_start3A_106 = arith.constant 0 : i32
      %dma_start3A_107 = tpu.memref_slice %arg6[%dma_start3A_105, %dma_start3A_106] : memref<8x128xi32, #tpu.memory_space<vmem>> -> memref<1x128xi32, #tpu.memory_space<vmem>>
      %dma_start3A_108 = tpu.memref_squeeze %dma_start3A_107 : memref<1x128xi32, #tpu.memory_space<vmem>> -> memref<128xi32, #tpu.memory_space<vmem>>
      %dma_start3A_109 = arith.constant 0 : i32
      %dma_start3A_110 = arith.constant 0 : i32
      %dma_start3A_111 = tpu.memref_slice %arg2[%dma_start3A_109, %dma_start3A_110] : memref<20000x128xf32, #tpu.memory_space<hbm>> -> memref<20000x128xf32, #tpu.memory_space<hbm>>
      tpu.enqueue_indirect_dma source(%dma_start3A_111 : memref<20000x128xf32, #tpu.memory_space<hbm>>) target(%arg8 : memref<128x128xf32, #tpu.memory_space<vmem>>) offsets(%dma_start3A_108 : memref<128xi32, #tpu.memory_space<vmem>>) semaphore(%arg11 : memref<!tpu.dma_semaphore, #tpu.memory_space<semaphore_mem>>)
      %dma_start3A_112 = arith.constant 3 : i32
      %dma_start3A_113 = arith.constant 0 : i32
      %dma_start3A_114 = tpu.memref_slice %arg6[%dma_start3A_112, %dma_start3A_113] : memref<8x128xi32, #tpu.memory_space<vmem>> -> memref<1x128xi32, #tpu.memory_space<vmem>>
      %dma_start3A_115 = tpu.memref_squeeze %dma_start3A_114 : memref<1x128xi32, #tpu.memory_space<vmem>> -> memref<128xi32, #tpu.memory_space<vmem>>
      %dma_start3A_116 = arith.constant 0 : i32
      %dma_start3A_117 = arith.constant 0 : i32
      %dma_start3A_118 = tpu.memref_slice %arg2[%dma_start3A_116, %dma_start3A_117] : memref<20000x128xf32, #tpu.memory_space<hbm>> -> memref<20000x128xf32, #tpu.memory_space<hbm>>
      tpu.enqueue_indirect_dma source(%dma_start3A_118 : memref<20000x128xf32, #tpu.memory_space<hbm>>) target(%arg9 : memref<128x128xf32, #tpu.memory_space<vmem>>) offsets(%dma_start3A_115 : memref<128xi32, #tpu.memory_space<vmem>>) semaphore(%arg12 : memref<!tpu.dma_semaphore, #tpu.memory_space<semaphore_mem>>)
      %dma_wait3A_119 = arith.constant 2 : i32
      %dma_wait3A_120 = arith.constant 0 : i32
      %dma_wait3A_121 = tpu.memref_slice %arg6[%dma_wait3A_119, %dma_wait3A_120] : memref<8x128xi32, #tpu.memory_space<vmem>> -> memref<1x128xi32, #tpu.memory_space<vmem>>
      %dma_wait3A_122 = tpu.memref_squeeze %dma_wait3A_121 : memref<1x128xi32, #tpu.memory_space<vmem>> -> memref<128xi32, #tpu.memory_space<vmem>>
      %dma_wait3A_123 = arith.constant 0 : i32
      %dma_wait3A_124 = arith.constant 0 : i32
      %dma_wait3A_125 = tpu.memref_slice %arg2[%dma_wait3A_123, %dma_wait3A_124] : memref<20000x128xf32, #tpu.memory_space<hbm>> -> memref<20000x128xf32, #tpu.memory_space<hbm>>
      tpu.wait_indirect_dma semaphore(%arg11 : memref<!tpu.dma_semaphore, #tpu.memory_space<semaphore_mem>>) src(%dma_wait3A_125 : memref<20000x128xf32, #tpu.memory_space<hbm>>) dst(%arg8 : memref<128x128xf32, #tpu.memory_space<vmem>>)
      %dma_start3A_126 = arith.constant 2 : i32
      %dma_start3A_127 = arith.constant 0 : i32
      %dma_start3A_128 = tpu.memref_slice %arg7[%dma_start3A_126, %dma_start3A_127] : memref<8x128xi32, #tpu.memory_space<vmem>> -> memref<1x128xi32, #tpu.memory_space<vmem>>
      %dma_start3A_129 = tpu.memref_squeeze %dma_start3A_128 : memref<1x128xi32, #tpu.memory_space<vmem>> -> memref<128xi32, #tpu.memory_space<vmem>>
      %dma_start3A_130 = arith.constant 0 : i32
      %dma_start3A_131 = arith.constant 0 : i32
      %dma_start3A_132 = tpu.memref_slice %arg10[%dma_start3A_130, %dma_start3A_131] : memref<10008x128xf32, #tpu.memory_space<vmem_shared>> -> memref<10008x128xf32, #tpu.memory_space<vmem_shared>>
      tpu.enqueue_indirect_dma source(%arg8 : memref<128x128xf32, #tpu.memory_space<vmem>>) target(%dma_start3A_132 : memref<10008x128xf32, #tpu.memory_space<vmem_shared>>) offsets(%dma_start3A_129 : memref<128xi32, #tpu.memory_space<vmem>>) semaphore(%arg13 : memref<!tpu.dma_semaphore, #tpu.memory_space<semaphore_mem>>) {add = true}
      %dma_wait3A_133 = arith.constant 3 : i32
      %dma_wait3A_134 = arith.constant 0 : i32
      %dma_wait3A_135 = tpu.memref_slice %arg6[%dma_wait3A_133, %dma_wait3A_134] : memref<8x128xi32, #tpu.memory_space<vmem>> -> memref<1x128xi32, #tpu.memory_space<vmem>>
      %dma_wait3A_136 = tpu.memref_squeeze %dma_wait3A_135 : memref<1x128xi32, #tpu.memory_space<vmem>> -> memref<128xi32, #tpu.memory_space<vmem>>
      %dma_wait3A_137 = arith.constant 0 : i32
      %dma_wait3A_138 = arith.constant 0 : i32
      %dma_wait3A_139 = tpu.memref_slice %arg2[%dma_wait3A_137, %dma_wait3A_138] : memref<20000x128xf32, #tpu.memory_space<hbm>> -> memref<20000x128xf32, #tpu.memory_space<hbm>>
      tpu.wait_indirect_dma semaphore(%arg12 : memref<!tpu.dma_semaphore, #tpu.memory_space<semaphore_mem>>) src(%dma_wait3A_139 : memref<20000x128xf32, #tpu.memory_space<hbm>>) dst(%arg9 : memref<128x128xf32, #tpu.memory_space<vmem>>)
      %dma_start3A_140 = arith.constant 3 : i32
      %dma_start3A_141 = arith.constant 0 : i32
      %dma_start3A_142 = tpu.memref_slice %arg7[%dma_start3A_140, %dma_start3A_141] : memref<8x128xi32, #tpu.memory_space<vmem>> -> memref<1x128xi32, #tpu.memory_space<vmem>>
      %dma_start3A_143 = tpu.memref_squeeze %dma_start3A_142 : memref<1x128xi32, #tpu.memory_space<vmem>> -> memref<128xi32, #tpu.memory_space<vmem>>
      %dma_start3A_144 = arith.constant 0 : i32
      %dma_start3A_145 = arith.constant 0 : i32
      %dma_start3A_146 = tpu.memref_slice %arg10[%dma_start3A_144, %dma_start3A_145] : memref<10008x128xf32, #tpu.memory_space<vmem_shared>> -> memref<10008x128xf32, #tpu.memory_space<vmem_shared>>
      tpu.enqueue_indirect_dma source(%arg9 : memref<128x128xf32, #tpu.memory_space<vmem>>) target(%dma_start3A_146 : memref<10008x128xf32, #tpu.memory_space<vmem_shared>>) offsets(%dma_start3A_143 : memref<128xi32, #tpu.memory_space<vmem>>) semaphore(%arg14 : memref<!tpu.dma_semaphore, #tpu.memory_space<semaphore_mem>>) {add = true}
      %dma_wait3A_147 = arith.constant 2 : i32
      %dma_wait3A_148 = arith.constant 0 : i32
      %dma_wait3A_149 = tpu.memref_slice %arg7[%dma_wait3A_147, %dma_wait3A_148] : memref<8x128xi32, #tpu.memory_space<vmem>> -> memref<1x128xi32, #tpu.memory_space<vmem>>
      %dma_wait3A_150 = tpu.memref_squeeze %dma_wait3A_149 : memref<1x128xi32, #tpu.memory_space<vmem>> -> memref<128xi32, #tpu.memory_space<vmem>>
      %dma_wait3A_151 = arith.constant 0 : i32
      %dma_wait3A_152 = arith.constant 0 : i32
      %dma_wait3A_153 = tpu.memref_slice %arg10[%dma_wait3A_151, %dma_wait3A_152] : memref<10008x128xf32, #tpu.memory_space<vmem_shared>> -> memref<10008x128xf32, #tpu.memory_space<vmem_shared>>
      tpu.wait_indirect_dma semaphore(%arg13 : memref<!tpu.dma_semaphore, #tpu.memory_space<semaphore_mem>>) src(%arg8 : memref<128x128xf32, #tpu.memory_space<vmem>>) dst(%dma_wait3A_153 : memref<10008x128xf32, #tpu.memory_space<vmem_shared>>)
      %dma_wait3A_154 = arith.constant 3 : i32
      %dma_wait3A_155 = arith.constant 0 : i32
      %dma_wait3A_156 = tpu.memref_slice %arg7[%dma_wait3A_154, %dma_wait3A_155] : memref<8x128xi32, #tpu.memory_space<vmem>> -> memref<1x128xi32, #tpu.memory_space<vmem>>
      %dma_wait3A_157 = tpu.memref_squeeze %dma_wait3A_156 : memref<1x128xi32, #tpu.memory_space<vmem>> -> memref<128xi32, #tpu.memory_space<vmem>>
      %dma_wait3A_158 = arith.constant 0 : i32
      %dma_wait3A_159 = arith.constant 0 : i32
      %dma_wait3A_160 = tpu.memref_slice %arg10[%dma_wait3A_158, %dma_wait3A_159] : memref<10008x128xf32, #tpu.memory_space<vmem_shared>> -> memref<10008x128xf32, #tpu.memory_space<vmem_shared>>
      tpu.wait_indirect_dma semaphore(%arg14 : memref<!tpu.dma_semaphore, #tpu.memory_space<semaphore_mem>>) src(%arg9 : memref<128x128xf32, #tpu.memory_space<vmem>>) dst(%dma_wait3A_160 : memref<10008x128xf32, #tpu.memory_space<vmem_shared>>)
      %dma_start3A_161 = arith.constant 4 : i32
      %dma_start3A_162 = arith.constant 0 : i32
      %dma_start3A_163 = tpu.memref_slice %arg6[%dma_start3A_161, %dma_start3A_162] : memref<8x128xi32, #tpu.memory_space<vmem>> -> memref<1x128xi32, #tpu.memory_space<vmem>>
      %dma_start3A_164 = tpu.memref_squeeze %dma_start3A_163 : memref<1x128xi32, #tpu.memory_space<vmem>> -> memref<128xi32, #tpu.memory_space<vmem>>
      %dma_start3A_165 = arith.constant 0 : i32
      %dma_start3A_166 = arith.constant 0 : i32
      %dma_start3A_167 = tpu.memref_slice %arg2[%dma_start3A_165, %dma_start3A_166] : memref<20000x128xf32, #tpu.memory_space<hbm>> -> memref<20000x128xf32, #tpu.memory_space<hbm>>
      tpu.enqueue_indirect_dma source(%dma_start3A_167 : memref<20000x128xf32, #tpu.memory_space<hbm>>) target(%arg8 : memref<128x128xf32, #tpu.memory_space<vmem>>) offsets(%dma_start3A_164 : memref<128xi32, #tpu.memory_space<vmem>>) semaphore(%arg11 : memref<!tpu.dma_semaphore, #tpu.memory_space<semaphore_mem>>)
      %dma_start3A_168 = arith.constant 5 : i32
      %dma_start3A_169 = arith.constant 0 : i32
      %dma_start3A_170 = tpu.memref_slice %arg6[%dma_start3A_168, %dma_start3A_169] : memref<8x128xi32, #tpu.memory_space<vmem>> -> memref<1x128xi32, #tpu.memory_space<vmem>>
      %dma_start3A_171 = tpu.memref_squeeze %dma_start3A_170 : memref<1x128xi32, #tpu.memory_space<vmem>> -> memref<128xi32, #tpu.memory_space<vmem>>
      %dma_start3A_172 = arith.constant 0 : i32
      %dma_start3A_173 = arith.constant 0 : i32
      %dma_start3A_174 = tpu.memref_slice %arg2[%dma_start3A_172, %dma_start3A_173] : memref<20000x128xf32, #tpu.memory_space<hbm>> -> memref<20000x128xf32, #tpu.memory_space<hbm>>
      tpu.enqueue_indirect_dma source(%dma_start3A_174 : memref<20000x128xf32, #tpu.memory_space<hbm>>) target(%arg9 : memref<128x128xf32, #tpu.memory_space<vmem>>) offsets(%dma_start3A_171 : memref<128xi32, #tpu.memory_space<vmem>>) semaphore(%arg12 : memref<!tpu.dma_semaphore, #tpu.memory_space<semaphore_mem>>)
      %dma_wait3A_175 = arith.constant 4 : i32
      %dma_wait3A_176 = arith.constant 0 : i32
      %dma_wait3A_177 = tpu.memref_slice %arg6[%dma_wait3A_175, %dma_wait3A_176] : memref<8x128xi32, #tpu.memory_space<vmem>> -> memref<1x128xi32, #tpu.memory_space<vmem>>
      %dma_wait3A_178 = tpu.memref_squeeze %dma_wait3A_177 : memref<1x128xi32, #tpu.memory_space<vmem>> -> memref<128xi32, #tpu.memory_space<vmem>>
      %dma_wait3A_179 = arith.constant 0 : i32
      %dma_wait3A_180 = arith.constant 0 : i32
      %dma_wait3A_181 = tpu.memref_slice %arg2[%dma_wait3A_179, %dma_wait3A_180] : memref<20000x128xf32, #tpu.memory_space<hbm>> -> memref<20000x128xf32, #tpu.memory_space<hbm>>
      tpu.wait_indirect_dma semaphore(%arg11 : memref<!tpu.dma_semaphore, #tpu.memory_space<semaphore_mem>>) src(%dma_wait3A_181 : memref<20000x128xf32, #tpu.memory_space<hbm>>) dst(%arg8 : memref<128x128xf32, #tpu.memory_space<vmem>>)
      %dma_start3A_182 = arith.constant 4 : i32
      %dma_start3A_183 = arith.constant 0 : i32
      %dma_start3A_184 = tpu.memref_slice %arg7[%dma_start3A_182, %dma_start3A_183] : memref<8x128xi32, #tpu.memory_space<vmem>> -> memref<1x128xi32, #tpu.memory_space<vmem>>
      %dma_start3A_185 = tpu.memref_squeeze %dma_start3A_184 : memref<1x128xi32, #tpu.memory_space<vmem>> -> memref<128xi32, #tpu.memory_space<vmem>>
      %dma_start3A_186 = arith.constant 0 : i32
      %dma_start3A_187 = arith.constant 0 : i32
      %dma_start3A_188 = tpu.memref_slice %arg10[%dma_start3A_186, %dma_start3A_187] : memref<10008x128xf32, #tpu.memory_space<vmem_shared>> -> memref<10008x128xf32, #tpu.memory_space<vmem_shared>>
      tpu.enqueue_indirect_dma source(%arg8 : memref<128x128xf32, #tpu.memory_space<vmem>>) target(%dma_start3A_188 : memref<10008x128xf32, #tpu.memory_space<vmem_shared>>) offsets(%dma_start3A_185 : memref<128xi32, #tpu.memory_space<vmem>>) semaphore(%arg13 : memref<!tpu.dma_semaphore, #tpu.memory_space<semaphore_mem>>) {add = true}
      %dma_wait3A_189 = arith.constant 5 : i32
      %dma_wait3A_190 = arith.constant 0 : i32
      %dma_wait3A_191 = tpu.memref_slice %arg6[%dma_wait3A_189, %dma_wait3A_190] : memref<8x128xi32, #tpu.memory_space<vmem>> -> memref<1x128xi32, #tpu.memory_space<vmem>>
      %dma_wait3A_192 = tpu.memref_squeeze %dma_wait3A_191 : memref<1x128xi32, #tpu.memory_space<vmem>> -> memref<128xi32, #tpu.memory_space<vmem>>
      %dma_wait3A_193 = arith.constant 0 : i32
      %dma_wait3A_194 = arith.constant 0 : i32
      %dma_wait3A_195 = tpu.memref_slice %arg2[%dma_wait3A_193, %dma_wait3A_194] : memref<20000x128xf32, #tpu.memory_space<hbm>> -> memref<20000x128xf32, #tpu.memory_space<hbm>>
      tpu.wait_indirect_dma semaphore(%arg12 : memref<!tpu.dma_semaphore, #tpu.memory_space<semaphore_mem>>) src(%dma_wait3A_195 : memref<20000x128xf32, #tpu.memory_space<hbm>>) dst(%arg9 : memref<128x128xf32, #tpu.memory_space<vmem>>)
      %dma_start3A_196 = arith.constant 5 : i32
      %dma_start3A_197 = arith.constant 0 : i32
      %dma_start3A_198 = tpu.memref_slice %arg7[%dma_start3A_196, %dma_start3A_197] : memref<8x128xi32, #tpu.memory_space<vmem>> -> memref<1x128xi32, #tpu.memory_space<vmem>>
      %dma_start3A_199 = tpu.memref_squeeze %dma_start3A_198 : memref<1x128xi32, #tpu.memory_space<vmem>> -> memref<128xi32, #tpu.memory_space<vmem>>
      %dma_start3A_200 = arith.constant 0 : i32
      %dma_start3A_201 = arith.constant 0 : i32
      %dma_start3A_202 = tpu.memref_slice %arg10[%dma_start3A_200, %dma_start3A_201] : memref<10008x128xf32, #tpu.memory_space<vmem_shared>> -> memref<10008x128xf32, #tpu.memory_space<vmem_shared>>
      tpu.enqueue_indirect_dma source(%arg9 : memref<128x128xf32, #tpu.memory_space<vmem>>) target(%dma_start3A_202 : memref<10008x128xf32, #tpu.memory_space<vmem_shared>>) offsets(%dma_start3A_199 : memref<128xi32, #tpu.memory_space<vmem>>) semaphore(%arg14 : memref<!tpu.dma_semaphore, #tpu.memory_space<semaphore_mem>>) {add = true}
      %dma_wait3A_203 = arith.constant 4 : i32
      %dma_wait3A_204 = arith.constant 0 : i32
      %dma_wait3A_205 = tpu.memref_slice %arg7[%dma_wait3A_203, %dma_wait3A_204] : memref<8x128xi32, #tpu.memory_space<vmem>> -> memref<1x128xi32, #tpu.memory_space<vmem>>
      %dma_wait3A_206 = tpu.memref_squeeze %dma_wait3A_205 : memref<1x128xi32, #tpu.memory_space<vmem>> -> memref<128xi32, #tpu.memory_space<vmem>>
      %dma_wait3A_207 = arith.constant 0 : i32
      %dma_wait3A_208 = arith.constant 0 : i32
      %dma_wait3A_209 = tpu.memref_slice %arg10[%dma_wait3A_207, %dma_wait3A_208] : memref<10008x128xf32, #tpu.memory_space<vmem_shared>> -> memref<10008x128xf32, #tpu.memory_space<vmem_shared>>
      tpu.wait_indirect_dma semaphore(%arg13 : memref<!tpu.dma_semaphore, #tpu.memory_space<semaphore_mem>>) src(%arg8 : memref<128x128xf32, #tpu.memory_space<vmem>>) dst(%dma_wait3A_209 : memref<10008x128xf32, #tpu.memory_space<vmem_shared>>)
      %dma_wait3A_210 = arith.constant 5 : i32
      %dma_wait3A_211 = arith.constant 0 : i32
      %dma_wait3A_212 = tpu.memref_slice %arg7[%dma_wait3A_210, %dma_wait3A_211] : memref<8x128xi32, #tpu.memory_space<vmem>> -> memref<1x128xi32, #tpu.memory_space<vmem>>
      %dma_wait3A_213 = tpu.memref_squeeze %dma_wait3A_212 : memref<1x128xi32, #tpu.memory_space<vmem>> -> memref<128xi32, #tpu.memory_space<vmem>>
      %dma_wait3A_214 = arith.constant 0 : i32
      %dma_wait3A_215 = arith.constant 0 : i32
      %dma_wait3A_216 = tpu.memref_slice %arg10[%dma_wait3A_214, %dma_wait3A_215] : memref<10008x128xf32, #tpu.memory_space<vmem_shared>> -> memref<10008x128xf32, #tpu.memory_space<vmem_shared>>
      tpu.wait_indirect_dma semaphore(%arg14 : memref<!tpu.dma_semaphore, #tpu.memory_space<semaphore_mem>>) src(%arg9 : memref<128x128xf32, #tpu.memory_space<vmem>>) dst(%dma_wait3A_216 : memref<10008x128xf32, #tpu.memory_space<vmem_shared>>)
      %dma_start3A_217 = arith.constant 6 : i32
      %dma_start3A_218 = arith.constant 0 : i32
      %dma_start3A_219 = tpu.memref_slice %arg6[%dma_start3A_217, %dma_start3A_218] : memref<8x128xi32, #tpu.memory_space<vmem>> -> memref<1x128xi32, #tpu.memory_space<vmem>>
      %dma_start3A_220 = tpu.memref_squeeze %dma_start3A_219 : memref<1x128xi32, #tpu.memory_space<vmem>> -> memref<128xi32, #tpu.memory_space<vmem>>
      %dma_start3A_221 = arith.constant 0 : i32
      %dma_start3A_222 = arith.constant 0 : i32
      %dma_start3A_223 = tpu.memref_slice %arg2[%dma_start3A_221, %dma_start3A_222] : memref<20000x128xf32, #tpu.memory_space<hbm>> -> memref<20000x128xf32, #tpu.memory_space<hbm>>
      tpu.enqueue_indirect_dma source(%dma_start3A_223 : memref<20000x128xf32, #tpu.memory_space<hbm>>) target(%arg8 : memref<128x128xf32, #tpu.memory_space<vmem>>) offsets(%dma_start3A_220 : memref<128xi32, #tpu.memory_space<vmem>>) semaphore(%arg11 : memref<!tpu.dma_semaphore, #tpu.memory_space<semaphore_mem>>)
      %dma_start3A_224 = arith.constant 7 : i32
      %dma_start3A_225 = arith.constant 0 : i32
      %dma_start3A_226 = tpu.memref_slice %arg6[%dma_start3A_224, %dma_start3A_225] : memref<8x128xi32, #tpu.memory_space<vmem>> -> memref<1x128xi32, #tpu.memory_space<vmem>>
      %dma_start3A_227 = tpu.memref_squeeze %dma_start3A_226 : memref<1x128xi32, #tpu.memory_space<vmem>> -> memref<128xi32, #tpu.memory_space<vmem>>
      %dma_start3A_228 = arith.constant 0 : i32
      %dma_start3A_229 = arith.constant 0 : i32
      %dma_start3A_230 = tpu.memref_slice %arg2[%dma_start3A_228, %dma_start3A_229] : memref<20000x128xf32, #tpu.memory_space<hbm>> -> memref<20000x128xf32, #tpu.memory_space<hbm>>
      tpu.enqueue_indirect_dma source(%dma_start3A_230 : memref<20000x128xf32, #tpu.memory_space<hbm>>) target(%arg9 : memref<128x128xf32, #tpu.memory_space<vmem>>) offsets(%dma_start3A_227 : memref<128xi32, #tpu.memory_space<vmem>>) semaphore(%arg12 : memref<!tpu.dma_semaphore, #tpu.memory_space<semaphore_mem>>)
      %dma_wait3A_231 = arith.constant 6 : i32
      %dma_wait3A_232 = arith.constant 0 : i32
      %dma_wait3A_233 = tpu.memref_slice %arg6[%dma_wait3A_231, %dma_wait3A_232] : memref<8x128xi32, #tpu.memory_space<vmem>> -> memref<1x128xi32, #tpu.memory_space<vmem>>
      %dma_wait3A_234 = tpu.memref_squeeze %dma_wait3A_233 : memref<1x128xi32, #tpu.memory_space<vmem>> -> memref<128xi32, #tpu.memory_space<vmem>>
      %dma_wait3A_235 = arith.constant 0 : i32
      %dma_wait3A_236 = arith.constant 0 : i32
      %dma_wait3A_237 = tpu.memref_slice %arg2[%dma_wait3A_235, %dma_wait3A_236] : memref<20000x128xf32, #tpu.memory_space<hbm>> -> memref<20000x128xf32, #tpu.memory_space<hbm>>
      tpu.wait_indirect_dma semaphore(%arg11 : memref<!tpu.dma_semaphore, #tpu.memory_space<semaphore_mem>>) src(%dma_wait3A_237 : memref<20000x128xf32, #tpu.memory_space<hbm>>) dst(%arg8 : memref<128x128xf32, #tpu.memory_space<vmem>>)
      %dma_start3A_238 = arith.constant 6 : i32
      %dma_start3A_239 = arith.constant 0 : i32
      %dma_start3A_240 = tpu.memref_slice %arg7[%dma_start3A_238, %dma_start3A_239] : memref<8x128xi32, #tpu.memory_space<vmem>> -> memref<1x128xi32, #tpu.memory_space<vmem>>
      %dma_start3A_241 = tpu.memref_squeeze %dma_start3A_240 : memref<1x128xi32, #tpu.memory_space<vmem>> -> memref<128xi32, #tpu.memory_space<vmem>>
      %dma_start3A_242 = arith.constant 0 : i32
      %dma_start3A_243 = arith.constant 0 : i32
      %dma_start3A_244 = tpu.memref_slice %arg10[%dma_start3A_242, %dma_start3A_243] : memref<10008x128xf32, #tpu.memory_space<vmem_shared>> -> memref<10008x128xf32, #tpu.memory_space<vmem_shared>>
      tpu.enqueue_indirect_dma source(%arg8 : memref<128x128xf32, #tpu.memory_space<vmem>>) target(%dma_start3A_244 : memref<10008x128xf32, #tpu.memory_space<vmem_shared>>) offsets(%dma_start3A_241 : memref<128xi32, #tpu.memory_space<vmem>>) semaphore(%arg13 : memref<!tpu.dma_semaphore, #tpu.memory_space<semaphore_mem>>) {add = true}
      %dma_wait3A_245 = arith.constant 7 : i32
      %dma_wait3A_246 = arith.constant 0 : i32
      %dma_wait3A_247 = tpu.memref_slice %arg6[%dma_wait3A_245, %dma_wait3A_246] : memref<8x128xi32, #tpu.memory_space<vmem>> -> memref<1x128xi32, #tpu.memory_space<vmem>>
      %dma_wait3A_248 = tpu.memref_squeeze %dma_wait3A_247 : memref<1x128xi32, #tpu.memory_space<vmem>> -> memref<128xi32, #tpu.memory_space<vmem>>
      %dma_wait3A_249 = arith.constant 0 : i32
      %dma_wait3A_250 = arith.constant 0 : i32
      %dma_wait3A_251 = tpu.memref_slice %arg2[%dma_wait3A_249, %dma_wait3A_250] : memref<20000x128xf32, #tpu.memory_space<hbm>> -> memref<20000x128xf32, #tpu.memory_space<hbm>>
      tpu.wait_indirect_dma semaphore(%arg12 : memref<!tpu.dma_semaphore, #tpu.memory_space<semaphore_mem>>) src(%dma_wait3A_251 : memref<20000x128xf32, #tpu.memory_space<hbm>>) dst(%arg9 : memref<128x128xf32, #tpu.memory_space<vmem>>)
      %dma_start3A_252 = arith.constant 7 : i32
      %dma_start3A_253 = arith.constant 0 : i32
      %dma_start3A_254 = tpu.memref_slice %arg7[%dma_start3A_252, %dma_start3A_253] : memref<8x128xi32, #tpu.memory_space<vmem>> -> memref<1x128xi32, #tpu.memory_space<vmem>>
      %dma_start3A_255 = tpu.memref_squeeze %dma_start3A_254 : memref<1x128xi32, #tpu.memory_space<vmem>> -> memref<128xi32, #tpu.memory_space<vmem>>
      %dma_start3A_256 = arith.constant 0 : i32
      %dma_start3A_257 = arith.constant 0 : i32
      %dma_start3A_258 = tpu.memref_slice %arg10[%dma_start3A_256, %dma_start3A_257] : memref<10008x128xf32, #tpu.memory_space<vmem_shared>> -> memref<10008x128xf32, #tpu.memory_space<vmem_shared>>
      tpu.enqueue_indirect_dma source(%arg9 : memref<128x128xf32, #tpu.memory_space<vmem>>) target(%dma_start3A_258 : memref<10008x128xf32, #tpu.memory_space<vmem_shared>>) offsets(%dma_start3A_255 : memref<128xi32, #tpu.memory_space<vmem>>) semaphore(%arg14 : memref<!tpu.dma_semaphore, #tpu.memory_space<semaphore_mem>>) {add = true}
      %dma_wait3A_259 = arith.constant 6 : i32
      %dma_wait3A_260 = arith.constant 0 : i32
      %dma_wait3A_261 = tpu.memref_slice %arg7[%dma_wait3A_259, %dma_wait3A_260] : memref<8x128xi32, #tpu.memory_space<vmem>> -> memref<1x128xi32, #tpu.memory_space<vmem>>
      %dma_wait3A_262 = tpu.memref_squeeze %dma_wait3A_261 : memref<1x128xi32, #tpu.memory_space<vmem>> -> memref<128xi32, #tpu.memory_space<vmem>>
      %dma_wait3A_263 = arith.constant 0 : i32
      %dma_wait3A_264 = arith.constant 0 : i32
      %dma_wait3A_265 = tpu.memref_slice %arg10[%dma_wait3A_263, %dma_wait3A_264] : memref<10008x128xf32, #tpu.memory_space<vmem_shared>> -> memref<10008x128xf32, #tpu.memory_space<vmem_shared>>
      tpu.wait_indirect_dma semaphore(%arg13 : memref<!tpu.dma_semaphore, #tpu.memory_space<semaphore_mem>>) src(%arg8 : memref<128x128xf32, #tpu.memory_space<vmem>>) dst(%dma_wait3A_265 : memref<10008x128xf32, #tpu.memory_space<vmem_shared>>)
      %dma_wait3A_266 = arith.constant 7 : i32
      %dma_wait3A_267 = arith.constant 0 : i32
      %dma_wait3A_268 = tpu.memref_slice %arg7[%dma_wait3A_266, %dma_wait3A_267] : memref<8x128xi32, #tpu.memory_space<vmem>> -> memref<1x128xi32, #tpu.memory_space<vmem>>
      %dma_wait3A_269 = tpu.memref_squeeze %dma_wait3A_268 : memref<1x128xi32, #tpu.memory_space<vmem>> -> memref<128xi32, #tpu.memory_space<vmem>>
      %dma_wait3A_270 = arith.constant 0 : i32
      %dma_wait3A_271 = arith.constant 0 : i32
      %dma_wait3A_272 = tpu.memref_slice %arg10[%dma_wait3A_270, %dma_wait3A_271] : memref<10008x128xf32, #tpu.memory_space<vmem_shared>> -> memref<10008x128xf32, #tpu.memory_space<vmem_shared>>
      tpu.wait_indirect_dma semaphore(%arg14 : memref<!tpu.dma_semaphore, #tpu.memory_space<semaphore_mem>>) src(%arg9 : memref<128x128xf32, #tpu.memory_space<vmem>>) dst(%dma_wait3A_272 : memref<10008x128xf32, #tpu.memory_space<vmem_shared>>)
    }
    %scan3A_33 = arith.constant 20 : i32
    %barrier3A_34 = arith.constant 0 : index
    tpu.barrier barrier_id(%barrier3A_34)
    %mul3A_35 = arith.constant 624 : i32
    %mul3A_36 = arith.muli %arg1, %mul3A_35 : i32
    %mul3A_37 = arith.constant 10000 : i32
    %mul3A_38 = arith.muli %arg0, %mul3A_37 : i32
    %mul3A_39 = arith.constant 624 : i32
    %mul3A_40 = arith.muli %arg1, %mul3A_39 : i32
    %add3A_41 = arith.addi %mul3A_38, %mul3A_40 : i32
    "tpu.region"() ({
      %run_scoped3A = tpu.sem_alloc : memref<!tpu.dma_semaphore, #tpu.memory_space<semaphore_mem>>
      %dma_start3A = arith.constant 0 : i32
      %dma_start3A_47 = tpu.memref_slice %arg5[%add3A_41, %dma_start3A] : memref<20000x128xf32, #tpu.memory_space<hbm>> -> memref<624x128xf32, #tpu.memory_space<hbm>>
      %dma_start3A_48 = arith.constant 0 : i32
      %dma_start3A_49 = tpu.memref_slice %arg10[%mul3A_36, %dma_start3A_48] : memref<10008x128xf32, #tpu.memory_space<vmem_shared>> -> memref<624x128xf32, #tpu.memory_space<vmem_shared>>
      tpu.enqueue_dma source(%dma_start3A_49 : memref<624x128xf32, #tpu.memory_space<vmem_shared>>) target(%dma_start3A_47 : memref<624x128xf32, #tpu.memory_space<hbm>>) target_semaphore(%run_scoped3A : memref<!tpu.dma_semaphore, #tpu.memory_space<semaphore_mem>>)
      %dma_wait3A = arith.constant 0 : i32
      %dma_wait3A_50 = tpu.memref_slice %arg5[%add3A_41, %dma_wait3A] : memref<20000x128xf32, #tpu.memory_space<hbm>> -> memref<624x128xf32, #tpu.memory_space<hbm>>
      %dma_wait3A_51 = arith.constant 0 : i32
      %dma_wait3A_52 = tpu.memref_slice %arg10[%mul3A_36, %dma_wait3A_51] : memref<10008x128xf32, #tpu.memory_space<vmem_shared>> -> memref<624x128xf32, #tpu.memory_space<vmem_shared>>
      tpu.wait_dma2 semaphore(%run_scoped3A : memref<!tpu.dma_semaphore, #tpu.memory_space<semaphore_mem>>) src(%dma_wait3A_52 : memref<624x128xf32, #tpu.memory_space<vmem_shared>>) dst(%dma_wait3A_50 : memref<624x128xf32, #tpu.memory_space<hbm>>)
      tpu.yield
    }) : () -> ()
    %eq3A_42 = arith.constant 15 : i32
    %eq3A_43 = arith.cmpi eq, %arg1, %eq3A_42 : i32
    %convert_element_type3A_44 = arith.extui %eq3A_43 : i1 to i32
    %cond3A_45 = arith.constant 0 : i32
    %cond3A_46 = arith.cmpi ne, %convert_element_type3A_44, %cond3A_45 : i32
    scf.if %cond3A_46 {
      %mul3A_47 = arith.constant 10000 : i32
      %mul3A_48 = arith.muli %arg0, %mul3A_47 : i32
      %add3A_49 = arith.constant 9984 : i32
      %add3A_50 = arith.addi %mul3A_48, %add3A_49 : i32
      "tpu.region"() ({
        %run_scoped3A = tpu.sem_alloc : memref<!tpu.dma_semaphore, #tpu.memory_space<semaphore_mem>>
        %dma_start3A = arith.constant 0 : i32
        %dma_start3A_51 = tpu.memref_slice %arg5[%add3A_50, %dma_start3A] : memref<20000x128xf32, #tpu.memory_space<hbm>> -> memref<16x128xf32, #tpu.memory_space<hbm>>
        %dma_start3A_52 = arith.constant 9984 : i32
        %dma_start3A_53 = arith.constant 0 : i32
        %dma_start3A_54 = tpu.memref_slice %arg10[%dma_start3A_52, %dma_start3A_53] : memref<10008x128xf32, #tpu.memory_space<vmem_shared>> -> memref<16x128xf32, #tpu.memory_space<vmem_shared>>
        tpu.enqueue_dma source(%dma_start3A_54 : memref<16x128xf32, #tpu.memory_space<vmem_shared>>) target(%dma_start3A_51 : memref<16x128xf32, #tpu.memory_space<hbm>>) target_semaphore(%run_scoped3A : memref<!tpu.dma_semaphore, #tpu.memory_space<semaphore_mem>>)
        %dma_wait3A = arith.constant 0 : i32
        %dma_wait3A_55 = tpu.memref_slice %arg5[%add3A_50, %dma_wait3A] : memref<20000x128xf32, #tpu.memory_space<hbm>> -> memref<16x128xf32, #tpu.memory_space<hbm>>
        %dma_wait3A_56 = arith.constant 9984 : i32
        %dma_wait3A_57 = arith.constant 0 : i32
        %dma_wait3A_58 = tpu.memref_slice %arg10[%dma_wait3A_56, %dma_wait3A_57] : memref<10008x128xf32, #tpu.memory_space<vmem_shared>> -> memref<16x128xf32, #tpu.memory_space<vmem_shared>>
        tpu.wait_dma2 semaphore(%run_scoped3A : memref<!tpu.dma_semaphore, #tpu.memory_space<semaphore_mem>>) src(%dma_wait3A_58 : memref<16x128xf32, #tpu.memory_space<vmem_shared>>) dst(%dma_wait3A_55 : memref<16x128xf32, #tpu.memory_space<hbm>>)
        tpu.yield
      }) : () -> ()
    } else {
    }
    return
  }
}

module attributes {stable_mosaic.version = 14 : i64} {
  func.func @_dense1_body(%arg0: i32, %arg1: memref<2x2000x128xf32, #tpu.memory_space<vmem>>, %arg2: memref<2x2000x128xf32, #tpu.memory_space<vmem>>, %arg3: memref<2000x128xf32, #tpu.memory_space<vmem>>, %arg4: memref<128x256xf32, #tpu.memory_space<vmem>>, %arg5: memref<128x256xf32, #tpu.memory_space<vmem>>, %arg6: memref<1x256xf32, #tpu.memory_space<vmem>>, %arg7: memref<2x2000x128xf32, #tpu.memory_space<vmem>>) attributes {dimension_semantics = [#tpu.dimension_semantics<arbitrary>], iteration_bounds = array<i64: 5>, scalar_prefetch = 0 : i64, scratch_operands = 0 : i64, tpu.core_type = #tpu.core_type<tc>, window_params = [{transform_indices = @transform_0, window_bounds = array<i64: 2, 2000, 128>}, {transform_indices = @transform_1, window_bounds = array<i64: 2, 2000, 128>}, {transform_indices = @transform_2, window_bounds = array<i64: 2000, 128>}, {pipeline_mode = #tpu.pipeline_mode<synchronous>, transform_indices = @transform_3, window_bounds = array<i64: 128, 256>}, {pipeline_mode = #tpu.pipeline_mode<synchronous>, transform_indices = @transform_4, window_bounds = array<i64: 128, 256>}, {pipeline_mode = #tpu.pipeline_mode<synchronous>, transform_indices = @transform_5, window_bounds = array<i64: 1, 256>}, {transform_indices = @transform_6, window_bounds = array<i64: 2, 2000, 128>}]} {
    %get3A = arith.constant 0 : index
    %get3A_0 = arith.constant 0 : index
    %get3A_1 = arith.constant 0 : index
    %get3A_2 = vector.load %arg1[%get3A, %get3A_0, %get3A_1] : memref<2x2000x128xf32, #tpu.memory_space<vmem>>, vector<1x2000x1xf32>
    %get3A_3 = vector.shape_cast %get3A_2 : vector<1x2000x1xf32> to vector<2000xf32>
    %get3A_4 = arith.constant 1 : index
    %get3A_5 = arith.constant 0 : index
    %get3A_6 = arith.constant 0 : index
    %get3A_7 = vector.load %arg1[%get3A_4, %get3A_5, %get3A_6] : memref<2x2000x128xf32, #tpu.memory_space<vmem>>, vector<1x2000x1xf32>
    %get3A_8 = vector.shape_cast %get3A_7 : vector<1x2000x1xf32> to vector<2000xf32>
    %add3A = arith.addf %get3A_3, %get3A_8 : vector<2000xf32>
    %max3A = arith.constant 1.000000e+00 : f32
    %max3A_9 = vector.broadcast %max3A : f32 to vector<2000xf32>
    %max3A_10 = arith.maximumf %add3A, %max3A_9 : vector<2000xf32>
    %div3A = arith.constant 1.000000e+00 : f32
    %div3A_11 = vector.broadcast %div3A : f32 to vector<2000xf32>
    %div3A_12 = arith.divf %div3A_11, %max3A_10 : vector<2000xf32>
    %get3A_13 = arith.constant 0 : index
    %get3A_14 = arith.constant 0 : index
    %get3A_15 = arith.constant 0 : index
    %get3A_16 = vector.load %arg2[%get3A_13, %get3A_14, %get3A_15] : memref<2x2000x128xf32, #tpu.memory_space<vmem>>, vector<1x2000x128xf32>
    %get3A_17 = vector.shape_cast %get3A_16 : vector<1x2000x128xf32> to vector<2000x128xf32>
    %get3A_18 = arith.constant 1 : index
    %get3A_19 = arith.constant 0 : index
    %get3A_20 = arith.constant 0 : index
    %get3A_21 = vector.load %arg2[%get3A_18, %get3A_19, %get3A_20] : memref<2x2000x128xf32, #tpu.memory_space<vmem>>, vector<1x2000x128xf32>
    %get3A_22 = vector.shape_cast %get3A_21 : vector<1x2000x128xf32> to vector<2000x128xf32>
    %add3A_23 = arith.addf %get3A_17, %get3A_22 : vector<2000x128xf32>
    %broadcast_in_dim3A = vector.shape_cast %div3A_12 : vector<2000xf32> to vector<2000x1xf32>
    %mul3A = vector.broadcast %broadcast_in_dim3A : vector<2000x1xf32> to vector<2000x128xf32>
    %mul3A_24 = arith.mulf %add3A_23, %mul3A : vector<2000x128xf32>
    %get3A_25 = arith.constant 0 : index
    %get3A_26 = arith.constant 0 : index
    %get3A_27 = vector.load %arg4[%get3A_25, %get3A_26] : memref<128x256xf32, #tpu.memory_space<vmem>>, vector<128x256xf32>
    %dot_general3A = arith.constant dense<0.000000e+00> : vector<2000x256xf32>
    %dot_general3A_28 = tpu.matmul %mul3A_24, %get3A_27, %dot_general3A {dimension_numbers = #tpu.dot_dimension_numbers<[1], [0], [0], [1], [0, 0, 1, 1], [], []>, transpose_lhs_hint = false} : vector<2000x128xf32>, vector<128x256xf32>, vector<2000x256xf32> -> vector<2000x256xf32>
    %get3A_29 = arith.constant 0 : index
    %get3A_30 = arith.constant 0 : index
    %get3A_31 = vector.load %arg3[%get3A_29, %get3A_30] : memref<2000x128xf32, #tpu.memory_space<vmem>>, vector<2000x128xf32>
    %get3A_32 = arith.constant 0 : index
    %get3A_33 = arith.constant 0 : index
    %get3A_34 = vector.load %arg5[%get3A_32, %get3A_33] : memref<128x256xf32, #tpu.memory_space<vmem>>, vector<128x256xf32>
    %dot_general3A_35 = arith.constant dense<0.000000e+00> : vector<2000x256xf32>
    %dot_general3A_36 = tpu.matmul %get3A_31, %get3A_34, %dot_general3A_35 {dimension_numbers = #tpu.dot_dimension_numbers<[1], [0], [0], [1], [0, 0, 1, 1], [], []>, transpose_lhs_hint = false} : vector<2000x128xf32>, vector<128x256xf32>, vector<2000x256xf32> -> vector<2000x256xf32>
    %add3A_37 = arith.addf %dot_general3A_28, %dot_general3A_36 : vector<2000x256xf32>
    %get3A_38 = arith.constant 0 : index
    %get3A_39 = arith.constant 0 : index
    %get3A_40 = vector.load %arg6[%get3A_38, %get3A_39] : memref<1x256xf32, #tpu.memory_space<vmem>>, vector<1x256xf32>
    %get3A_41 = vector.shape_cast %get3A_40 : vector<1x256xf32> to vector<256xf32>
    %broadcast_in_dim3A_42 = vector.shape_cast %get3A_41 : vector<256xf32> to vector<1x256xf32>
    %add3A_43 = vector.broadcast %broadcast_in_dim3A_42 : vector<1x256xf32> to vector<2000x256xf32>
    %add3A_44 = arith.addf %add3A_37, %add3A_43 : vector<2000x256xf32>
    %max3A_45 = arith.constant 0.000000e+00 : f32
    %max3A_46 = vector.broadcast %max3A_45 : f32 to vector<2000x256xf32>
    %max3A_47 = arith.maximumf %add3A_44, %max3A_46 : vector<2000x256xf32>
    %slice3A = vector.extract_strided_slice %max3A_47 {offsets = [0, 0], sizes = [2000, 128], strides = [1, 1]} : vector<2000x256xf32> to vector<2000x128xf32>
    %swap3A = arith.constant 0 : index
    %swap3A_48 = arith.constant 0 : index
    %swap3A_49 = arith.constant 0 : index
    %swap3A_50 = vector.load %arg7[%swap3A, %swap3A_48, %swap3A_49] : memref<2x2000x128xf32, #tpu.memory_space<vmem>>, vector<1x2000x128xf32>
    %swap3A_51 = vector.shape_cast %swap3A_50 : vector<1x2000x128xf32> to vector<2000x128xf32>
    %swap3A_52 = vector.shape_cast %slice3A : vector<2000x128xf32> to vector<1x2000x128xf32>
    tpu.vector_store %arg7[%swap3A, %swap3A_48, %swap3A_49], %swap3A_52 {strides = array<i32>} : memref<2x2000x128xf32, #tpu.memory_space<vmem>>, vector<1x2000x128xf32>,
    %slice3A_53 = vector.extract_strided_slice %max3A_47 {offsets = [0, 128], sizes = [2000, 128], strides = [1, 1]} : vector<2000x256xf32> to vector<2000x128xf32>
    %swap3A_54 = arith.constant 1 : index
    %swap3A_55 = arith.constant 0 : index
    %swap3A_56 = arith.constant 0 : index
    %swap3A_57 = vector.load %arg7[%swap3A_54, %swap3A_55, %swap3A_56] : memref<2x2000x128xf32, #tpu.memory_space<vmem>>, vector<1x2000x128xf32>
    %swap3A_58 = vector.shape_cast %swap3A_57 : vector<1x2000x128xf32> to vector<2000x128xf32>
    %swap3A_59 = vector.shape_cast %slice3A_53 : vector<2000x128xf32> to vector<1x2000x128xf32>
    tpu.vector_store %arg7[%swap3A_54, %swap3A_55, %swap3A_56], %swap3A_59 {strides = array<i32>} : memref<2x2000x128xf32, #tpu.memory_space<vmem>>, vector<1x2000x128xf32>,
    return
  }
  func.func @transform_0(%arg0: i32) -> (i32, i32, i32) {
    %c0_i32 = arith.constant 0 : i32
    %c0_i32_0 = arith.constant 0 : i32
    %c0_i32_1 = arith.constant 0 : i32
    return %c0_i32, %arg0, %c0_i32_0 : i32, i32, i32
  }
  func.func @transform_1(%arg0: i32) -> (i32, i32, i32) {
    %c0_i32 = arith.constant 0 : i32
    %c0_i32_0 = arith.constant 0 : i32
    %c0_i32_1 = arith.constant 0 : i32
    return %c0_i32, %arg0, %c0_i32_0 : i32, i32, i32
  }
  func.func @transform_2(%arg0: i32) -> (i32, i32) {
    %c0_i32 = arith.constant 0 : i32
    %c0_i32_0 = arith.constant 0 : i32
    return %arg0, %c0_i32 : i32, i32
  }
  func.func @transform_3(%arg0: i32) -> (i32, i32) {
    %c0_i32 = arith.constant 0 : i32
    %c0_i32_0 = arith.constant 0 : i32
    %c0_i32_1 = arith.constant 0 : i32
    return %c0_i32, %c0_i32_0 : i32, i32
  }
  func.func @transform_4(%arg0: i32) -> (i32, i32) {
    %c0_i32 = arith.constant 0 : i32
    %c0_i32_0 = arith.constant 0 : i32
    %c0_i32_1 = arith.constant 0 : i32
    return %c0_i32, %c0_i32_0 : i32, i32
  }
  func.func @transform_5(%arg0: i32) -> (i32, i32) {
    %c0_i32 = arith.constant 0 : i32
    %c0_i32_0 = arith.constant 0 : i32
    %c0_i32_1 = arith.constant 0 : i32
    return %c0_i32, %c0_i32_0 : i32, i32
  }
  func.func @transform_6(%arg0: i32) -> (i32, i32, i32) {
    %c0_i32 = arith.constant 0 : i32
    %c0_i32_0 = arith.constant 0 : i32
    %c0_i32_1 = arith.constant 0 : i32
    return %c0_i32, %arg0, %c0_i32_0 : i32, i32, i32
  }
}

module attributes {stable_mosaic.version = 14 : i64} {
  func.func @_dense2_body(%arg0: i32, %arg1: memref<2x2000x128xf32, #tpu.memory_space<vmem>>, %arg2: memref<2x2000x128xf32, #tpu.memory_space<vmem>>, %arg3: memref<2x2000x128xf32, #tpu.memory_space<vmem>>, %arg4: memref<256x128xf32, #tpu.memory_space<vmem>>, %arg5: memref<256x128xf32, #tpu.memory_space<vmem>>, %arg6: memref<1x128xf32, #tpu.memory_space<vmem>>, %arg7: memref<256x128xf32, #tpu.memory_space<vmem>>, %arg8: memref<256x128xf32, #tpu.memory_space<vmem>>, %arg9: memref<1x128xf32, #tpu.memory_space<vmem>>, %arg10: memref<2000x128xf32, #tpu.memory_space<vmem>>, %arg11: memref<2000x128xf32, #tpu.memory_space<vmem>>) attributes {dimension_semantics = [#tpu.dimension_semantics<arbitrary>], iteration_bounds = array<i64: 5>, scalar_prefetch = 0 : i64, scratch_operands = 0 : i64, tpu.core_type = #tpu.core_type<tc>, window_params = [{transform_indices = @transform_0, window_bounds = array<i64: 2, 2000, 128>}, {transform_indices = @transform_1, window_bounds = array<i64: 2, 2000, 128>}, {transform_indices = @transform_2, window_bounds = array<i64: 2, 2000, 128>}, {pipeline_mode = #tpu.pipeline_mode<synchronous>, transform_indices = @transform_3, window_bounds = array<i64: 256, 128>}, {pipeline_mode = #tpu.pipeline_mode<synchronous>, transform_indices = @transform_4, window_bounds = array<i64: 256, 128>}, {pipeline_mode = #tpu.pipeline_mode<synchronous>, transform_indices = @transform_5, window_bounds = array<i64: 1, 128>}, {pipeline_mode = #tpu.pipeline_mode<synchronous>, transform_indices = @transform_6, window_bounds = array<i64: 256, 128>}, {pipeline_mode = #tpu.pipeline_mode<synchronous>, transform_indices = @transform_7, window_bounds = array<i64: 256, 128>}, {pipeline_mode = #tpu.pipeline_mode<synchronous>, transform_indices = @transform_8, window_bounds = array<i64: 1, 128>}, {transform_indices = @transform_9, window_bounds = array<i64: 2000, 128>}, {transform_indices = @transform_10, window_bounds = array<i64: 2000, 128>}]} {
    %get3A = arith.constant 0 : index
    %get3A_0 = arith.constant 0 : index
    %get3A_1 = arith.constant 0 : index
    %get3A_2 = vector.load %arg1[%get3A, %get3A_0, %get3A_1] : memref<2x2000x128xf32, #tpu.memory_space<vmem>>, vector<1x2000x1xf32>
    %get3A_3 = vector.shape_cast %get3A_2 : vector<1x2000x1xf32> to vector<2000xf32>
    %get3A_4 = arith.constant 1 : index
    %get3A_5 = arith.constant 0 : index
    %get3A_6 = arith.constant 0 : index
    %get3A_7 = vector.load %arg1[%get3A_4, %get3A_5, %get3A_6] : memref<2x2000x128xf32, #tpu.memory_space<vmem>>, vector<1x2000x1xf32>
    %get3A_8 = vector.shape_cast %get3A_7 : vector<1x2000x1xf32> to vector<2000xf32>
    %add3A = arith.addf %get3A_3, %get3A_8 : vector<2000xf32>
    %max3A = arith.constant 1.000000e+00 : f32
    %max3A_9 = vector.broadcast %max3A : f32 to vector<2000xf32>
    %max3A_10 = arith.maximumf %add3A, %max3A_9 : vector<2000xf32>
    %div3A = arith.constant 1.000000e+00 : f32
    %div3A_11 = vector.broadcast %div3A : f32 to vector<2000xf32>
    %div3A_12 = arith.divf %div3A_11, %max3A_10 : vector<2000xf32>
    %get3A_13 = arith.constant 0 : index
    %get3A_14 = arith.constant 0 : index
    %get3A_15 = arith.constant 0 : index
    %get3A_16 = vector.load %arg2[%get3A_13, %get3A_14, %get3A_15] : memref<2x2000x128xf32, #tpu.memory_space<vmem>>, vector<1x2000x128xf32>
    %get3A_17 = vector.shape_cast %get3A_16 : vector<1x2000x128xf32> to vector<2000x128xf32>
    %get3A_18 = arith.constant 1 : index
    %get3A_19 = arith.constant 0 : index
    %get3A_20 = arith.constant 0 : index
    %get3A_21 = vector.load %arg2[%get3A_18, %get3A_19, %get3A_20] : memref<2x2000x128xf32, #tpu.memory_space<vmem>>, vector<1x2000x128xf32>
    %get3A_22 = vector.shape_cast %get3A_21 : vector<1x2000x128xf32> to vector<2000x128xf32>
    %concatenate3A = tpu.concatenate %get3A_17, %get3A_22 in 1 : vector<2000x128xf32>, vector<2000x128xf32> -> vector<2000x256xf32>
    %broadcast_in_dim3A = vector.shape_cast %div3A_12 : vector<2000xf32> to vector<2000x1xf32>
    %mul3A = vector.broadcast %broadcast_in_dim3A : vector<2000x1xf32> to vector<2000x256xf32>
    %mul3A_23 = arith.mulf %concatenate3A, %mul3A : vector<2000x256xf32>
    %get3A_24 = arith.constant 0 : index
    %get3A_25 = arith.constant 0 : index
    %get3A_26 = arith.constant 0 : index
    %get3A_27 = vector.load %arg3[%get3A_24, %get3A_25, %get3A_26] : memref<2x2000x128xf32, #tpu.memory_space<vmem>>, vector<1x2000x128xf32>
    %get3A_28 = vector.shape_cast %get3A_27 : vector<1x2000x128xf32> to vector<2000x128xf32>
    %get3A_29 = arith.constant 1 : index
    %get3A_30 = arith.constant 0 : index
    %get3A_31 = arith.constant 0 : index
    %get3A_32 = vector.load %arg3[%get3A_29, %get3A_30, %get3A_31] : memref<2x2000x128xf32, #tpu.memory_space<vmem>>, vector<1x2000x128xf32>
    %get3A_33 = vector.shape_cast %get3A_32 : vector<1x2000x128xf32> to vector<2000x128xf32>
    %concatenate3A_34 = tpu.concatenate %get3A_28, %get3A_33 in 1 : vector<2000x128xf32>, vector<2000x128xf32> -> vector<2000x256xf32>
    %get3A_35 = arith.constant 0 : index
    %get3A_36 = arith.constant 0 : index
    %get3A_37 = vector.load %arg4[%get3A_35, %get3A_36] : memref<256x128xf32, #tpu.memory_space<vmem>>, vector<256x128xf32>
    %dot_general3A = arith.constant dense<0.000000e+00> : vector<2000x128xf32>
    %dot_general3A_38 = tpu.matmul %mul3A_23, %get3A_37, %dot_general3A {dimension_numbers = #tpu.dot_dimension_numbers<[1], [0], [0], [1], [0, 0, 1, 1], [], []>, transpose_lhs_hint = false} : vector<2000x256xf32>, vector<256x128xf32>, vector<2000x128xf32> -> vector<2000x128xf32>
    %get3A_39 = arith.constant 0 : index
    %get3A_40 = arith.constant 0 : index
    %get3A_41 = vector.load %arg5[%get3A_39, %get3A_40] : memref<256x128xf32, #tpu.memory_space<vmem>>, vector<256x128xf32>
    %dot_general3A_42 = arith.constant dense<0.000000e+00> : vector<2000x128xf32>
    %dot_general3A_43 = tpu.matmul %concatenate3A_34, %get3A_41, %dot_general3A_42 {dimension_numbers = #tpu.dot_dimension_numbers<[1], [0], [0], [1], [0, 0, 1, 1], [], []>, transpose_lhs_hint = false} : vector<2000x256xf32>, vector<256x128xf32>, vector<2000x128xf32> -> vector<2000x128xf32>
    %add3A_44 = arith.addf %dot_general3A_38, %dot_general3A_43 : vector<2000x128xf32>
    %get3A_45 = arith.constant 0 : index
    %get3A_46 = arith.constant 0 : index
    %get3A_47 = vector.load %arg6[%get3A_45, %get3A_46] : memref<1x128xf32, #tpu.memory_space<vmem>>, vector<1x128xf32>
    %get3A_48 = vector.shape_cast %get3A_47 : vector<1x128xf32> to vector<128xf32>
    %broadcast_in_dim3A_49 = vector.shape_cast %get3A_48 : vector<128xf32> to vector<1x128xf32>
    %add3A_50 = vector.broadcast %broadcast_in_dim3A_49 : vector<1x128xf32> to vector<2000x128xf32>
    %add3A_51 = arith.addf %add3A_44, %add3A_50 : vector<2000x128xf32>
    %swap3A = arith.constant 0 : index
    %swap3A_52 = arith.constant 0 : index
    %swap3A_53 = vector.load %arg10[%swap3A, %swap3A_52] : memref<2000x128xf32, #tpu.memory_space<vmem>>, vector<2000x128xf32>
    tpu.vector_store %arg10[%swap3A, %swap3A_52], %add3A_51 {strides = array<i32>} : memref<2000x128xf32, #tpu.memory_space<vmem>>, vector<2000x128xf32>,
    %get3A_54 = arith.constant 0 : index
    %get3A_55 = arith.constant 0 : index
    %get3A_56 = vector.load %arg7[%get3A_54, %get3A_55] : memref<256x128xf32, #tpu.memory_space<vmem>>, vector<256x128xf32>
    %dot_general3A_57 = arith.constant dense<0.000000e+00> : vector<2000x128xf32>
    %dot_general3A_58 = tpu.matmul %mul3A_23, %get3A_56, %dot_general3A_57 {dimension_numbers = #tpu.dot_dimension_numbers<[1], [0], [0], [1], [0, 0, 1, 1], [], []>, transpose_lhs_hint = false} : vector<2000x256xf32>, vector<256x128xf32>, vector<2000x128xf32> -> vector<2000x128xf32>
    %get3A_59 = arith.constant 0 : index
    %get3A_60 = arith.constant 0 : index
    %get3A_61 = vector.load %arg8[%get3A_59, %get3A_60] : memref<256x128xf32, #tpu.memory_space<vmem>>, vector<256x128xf32>
    %dot_general3A_62 = arith.constant dense<0.000000e+00> : vector<2000x128xf32>
    %dot_general3A_63 = tpu.matmul %concatenate3A_34, %get3A_61, %dot_general3A_62 {dimension_numbers = #tpu.dot_dimension_numbers<[1], [0], [0], [1], [0, 0, 1, 1], [], []>, transpose_lhs_hint = false} : vector<2000x256xf32>, vector<256x128xf32>, vector<2000x128xf32> -> vector<2000x128xf32>
    %add3A_64 = arith.addf %dot_general3A_58, %dot_general3A_63 : vector<2000x128xf32>
    %get3A_65 = arith.constant 0 : index
    %get3A_66 = arith.constant 0 : index
    %get3A_67 = vector.load %arg9[%get3A_65, %get3A_66] : memref<1x128xf32, #tpu.memory_space<vmem>>, vector<1x128xf32>
    %get3A_68 = vector.shape_cast %get3A_67 : vector<1x128xf32> to vector<128xf32>
    %broadcast_in_dim3A_69 = vector.shape_cast %get3A_68 : vector<128xf32> to vector<1x128xf32>
    %add3A_70 = vector.broadcast %broadcast_in_dim3A_69 : vector<1x128xf32> to vector<2000x128xf32>
    %add3A_71 = arith.addf %add3A_64, %add3A_70 : vector<2000x128xf32>
    %swap3A_72 = arith.constant 0 : index
    %swap3A_73 = arith.constant 0 : index
    %swap3A_74 = vector.load %arg11[%swap3A_72, %swap3A_73] : memref<2000x128xf32, #tpu.memory_space<vmem>>, vector<2000x128xf32>
    tpu.vector_store %arg11[%swap3A_72, %swap3A_73], %add3A_71 {strides = array<i32>} : memref<2000x128xf32, #tpu.memory_space<vmem>>, vector<2000x128xf32>,
    return
  }
  func.func @transform_0(%arg0: i32) -> (i32, i32, i32) {
    %c0_i32 = arith.constant 0 : i32
    %c0_i32_0 = arith.constant 0 : i32
    %c0_i32_1 = arith.constant 0 : i32
    return %c0_i32, %arg0, %c0_i32_0 : i32, i32, i32
  }
  func.func @transform_1(%arg0: i32) -> (i32, i32, i32) {
    %c0_i32 = arith.constant 0 : i32
    %c0_i32_0 = arith.constant 0 : i32
    %c0_i32_1 = arith.constant 0 : i32
    return %c0_i32, %arg0, %c0_i32_0 : i32, i32, i32
  }
  func.func @transform_2(%arg0: i32) -> (i32, i32, i32) {
    %c0_i32 = arith.constant 0 : i32
    %c0_i32_0 = arith.constant 0 : i32
    %c0_i32_1 = arith.constant 0 : i32
    return %c0_i32, %arg0, %c0_i32_0 : i32, i32, i32
  }
  func.func @transform_3(%arg0: i32) -> (i32, i32) {
    %c0_i32 = arith.constant 0 : i32
    %c0_i32_0 = arith.constant 0 : i32
    %c0_i32_1 = arith.constant 0 : i32
    return %c0_i32, %c0_i32_0 : i32, i32
  }
  func.func @transform_4(%arg0: i32) -> (i32, i32) {
    %c0_i32 = arith.constant 0 : i32
    %c0_i32_0 = arith.constant 0 : i32
    %c0_i32_1 = arith.constant 0 : i32
    return %c0_i32, %c0_i32_0 : i32, i32
  }
  func.func @transform_5(%arg0: i32) -> (i32, i32) {
    %c0_i32 = arith.constant 0 : i32
    %c0_i32_0 = arith.constant 0 : i32
    %c0_i32_1 = arith.constant 0 : i32
    return %c0_i32, %c0_i32_0 : i32, i32
  }
  func.func @transform_6(%arg0: i32) -> (i32, i32) {
    %c0_i32 = arith.constant 0 : i32
    %c0_i32_0 = arith.constant 0 : i32
    %c0_i32_1 = arith.constant 0 : i32
    return %c0_i32, %c0_i32_0 : i32, i32
  }
  func.func @transform_7(%arg0: i32) -> (i32, i32) {
    %c0_i32 = arith.constant 0 : i32
    %c0_i32_0 = arith.constant 0 : i32
    %c0_i32_1 = arith.constant 0 : i32
    return %c0_i32, %c0_i32_0 : i32, i32
  }
  func.func @transform_8(%arg0: i32) -> (i32, i32) {
    %c0_i32 = arith.constant 0 : i32
    %c0_i32_0 = arith.constant 0 : i32
    %c0_i32_1 = arith.constant 0 : i32
    return %c0_i32, %c0_i32_0 : i32, i32
  }
  func.func @transform_9(%arg0: i32) -> (i32, i32) {
    %c0_i32 = arith.constant 0 : i32
    %c0_i32_0 = arith.constant 0 : i32
    return %arg0, %c0_i32 : i32, i32
  }
  func.func @transform_10(%arg0: i32) -> (i32, i32) {
    %c0_i32 = arith.constant 0 : i32
    %c0_i32_0 = arith.constant 0 : i32
    return %arg0, %c0_i32 : i32, i32
  }
}

</mosaic_0001>

<sc_bundles>
// kernel: kernel.10.cloned.1.call-start
scs
__scs_entry_jumppad:
0x0: {  	(pc) =	sbr.rel $0x88, $3  }
0x1: {  	(tag) =	ssettag $0x0;
	lr =	simm.s32 $0x1  }
0x2: {  	[smem:$0x3F96] =	sst lr;
	_ =	strace $0xD0000000  }
0x3: {  	_ = 	snop  }
0x4: {  	_ = 	snop  }
0x5: {  	_ = 	snop  }
0x6: {  	_ = 	snop  }
0x7: {  	_ = 	snop  }
__scs_overlays_trampoline_lowered:
0x8: {  	[smem:$0x3FA5] =	sst s0  }
0x9: {  	[smem:$0x3FA6] =	sst s1  }
0xa: {  	[smem:$0x3FA7] =	sst s2  }
0xb: {  	[smem:$0x3FA8] =	sst s3  }
0xc: {  	[smem:$0x3FA9] =	sst s4  }
0xd: {  	[smem:$0x3FAA] =	sst s5  }
0xe: {  	[smem:$0x3FAB] =	sst s6  }
0xf: {  	[smem:$0x3FAC] =	sst s7  }
0x10: {  	[smem:$0x3FAD] =	sst s8  }
0x11: {  	[smem:$0x3FAE] =	sst s9;
	s0 =	simm.s32 @!p0 $0x0  }
0x12: {  	s1 =	sld [smem:$0x3F94];
	s0 =	simm.s32 @p0 $0x1  }
0x13: {  	[smem:$0x3FAF] =	sst s0;
	s0 =	simm.s32 @!p1 $0x0  }
0x14: {  	s2 =	sld [smem:$0x3F93];
	s0 =	simm.s32 @p1 $0x1  }
0x15: {  	[smem:$0x3FB0] =	sst s0;
	s0 =	simm.s32 @!p2 $0x0  }
0x16: {  	s3 =	sld [smem:$0x3FDB];
	s0 =	simm.s32 @p2 $0x1  }
0x17: {  	s4 =	simm.s32 $0x1BF5;
	[smem:$0x3FB2] =	sst s0  }
0x18: {  	s0 =	sld [smem:$0x3F95];
	_ =	swait.ge [sflag:s4], $0x0  }
0x19: {  	s7 =	sld [smem:$0x3F96]  }
0x1a: {  	s8 =	sadd.s32 $0xFFFFE003, lr  }
0x1b: {  	s9 =	sadd.s32 $0xFFFFFEF7, lr;
	s5 =	simm.s32 $0xFFFFFFFF;
	p2 =	slt.u32 s8, $0xFFFFF086  }
0x1c: {  	p1 =	slt.u32 s9, $0xF7A;
	s5 =	simm.s32 @!p2 $0x0  }
0x1d: {  	s5 =	simm.s32 @p1 $0x1;
	p0 =	seq.s32 s7, s2  }
0x1e: {  	s7 =	smul.u32 @!p0 $0xF7A, s2;
	p2 =	seq.s32 @!p0 s5, $0x0  }
0x1f: {  	s9 =	smul.u32 $0xF7A, s1;
	s8 =	simm.s32 @!p0 $0x1BF5;
	p2 =	por !p2, p0  }
0x20: {  	[sflag:s8] =	ssyncset.s32 @!p0 $0xFFFFF086;
	s6 =	sadd.s32 @!p0 s3, s7;
	s7 =	simm.s32 @!p0 $0x108  }
0x21: {  	s3 =	sadd.s32 s3, s9;
	s6 =	sadd.s32 @!p0 $0x88, s6;
	s7 =	simm.s32 @p2 $0x1082  }
0x22: {  	[simem:s7], [sflag:s8] =	dma.local @!p0 [hbm:s6], $0xF7A  }
0x23: {  	s9 =	sor.u32 $0xD0000000, s2;
	s6 =	simm.s32 $0x108;
	_ =	swait.ge @!p0 [sflag:s8], $0x0  }
0x24: {  	s3 =	sadd.s32 $0x88, s3;
	s6 =	simm.s32 @!p1 $0x1082;
	[sflag:s4] =	ssyncset.s32 $0xFFFFF086  }
0x25: {  	[simem:s6], [sflag:s4] =	dma.local [hbm:s3], $0xF7A  }
0x26: {  	[smem:$0x3F96] =	sst s1;
	(tag) =	ssettag s2;
	_ =	strace s9  }
0x27: {  	s1 =	sld [smem:$0x3FA6]  }
0x28: {  	s2 =	sld [smem:$0x3FA7]  }
0x29: {  	s4 =	sld [smem:$0x3FA9]  }
0x2a: {  	p0 =	seq.s32 s5, $0x0;
	s5 =	sld [smem:$0x3FAA]  }
0x2b: {  	s6 =	sld [smem:$0x3FAB]  }
0x2c: {  	s7 =	sld [smem:$0x3FAC]  }
0x2d: {  	s3 =	simm.s32 $0x108;
	s8 =	sld [smem:$0x3FAD]  }
0x2e: {  	s3 =	simm.s32 @!p0 $0x1082;
	s9 =	sld [smem:$0x3FAE]  }
0x2f: {  	lr =	sadd.s32 s0, s3;
	s0 =	sld [smem:$0x3FA5]  }
0x30: {  	s3 =	sld [smem:$0x3FA8]  }
0x31: {  	[smem:$0x3FB1] =	sst s10  }
0x32: {  	s10 =	sld [smem:$0x3FAF];
	_ =	sdelay $0x3  }
0x33: {  	p0 =	seq.s32 s10, $0x1;
	s10 =	sld [smem:$0x3FB1];
	_ =	sdelay $0x3  }
0x34: {  	[smem:$0x3FB1] =	sst s10  }
0x35: {  	s10 =	sld [smem:$0x3FB0];
	_ =	sdelay $0x3  }
0x36: {  	p1 =	seq.s32 s10, $0x1;
	s10 =	sld [smem:$0x3FB1];
	_ =	sdelay $0x3  }
0x37: {  	[smem:$0x3FB1] =	sst s10  }
0x38: {  	s10 =	sld [smem:$0x3FB2]  }
0x39: {  	_ = 	snop;
	(pc) =	sbr.ind lr, $3  }
0x3a: {  	_ = 	snop  }
0x3b: {  	_ = 	snop  }
0x3c: {  	p2 =	seq.s32 s10, $0x1;
	s10 =	sld [smem:$0x3FB1]  }
0x3d: {  	_ =	shalt  }
0x3e: {  	_ =	shalt  }
0x3f: {  	_ =	shalt  }
0x40: {  	_ =	shalt  }
0x41: {  	_ =	shalt  }
0x42: {  	_ =	shalt  }
0x43: {  	_ =	shalt  }
0x44: {  	_ =	shalt  }
0x45: {  	_ =	shalt  }
0x46: {  	_ =	shalt  }
0x47: {  	_ =	shalt  }
0x48: {  	_ =	shalt  }
0x49: {  	_ =	shalt  }
0x4a: {  	_ =	shalt  }
0x4b: {  	_ =	shalt  }
0x4c: {  	_ =	shalt  }
0x4d: {  	_ =	shalt  }
0x4e: {  	_ =	shalt  }
0x4f: {  	_ =	shalt  }
0x50: {  	_ =	shalt  }
0x51: {  	_ =	shalt  }
0x52: {  	_ =	shalt  }
0x53: {  	_ =	shalt  }
0x54: {  	_ =	shalt  }
0x55: {  	_ =	shalt  }
0x56: {  	_ =	shalt  }
0x57: {  	_ =	shalt  }
0x58: {  	_ =	shalt  }
0x59: {  	_ =	shalt  }
0x5a: {  	_ =	shalt  }
0x5b: {  	_ =	shalt  }
0x5c: {  	_ =	shalt  }
0x5d: {  	_ =	shalt  }
0x5e: {  	_ =	shalt  }
0x5f: {  	_ =	shalt  }
0x60: {  	_ =	shalt  }
0x61: {  	_ =	shalt  }
0x62: {  	_ =	shalt  }
0x63: {  	_ =	shalt  }
0x64: {  	_ =	shalt  }
0x65: {  	_ =	shalt  }
0x66: {  	_ =	shalt  }
0x67: {  	_ =	shalt  }
0x68: {  	_ =	shalt  }
0x69: {  	_ =	shalt  }
0x6a: {  	_ =	shalt  }
0x6b: {  	_ =	shalt  }
0x6c: {  	_ =	shalt  }
0x6d: {  	_ =	shalt  }
0x6e: {  	_ =	shalt  }
0x6f: {  	_ =	shalt  }
0x70: {  	_ =	shalt  }
0x71: {  	_ =	shalt  }
0x72: {  	_ =	shalt  }
0x73: {  	_ =	shalt  }
0x74: {  	_ =	shalt  }
0x75: {  	_ =	shalt  }
0x76: {  	_ =	shalt  }
0x77: {  	_ =	shalt  }
0x78: {  	_ =	shalt  }
0x79: {  	_ =	shalt  }
0x7a: {  	_ =	shalt  }
0x7b: {  	_ =	shalt  }
0x7c: {  	_ =	shalt  }
0x7d: {  	_ =	shalt  }
0x7e: {  	_ =	shalt  }
0x7f: {  	_ =	shalt  }
0x80: {  	_ =	shalt  }
0x81: {  	_ =	shalt  }
0x82: {  	_ =	shalt  }
0x83: {  	_ =	shalt  }
0x84: {  	_ =	shalt  }
0x85: {  	_ =	shalt  }
0x86: {  	_ =	shalt  }
0x87: {  	_ =	shalt  }
.Lfunc_end0:
.L_simem_size_0:
called_computation.1_lowered:
.L_overlay_start_0:
0x88: {  	s2 =	sld [smem:$0x3FD9]  }
0x89: {  	s3 =	sld [smem:$0x3FFE];
	_ =	sdelay $0x1  }
0x8a: {  	s1 =	srdreg.scid  }
0x8b: {  	s0 =	sand.u32 $0x1, s1  }
0x8c: {  	s14 =	sshll.u32 s0, $0xA;
	s2 =	sadd.s32 s3, s2  }
0x8d: {  	s2 =	sadd.s32 s2, s14  }
0x8e: {  	[smem:$0x3FBD] =	sst s2  }
0x8f: {  	_ = 	snop  }
0x90: {  	s2 =	sld [smem:$0x3FD0];
	_ =	sdelay $0x2  }
0x91: {  	s4 =	simm.s32 $0xB;
	s5 =	simm.s32 $0x10;
	s15 =	sld [smem:$0x3FC9]  }
0x92: {  	[smem:s5], [sflag:s4] =	dma.local [hbm:s2], $0x1  }
0x93: {  	_ =	swait.eq [sflag:s4], $0x1  }
0x94: {  	[sflag:s4] =	ssyncset.done $0x0  }
0x95: {  	[sflag:s4] =	ssyncadd.s32 $0xFFFFFFFF  }
0x96: {  	s16 =	sld [smem:$0x11];
	(tm) =	ssettm $0x1  }
0x97: {  	s17 =	sld [smem:$0x3FFB];
	_ =	sdelay $0x3  }
0x98: {  	_ =	strace s17  }
0x99: {  	s4 =	sld [smem:$0x3FFC];
	_ =	sdelay $0x3  }
0x9a: {  	_ =	strace s4  }
0x9b: {  	s4 =	sld [smem:$0x3FFD];
	_ =	sdelay $0x3  }
0x9c: {  	_ =	strace s4  }
0x9d: {  	_ =	strace $0x8FFFFFFF  }
0x9e: {  	s18 =	sld [smem:$0x3FDB];
	_ =	sdelay $0x1  }
0x9f: {  	s19 =	simm.s32 $_scs_section_size  }
0xa0: {  	s6 =	simm.s32 $_size__tile_overlayer_lowered;
	s7 =	simm.s32 $_tile_overlayer_lowered  }
0xa1: {  	s22 =	simm.s32 $0x1BFF;
	s21 =	sshll.u32 s7, $0x1;
	s4 =	sadd.s32 s19, s18  }
0xa2: {  	s8 =	simm.s32 $0x0;
	s20 =	sshll.u32 s6, $0x1;
	s6 =	sadd.s32 s21, s4  }
0xa3: {  	[timem:s8], [sflag:s22] =	dma.local [hbm:s6], s20  }
0xa4: {  	_ =	swait.ge [sflag:s22], s20  }
0xa5: {  	s5 =	ssub.s32 $0x0, s20;
	[sflag:s22] =	ssyncset.done $0x0  }
0xa6: {  	[sflag:s22] =	ssyncadd.s32 s5;
	_ =	sdelay $0x1  }
0xa7: {  	s23 =	simm.s32 $0x1B8B  }
0xa8: {  	_ =	swait.ge [sflag:s23], $0x1  }
0xa9: {  	[sflag:s23] =	ssyncset.done $0x0  }
0xaa: {  	s25 =	simm.s32 $0x1B8E;
	s24 =	sld [smem:$0x3FFE];
	[sflag:s23] =	ssyncadd.s32 $0xFFFFFFFF  }
0xab: {  	s26 =	simm.s32 $execute0_lowered;
	[smem:$0x3FD2] =	sst s25  }
0xac: {  	s6 =	sshll.u32 s26, $0x1;
	_ =	strace $0x80000046;
	[dreg:$0x1] =	wrdreg $0xFFFFFFFF  }
0xad: {  	s28 =	simm.s32 $_size_execute0_lowered;
	s4 =	sadd.s32 s4, s6;
	[dreg:$0x0] =	wrdreg $0x0  }
0xae: {  	s6 =	sshll.u32 s28, $0x1;
	[dreg:$0x2] =	wrdreg s4  }
0xaf: {  	[dreg:$0x3] =	wrdreg s6  }
0xb0: {  	[dreg:$0x4] =	wrdreg $0xC0  }
0xb1: {  	_ =	task [dreg:s8], $0x5FFFF  }
0xb2: {  	[dreg:$0x1] =	wrdreg $0xFFFFFFFF  }
0xb3: {  	[dreg:$0x0] =	wrdreg $0x60  }
0xb4: {  	[dreg:$0x2] =	wrdreg s15  }
0xb5: {  	[dreg:$0x3] =	wrdreg s24  }
0xb6: {  	[dreg:$0x4] =	wrdreg s16  }
0xb7: {  	[dreg:$0x5] =	wrdreg $0x88000  }
0xb8: {  	[dreg:$0x6] =	wrdreg $0xA  }
0xb9: {  	_ =	task.clear_ibuf [dreg:s8], $0x7FFFF;
	_ =	strace $0x90000046  }
0xba: {  	s29 =	simm.s32 $0xA;
	_ =	strace $0x80000048  }
0xbb: {  	_ =	swait.ge [sflag:s29], $0x1  }
0xbc: {  	[sflag:s29] =	ssyncadd.s32 $0xFFFFFFFF  }
0xbd: {  	_ =	strace $0x90000048  }
0xbe: {  	_ =	sfence  }
0xbf: {  	s30 =	sld [smem:$0x0];
	_ =	sdelay $0x2  }
0xc0: {  	s31 =	sshll.u32 s1, $0xD;
	s1 =	sshrl.u32 s1, $0x2  }
0xc1: {  	s3 =	sand.u32 $0x4000, s31;
	s1 =	sadd.s32 s1, s30  }
0xc2: {  	s0 =	sor.u32 s3, s0;
	s1 =	sshll.u32 s1, $0x11  }
0xc3: {  	s0 =	sor.u32 s1, s0  }
0xc4: {  	s0 =	sadd.s32 $0x8F2B, s0  }
0xc5: {  	[sflag:s0] =	ssyncadd.remote.s32 $0x1  }
0xc6: {  	_ =	sfence.sel $0xFFFF  }
0xc7: {  	[dreg:$0x0] =	wrdreg $0xFFFFFFFF;
	(pc) =	sbr.abs _section_cstart, $3  }
0xc8: {  	[dreg:$0x1] =	wrdreg $0xFFFFFFFF  }
0xc9: {  	_ =	task.clear_ibuf [dreg:s8], $0x2FFFF;
	_ =	strace $0x9FFFFFFF  }
0xca: {  	(tm) =	ssettm $0x7FFFFFFF  }
0xcb: {  	_ =	shalt  }
tec
execute0_lowered:
.L_overlay_start_1:
0x0: {  	(tag) =	ssettag $0x1  }
0x1: {  	s0 =	rddreg [dreg:$0x0]  }
0x2: {  	s1 =	rddreg [dreg:$0x1]  }
0x3: {  	s2 =	srdreg.scid;
	s6 =	rddreg [dreg:$0x2]  }
0x4: {  	s12 =	stileid.u32;
	s3 =	rddreg [dreg:$0x3]  }
0x5: {  	s4 =	simm.s32 $0x0;
	s15 =	simm.s32 $0x800;
	s16 =	simm.s32 $0x5  }
0x6: {  	s17 =	simm.s32 $0x400;
	s18 =	simm.s32 $0x80;
	s7 =	smul.u32 $0x2800, s12  }
0x7: {  	s28 =	simm.s32 $0x500;
	s29 =	simm.s32 $0x580;
	s19 =	smul.u32 $0x4E000, s12  }
0x8: {  	s30 =	simm.s32 $0x200;
	s2 =	sand.u32 $0x1, s2;
	s11 =	smul.u32 $0x2700, s12  }
0x9: {  	s31 =	simm.s32 $0x280;
	[smem:$0x7FF] =	sst s4;
	s5 =	smul.u32 $0x78000, s2  }
0xa: {  	s23 =	sadd.s32 $0x138000, s3;
	p0 =	sne.s32 s12, $0xF;
	s20 =	smul.u32 $0x138800, s2  }
0xb: {  	_ =	strace $0x80000047;
	s9 =	ssub.s32 $0x2, s2;
	s2 =	smul.u32 $0x27100, s2  }
0xc: {  	[dreg:$0xb] =	wrdreg s23;
	s23 =	simm.s32 $0x3;
	s10 =	sshrl.u32 s9, $0x1  }
0xd: {  	s5 =	sadd.s32 s7, s5;
	s9 =	ssub.s32 s9, s10;
	s10 =	sshrl.u32 s20, $0x3  }
0xe: {  	s2 =	sadd.s32 s11, s2;
	s20 =	simm.s32 $0x1;
	s11 =	simm.s32 $0x0  }
0xf: {  	s7 =	sshrl.u32 s5, $0x3;
	s5 =	sshrl.u32 s19, $0x2;
	s26 =	smax.u32 s9, $0x1  }
0x10: {  	s19 =	simm.s32 $0x4800;
	s9 =	simm.s32 $0x780;
	s8 =	sadd.s32 s7, s1  }
0x11: {  	s1 =	sadd.s32 $0x17200, s1;
	s5 =	sadd.s32 s5, s3;
	[dreg:$0xe] =	wrdreg s26  }
0x12: {  	s25 =	sadd.s32 s7, s6;
	s26 =	simm.s32 $0x180;
	[dreg:$0x6] =	wrdreg s5  }
0x13: {  	s6 =	simm.s32 $0x300;
	s13 =	sadd.s32 $0x4000, s5;
	[dreg:$0x5] =	wrdreg s25  }
0x14: {  	s7 =	simm.s32 $0x380;
	s21 =	sadd.s32 $0x8000, s5;
	[dreg:$0x7] =	wrdreg s13  }
0x15: {  	s22 =	sadd.s32 $0xC000, s5;
	s5 =	sadd.s32 $0x10000, s5;
	[dreg:$0x8] =	wrdreg s21  }
0x16: {  	s10 =	sadd.s32 s1, s10;
	s1 =	sadd.s32 s1, s2;
	[dreg:$0x9] =	wrdreg s22  }
0x17: {  	s14 =	sadd.s32 $0x3200, s8;
	s25 =	simm.s32 $0x100;
	[dreg:$0xa] =	wrdreg s5  }
0x18: {  	s2 =	simm.s32 $0x600;
	s8 =	simm.s32 $0x700;
	[dreg:$0xc] =	wrdreg s1  }
0x19: {  	s24 =	sadd.s32 $0x27000, s10;
	s21 =	simm.s32 $0x2;
	s22 =	simm.s32 $0x480  }
0x1a: {  	v0 =	vimm.f32 $0.0e+00;
	s1 =	simm.s32 $0x680;
	[dreg:$0xd] =	wrdreg s24;
	s24 =	simm.s32 $0x4  }
.LBB2_1:
0x1b: {  	s12 =	simm.s32 $0x0;
	s13 =	simm.s32 $0x200  }
.LBB2_2:
0x1c: {  	p1 =	sne.s32 s13, $0xFE00;
	[tilespmem:s12+$0x870] =	vst v0  }
0x1d: {  	[tilespmem:s12+$0x800] =	vst v0  }
0x1e: {  	[tilespmem:s12+$0x810] =	vst v0  }
.Ltmp0:
0x1f: {  	[tilespmem:s12+$0x820] =	vst v0;
	(pc) =	sbr.rel @p1 .LBB2_2-.Ltmp0, $4  }
0x20: {  	[tilespmem:s12+$0x830] =	vst v0  }
0x21: {  	[tilespmem:s12+$0x840] =	vst v0  }
0x22: {  	[tilespmem:s12+$0x850] =	vst v0  }
0x23: {  	[tilespmem:s12+$0x860] =	vst v0;
	s12 =	sshra.s32 s13, $0x2;
	s13 =	sadd.s32 $0x200, s13  }
0x24: {  	[tilespmem:s12+$0x870] =	vst v0  }
0x25: {  	[tilespmem:s12+$0x800] =	vst v0  }
0x26: {  	[tilespmem:s12+$0x810] =	vst v0  }
0x27: {  	[tilespmem:s12+$0x820] =	vst v0  }
0x28: {  	[tilespmem:s12+$0x830] =	vst v0  }
0x29: {  	[tilespmem:s12+$0x840] =	vst v0  }
0x2a: {  	[dreg:$0xf] =	wrdreg s11;
	[tilespmem:s12+$0x850] =	vst v0  }
0x2b: {  	[tilespmem:s12+$0x860] =	vst v0;
	s5 =	rddreg [dreg:$0x6]  }
0x2c: {  	[spmem:s5] =	stream.linear.scatter [tilespmem:s15], [sflag:$0x5], $0x4000, $0x38;
	[tilespmem:$0x1C0C0] =	vst v63  }
0x2d: {  	_ =	swait.ge [sflag:s16], $0x4000  }
0x2e: {  	[sflag:s16] =	ssyncset.done $0x0  }
0x2f: {  	s12 =	rddreg [dreg:$0x7];
	[sflag:s16] =	ssyncadd.s32 $0xFFFFC000  }
0x30: {  	[spmem:s12] =	stream.linear.scatter [tilespmem:s15], [sflag:$0x5], $0x4000, $0x38;
	[tilespmem:$0x1C0C0] =	vst v63  }
0x31: {  	_ =	swait.ge [sflag:s16], $0x4000  }
0x32: {  	[sflag:s16] =	ssyncset.done $0x0  }
0x33: {  	s13 =	rddreg [dreg:$0x8];
	[sflag:s16] =	ssyncadd.s32 $0xFFFFC000  }
0x34: {  	[spmem:s13] =	stream.linear.scatter [tilespmem:s15], [sflag:$0x5], $0x4000, $0x38;
	[tilespmem:$0x1C0C0] =	vst v63  }
0x35: {  	_ =	swait.ge [sflag:s16], $0x4000  }
0x36: {  	[sflag:s16] =	ssyncset.done $0x0  }
0x37: {  	s10 =	rddreg [dreg:$0x9];
	[sflag:s16] =	ssyncadd.s32 $0xFFFFC000  }
0x38: {  	[spmem:s10] =	stream.linear.scatter [tilespmem:s15], [sflag:$0x5], $0x4000, $0x38;
	[tilespmem:$0x1C0C0] =	vst v63  }
0x39: {  	_ =	swait.ge [sflag:s16], $0x4000  }
0x3a: {  	[sflag:s16] =	ssyncset.done $0x0  }
0x3b: {  	s11 =	rddreg [dreg:$0xa];
	[sflag:s16] =	ssyncadd.s32 $0xFFFFC000  }
0x3c: {  	[spmem:s11] =	stream.linear.scatter [tilespmem:s15], [sflag:$0x5], $0x3800, $0x38;
	[tilespmem:$0x1C0C0] =	vst v63  }
0x3d: {  	_ =	swait.ge [sflag:s16], $0x3800  }
0x3e: {  	[sflag:s16] =	ssyncset.done $0x0  }
0x3f: {  	s10 =	simm.s32 @!p0 $0x800;
	s5 =	rddreg [dreg:$0xb];
	[sflag:s16] =	ssyncadd.s32 $0xFFFFC800  }
0x40: {  	[spmem:s5] =	stream.linear.scatter @!p0 [tilespmem:s10], [sflag:$0x5], $0xC00, $0x38;
	[tilespmem:$0x1C0C0] =	vst v63  }
0x41: {  	s10 =	simm.s32 @!p0 $0x5  }
0x42: {  	_ =	swait.ge @!p0 [sflag:s10], $0xC00  }
0x43: {  	[sflag:s10] =	ssyncset.done @!p0 $0x0  }
0x44: {  	[sflag:s10] =	ssyncadd.s32 @!p0 $0xFFFFF400  }
0x45: {  	s12 =	sadd.s32 $0x0, s14;
	[bflag:$0x0] =	sbarrier.arrive $0xFFFF  }
0x46: {  	[tilespmem:s4], [sflag:$0x5] =	stream.linear.gather [hbm4b:s12+s4], $0x400, $0x38;
	[tilespmem:$0x1C0C0] =	vst v63  }
0x47: {  	_ =	swait.ge [sflag:s16], $0x400  }
0x48: {  	s13 =	rddreg [dreg:$0x5];
	[sflag:s16] =	ssyncset.done $0x0  }
0x49: {  	[sflag:s16] =	ssyncadd.s32 $0xFFFFFC00;
	s10 =	sadd.s32 $0x0, s13  }
0x4a: {  	[tilespmem:s17], [sflag:$0x5] =	stream.linear.gather [hbm4b:s10+s4], $0x400, $0x38;
	[tilespmem:$0x1C0C0] =	vst v63  }
0x4b: {  	_ =	swait.ge [sflag:s16], $0x400  }
0x4c: {  	[sflag:s16] =	ssyncset.done $0x0  }
0x4d: {  	[sflag:s16] =	ssyncadd.s32 $0xFFFFFC00  }
0x4e: {  	[tilespmem:s15], [sflag:$0x1] =	stream.indirect.gather [hbm4b:s0+s18], $0x80, s4, s18, $0xb8;
	[tilespmem:$0x1C0C0] =	vst v63  }
0x4f: {  	_ = 	snop  }
0x50: {  	[tilespmem:s19], [sflag:$0x2] =	stream.indirect.gather [hbm4b:s0+s18], $0x80, s18, s18, $0xb8;
	[tilespmem:$0x1C0C0] =	vst v63  }
0x51: {  	_ =	swait.ge [sflag:s20], $0x4000  }
0x52: {  	[sflag:s20] =	ssyncset.done $0x0  }
0x53: {  	[sflag:s20] =	ssyncadd.s32 $0xFFFFC000  }
0x54: {  	[spmem:s3] =	stream.indirect.scatter.add.f32 [tilespmem:s15], [sflag:$0x3], $0x80, s17, s18, $0xb8;
	[tilespmem:$0x1C0C0] =	vst v63  }
0x55: {  	_ =	swait.ge [sflag:s21], $0x4000  }
0x56: {  	[sflag:s21] =	ssyncset.done $0x0  }
0x57: {  	[sflag:s21] =	ssyncadd.s32 $0xFFFFC000  }
0x58: {  	[spmem:s3] =	stream.indirect.scatter.add.f32 [tilespmem:s19], [sflag:$0x4], $0x80, s22, s18, $0xb8;
	[tilespmem:$0x1C0C0] =	vst v63  }
0x59: {  	_ =	swait.ge [sflag:s23], $0x4000  }
0x5a: {  	[sflag:s23] =	ssyncset.done $0x0  }
0x5b: {  	[sflag:s23] =	ssyncadd.s32 $0xFFFFC000  }
0x5c: {  	_ =	swait.ge [sflag:s24], $0x4000  }
0x5d: {  	[sflag:s24] =	ssyncset.done $0x0  }
0x5e: {  	[sflag:s24] =	ssyncadd.s32 $0xFFFFC000  }
0x5f: {  	[tilespmem:s15], [sflag:$0x1] =	stream.indirect.gather [hbm4b:s0+s18], $0x80, s25, s18, $0xb8;
	[tilespmem:$0x1C0C0] =	vst v63  }
0x60: {  	_ = 	snop  }
0x61: {  	[tilespmem:s19], [sflag:$0x2] =	stream.indirect.gather [hbm4b:s0+s18], $0x80, s26, s18, $0xb8;
	[tilespmem:$0x1C0C0] =	vst v63  }
0x62: {  	_ =	swait.ge [sflag:s20], $0x4000  }
0x63: {  	[sflag:s20] =	ssyncset.done $0x0  }
0x64: {  	[sflag:s20] =	ssyncadd.s32 $0xFFFFC000  }
0x65: {  	[spmem:s3] =	stream.indirect.scatter.add.f32 [tilespmem:s15], [sflag:$0x3], $0x80, s28, s18, $0xb8;
	[tilespmem:$0x1C0C0] =	vst v63  }
0x66: {  	_ =	swait.ge [sflag:s21], $0x4000  }
0x67: {  	[sflag:s21] =	ssyncset.done $0x0  }
0x68: {  	[sflag:s21] =	ssyncadd.s32 $0xFFFFC000  }
0x69: {  	[spmem:s3] =	stream.indirect.scatter.add.f32 [tilespmem:s19], [sflag:$0x4], $0x80, s29, s18, $0xb8;
	[tilespmem:$0x1C0C0] =	vst v63  }
0x6a: {  	_ =	swait.ge [sflag:s23], $0x4000  }
0x6b: {  	[sflag:s23] =	ssyncset.done $0x0  }
0x6c: {  	[sflag:s23] =	ssyncadd.s32 $0xFFFFC000  }
0x6d: {  	_ =	swait.ge [sflag:s24], $0x4000  }
0x6e: {  	[sflag:s24] =	ssyncset.done $0x0  }
0x6f: {  	[sflag:s24] =	ssyncadd.s32 $0xFFFFC000  }
0x70: {  	[tilespmem:s15], [sflag:$0x1] =	stream.indirect.gather [hbm4b:s0+s18], $0x80, s30, s18, $0xb8;
	[tilespmem:$0x1C0C0] =	vst v63  }
0x71: {  	_ = 	snop  }
0x72: {  	[tilespmem:s19], [sflag:$0x2] =	stream.indirect.gather [hbm4b:s0+s18], $0x80, s31, s18, $0xb8;
	[tilespmem:$0x1C0C0] =	vst v63  }
0x73: {  	_ =	swait.ge [sflag:s20], $0x4000  }
0x74: {  	[sflag:s20] =	ssyncset.done $0x0  }
0x75: {  	[sflag:s20] =	ssyncadd.s32 $0xFFFFC000  }
0x76: {  	[spmem:s3] =	stream.indirect.scatter.add.f32 [tilespmem:s15], [sflag:$0x3], $0x80, s2, s18, $0xb8;
	[tilespmem:$0x1C0C0] =	vst v63  }
0x77: {  	_ =	swait.ge [sflag:s21], $0x4000  }
0x78: {  	[sflag:s21] =	ssyncset.done $0x0  }
0x79: {  	[sflag:s21] =	ssyncadd.s32 $0xFFFFC000  }
0x7a: {  	[spmem:s3] =	stream.indirect.scatter.add.f32 [tilespmem:s19], [sflag:$0x4], $0x80, s1, s18, $0xb8;
	[tilespmem:$0x1C0C0] =	vst v63  }
0x7b: {  	_ =	swait.ge [sflag:s23], $0x4000  }
0x7c: {  	[sflag:s23] =	ssyncset.done $0x0  }
0x7d: {  	[sflag:s23] =	ssyncadd.s32 $0xFFFFC000  }
0x7e: {  	_ =	swait.ge [sflag:s24], $0x4000  }
0x7f: {  	[sflag:s24] =	ssyncset.done $0x0  }
0x80: {  	[sflag:s24] =	ssyncadd.s32 $0xFFFFC000  }
0x81: {  	[tilespmem:s15], [sflag:$0x1] =	stream.indirect.gather [hbm4b:s0+s18], $0x80, s6, s18, $0xb8;
	[tilespmem:$0x1C0C0] =	vst v63  }
0x82: {  	_ = 	snop  }
0x83: {  	[tilespmem:s19], [sflag:$0x2] =	stream.indirect.gather [hbm4b:s0+s18], $0x80, s7, s18, $0xb8;
	[tilespmem:$0x1C0C0] =	vst v63  }
0x84: {  	_ =	swait.ge [sflag:s20], $0x4000  }
0x85: {  	[sflag:s20] =	ssyncset.done $0x0  }
0x86: {  	[sflag:s20] =	ssyncadd.s32 $0xFFFFC000  }
0x87: {  	[spmem:s3] =	stream.indirect.scatter.add.f32 [tilespmem:s15], [sflag:$0x3], $0x80, s8, s18, $0xb8;
	[tilespmem:$0x1C0C0] =	vst v63  }
0x88: {  	_ =	swait.ge [sflag:s21], $0x4000  }
0x89: {  	[sflag:s21] =	ssyncset.done $0x0  }
0x8a: {  	[sflag:s21] =	ssyncadd.s32 $0xFFFFC000  }
0x8b: {  	[spmem:s3] =	stream.indirect.scatter.add.f32 [tilespmem:s19], [sflag:$0x4], $0x80, s9, s18, $0xb8;
	[tilespmem:$0x1C0C0] =	vst v63  }
0x8c: {  	_ =	swait.ge [sflag:s23], $0x4000  }
0x8d: {  	[sflag:s23] =	ssyncset.done $0x0  }
0x8e: {  	[sflag:s23] =	ssyncadd.s32 $0xFFFFC000  }
0x8f: {  	_ =	swait.ge [sflag:s24], $0x4000  }
0x90: {  	s12 =	simm.s32 $0x80;
	s13 =	simm.s32 $0x100;
	[sflag:s24] =	ssyncset.done $0x0  }
.LBB2_4:
0x91: {  	s5 =	sadd.s32 s12, s14;
	[sflag:s24] =	ssyncadd.s32 $0xFFFFC000  }
0x92: {  	[tilespmem:s4], [sflag:$0x5] =	stream.linear.gather [hbm4b:s5+s4], $0x400, $0x38;
	[tilespmem:$0x1C0C0] =	vst v63  }
0x93: {  	s11 =	smov.u32 s13;
	s10 =	sadd.s32 $0x80, s13;
	_ =	swait.ge [sflag:s16], $0x400  }
0x94: {  	p1 =	sne.s32 s13, $0x480;
	s13 =	rddreg [dreg:$0x5];
	[sflag:s16] =	ssyncset.done $0x0  }
0x95: {  	[sflag:s16] =	ssyncadd.s32 $0xFFFFFC00;
	s5 =	sadd.s32 s12, s13  }
0x96: {  	[tilespmem:s17], [sflag:$0x5] =	stream.linear.gather [hbm4b:s5+s4], $0x400, $0x38;
	[tilespmem:$0x1C0C0] =	vst v63  }
0x97: {  	_ =	swait.ge [sflag:s16], $0x400  }
0x98: {  	[sflag:s16] =	ssyncset.done $0x0  }
0x99: {  	[sflag:s16] =	ssyncadd.s32 $0xFFFFFC00  }
0x9a: {  	[tilespmem:s15], [sflag:$0x1] =	stream.indirect.gather [hbm4b:s0+s18], $0x80, s4, s18, $0xb8;
	[tilespmem:$0x1C0C0] =	vst v63  }
0x9b: {  	_ = 	snop  }
0x9c: {  	[tilespmem:s19], [sflag:$0x2] =	stream.indirect.gather [hbm4b:s0+s18], $0x80, s18, s18, $0xb8;
	[tilespmem:$0x1C0C0] =	vst v63  }
0x9d: {  	_ =	swait.ge [sflag:s20], $0x4000  }
0x9e: {  	[sflag:s20] =	ssyncset.done $0x0  }
0x9f: {  	[sflag:s20] =	ssyncadd.s32 $0xFFFFC000  }
0xa0: {  	[spmem:s3] =	stream.indirect.scatter.add.f32 [tilespmem:s15], [sflag:$0x3], $0x80, s17, s18, $0xb8;
	[tilespmem:$0x1C0C0] =	vst v63  }
0xa1: {  	_ =	swait.ge [sflag:s21], $0x4000  }
0xa2: {  	[sflag:s21] =	ssyncset.done $0x0  }
0xa3: {  	[sflag:s21] =	ssyncadd.s32 $0xFFFFC000  }
0xa4: {  	[spmem:s3] =	stream.indirect.scatter.add.f32 [tilespmem:s19], [sflag:$0x4], $0x80, s22, s18, $0xb8;
	[tilespmem:$0x1C0C0] =	vst v63  }
0xa5: {  	_ =	swait.ge [sflag:s23], $0x4000  }
0xa6: {  	[sflag:s23] =	ssyncset.done $0x0  }
0xa7: {  	[sflag:s23] =	ssyncadd.s32 $0xFFFFC000  }
0xa8: {  	_ =	swait.ge [sflag:s24], $0x4000  }
0xa9: {  	[sflag:s24] =	ssyncset.done $0x0  }
0xaa: {  	[sflag:s24] =	ssyncadd.s32 $0xFFFFC000  }
0xab: {  	[tilespmem:s15], [sflag:$0x1] =	stream.indirect.gather [hbm4b:s0+s18], $0x80, s25, s18, $0xb8;
	[tilespmem:$0x1C0C0] =	vst v63  }
0xac: {  	_ = 	snop  }
0xad: {  	[tilespmem:s19], [sflag:$0x2] =	stream.indirect.gather [hbm4b:s0+s18], $0x80, s26, s18, $0xb8;
	[tilespmem:$0x1C0C0] =	vst v63  }
0xae: {  	_ =	swait.ge [sflag:s20], $0x4000  }
0xaf: {  	[sflag:s20] =	ssyncset.done $0x0  }
0xb0: {  	[sflag:s20] =	ssyncadd.s32 $0xFFFFC000  }
0xb1: {  	[spmem:s3] =	stream.indirect.scatter.add.f32 [tilespmem:s15], [sflag:$0x3], $0x80, s28, s18, $0xb8;
	[tilespmem:$0x1C0C0] =	vst v63  }
0xb2: {  	_ =	swait.ge [sflag:s21], $0x4000  }
0xb3: {  	[sflag:s21] =	ssyncset.done $0x0  }
0xb4: {  	[sflag:s21] =	ssyncadd.s32 $0xFFFFC000  }
0xb5: {  	[spmem:s3] =	stream.indirect.scatter.add.f32 [tilespmem:s19], [sflag:$0x4], $0x80, s29, s18, $0xb8;
	[tilespmem:$0x1C0C0] =	vst v63  }
0xb6: {  	_ =	swait.ge [sflag:s23], $0x4000  }
0xb7: {  	[sflag:s23] =	ssyncset.done $0x0  }
0xb8: {  	[sflag:s23] =	ssyncadd.s32 $0xFFFFC000  }
0xb9: {  	_ =	swait.ge [sflag:s24], $0x4000  }
0xba: {  	[sflag:s24] =	ssyncset.done $0x0  }
0xbb: {  	[sflag:s24] =	ssyncadd.s32 $0xFFFFC000  }
0xbc: {  	[tilespmem:s15], [sflag:$0x1] =	stream.indirect.gather [hbm4b:s0+s18], $0x80, s30, s18, $0xb8;
	[tilespmem:$0x1C0C0] =	vst v63  }
0xbd: {  	_ = 	snop  }
0xbe: {  	[tilespmem:s19], [sflag:$0x2] =	stream.indirect.gather [hbm4b:s0+s18], $0x80, s31, s18, $0xb8;
	[tilespmem:$0x1C0C0] =	vst v63  }
0xbf: {  	_ =	swait.ge [sflag:s20], $0x4000  }
0xc0: {  	[sflag:s20] =	ssyncset.done $0x0  }
0xc1: {  	[sflag:s20] =	ssyncadd.s32 $0xFFFFC000  }
0xc2: {  	[spmem:s3] =	stream.indirect.scatter.add.f32 [tilespmem:s15], [sflag:$0x3], $0x80, s2, s18, $0xb8;
	[tilespmem:$0x1C0C0] =	vst v63  }
0xc3: {  	_ =	swait.ge [sflag:s21], $0x4000  }
0xc4: {  	[sflag:s21] =	ssyncset.done $0x0  }
0xc5: {  	[sflag:s21] =	ssyncadd.s32 $0xFFFFC000  }
0xc6: {  	[spmem:s3] =	stream.indirect.scatter.add.f32 [tilespmem:s19], [sflag:$0x4], $0x80, s1, s18, $0xb8;
	[tilespmem:$0x1C0C0] =	vst v63  }
0xc7: {  	_ =	swait.ge [sflag:s23], $0x4000  }
0xc8: {  	[sflag:s23] =	ssyncset.done $0x0  }
0xc9: {  	[sflag:s23] =	ssyncadd.s32 $0xFFFFC000  }
0xca: {  	_ =	swait.ge [sflag:s24], $0x4000  }
0xcb: {  	[sflag:s24] =	ssyncset.done $0x0  }
0xcc: {  	[sflag:s24] =	ssyncadd.s32 $0xFFFFC000  }
0xcd: {  	[tilespmem:s15], [sflag:$0x1] =	stream.indirect.gather [hbm4b:s0+s18], $0x80, s6, s18, $0xb8;
	[tilespmem:$0x1C0C0] =	vst v63  }
0xce: {  	_ = 	snop  }
0xcf: {  	[tilespmem:s19], [sflag:$0x2] =	stream.indirect.gather [hbm4b:s0+s18], $0x80, s7, s18, $0xb8;
	[tilespmem:$0x1C0C0] =	vst v63  }
0xd0: {  	_ =	swait.ge [sflag:s20], $0x4000  }
0xd1: {  	[sflag:s20] =	ssyncset.done $0x0  }
0xd2: {  	[sflag:s20] =	ssyncadd.s32 $0xFFFFC000  }
0xd3: {  	[spmem:s3] =	stream.indirect.scatter.add.f32 [tilespmem:s15], [sflag:$0x3], $0x80, s8, s18, $0xb8;
	[tilespmem:$0x1C0C0] =	vst v63  }
0xd4: {  	_ =	swait.ge [sflag:s21], $0x4000  }
0xd5: {  	[sflag:s21] =	ssyncset.done $0x0  }
0xd6: {  	[sflag:s21] =	ssyncadd.s32 $0xFFFFC000  }
0xd7: {  	[spmem:s3] =	stream.indirect.scatter.add.f32 [tilespmem:s19], [sflag:$0x4], $0x80, s9, s18, $0xb8;
	[tilespmem:$0x1C0C0] =	vst v63  }
.Ltmp1:
0xd8: {  	_ =	swait.ge [sflag:s23], $0x4000;
	(pc) =	sbr.rel @p1 .LBB2_4-.Ltmp1, $4  }
0xd9: {  	[sflag:s23] =	ssyncset.done $0x0  }
0xda: {  	[sflag:s23] =	ssyncadd.s32 $0xFFFFC000  }
0xdb: {  	_ =	swait.ge [sflag:s24], $0x4000  }
0xdc: {  	s12 =	smov.u32 s11;
	s13 =	smov.u32 s10;
	[sflag:s24] =	ssyncset.done $0x0  }
0xdd: {  	s5 =	sadd.s32 s12, s14;
	[sflag:s24] =	ssyncadd.s32 $0xFFFFC000  }
0xde: {  	[tilespmem:s4], [sflag:$0x5] =	stream.linear.gather [hbm4b:s5+s4], $0x400, $0x38;
	[tilespmem:$0x1C0C0] =	vst v63  }
0xdf: {  	_ =	swait.ge [sflag:s16], $0x400  }
0xe0: {  	s10 =	rddreg [dreg:$0x5];
	[sflag:s16] =	ssyncset.done $0x0  }
0xe1: {  	[sflag:s16] =	ssyncadd.s32 $0xFFFFFC00;
	s5 =	sadd.s32 s12, s10  }
0xe2: {  	[tilespmem:s17], [sflag:$0x5] =	stream.linear.gather [hbm4b:s5+s4], $0x400, $0x38;
	[tilespmem:$0x1C0C0] =	vst v63  }
0xe3: {  	_ =	swait.ge [sflag:s16], $0x400  }
0xe4: {  	[sflag:s16] =	ssyncset.done $0x0  }
0xe5: {  	[sflag:s16] =	ssyncadd.s32 $0xFFFFFC00  }
0xe6: {  	[tilespmem:s15], [sflag:$0x1] =	stream.indirect.gather [hbm4b:s0+s18], $0x80, s4, s18, $0xb8;
	[tilespmem:$0x1C0C0] =	vst v63  }
0xe7: {  	_ = 	snop  }
0xe8: {  	[tilespmem:s19], [sflag:$0x2] =	stream.indirect.gather [hbm4b:s0+s18], $0x80, s18, s18, $0xb8;
	[tilespmem:$0x1C0C0] =	vst v63  }
0xe9: {  	_ =	swait.ge [sflag:s20], $0x4000  }
0xea: {  	[sflag:s20] =	ssyncset.done $0x0  }
0xeb: {  	[sflag:s20] =	ssyncadd.s32 $0xFFFFC000  }
0xec: {  	[spmem:s3] =	stream.indirect.scatter.add.f32 [tilespmem:s15], [sflag:$0x3], $0x80, s17, s18, $0xb8;
	[tilespmem:$0x1C0C0] =	vst v63  }
0xed: {  	_ =	swait.ge [sflag:s21], $0x4000  }
0xee: {  	[sflag:s21] =	ssyncset.done $0x0  }
0xef: {  	[sflag:s21] =	ssyncadd.s32 $0xFFFFC000  }
0xf0: {  	[spmem:s3] =	stream.indirect.scatter.add.f32 [tilespmem:s19], [sflag:$0x4], $0x80, s22, s18, $0xb8;
	[tilespmem:$0x1C0C0] =	vst v63  }
0xf1: {  	_ =	swait.ge [sflag:s23], $0x4000  }
0xf2: {  	[sflag:s23] =	ssyncset.done $0x0  }
0xf3: {  	[sflag:s23] =	ssyncadd.s32 $0xFFFFC000  }
0xf4: {  	_ =	swait.ge [sflag:s24], $0x4000  }
0xf5: {  	[sflag:s24] =	ssyncset.done $0x0  }
0xf6: {  	[sflag:s24] =	ssyncadd.s32 $0xFFFFC000  }
0xf7: {  	[tilespmem:s15], [sflag:$0x1] =	stream.indirect.gather [hbm4b:s0+s18], $0x80, s25, s18, $0xb8;
	[tilespmem:$0x1C0C0] =	vst v63  }
0xf8: {  	_ = 	snop  }
0xf9: {  	[tilespmem:s19], [sflag:$0x2] =	stream.indirect.gather [hbm4b:s0+s18], $0x80, s26, s18, $0xb8;
	[tilespmem:$0x1C0C0] =	vst v63  }
0xfa: {  	_ =	swait.ge [sflag:s20], $0x4000  }
0xfb: {  	[sflag:s20] =	ssyncset.done $0x0  }
0xfc: {  	[sflag:s20] =	ssyncadd.s32 $0xFFFFC000  }
0xfd: {  	[spmem:s3] =	stream.indirect.scatter.add.f32 [tilespmem:s15], [sflag:$0x3], $0x80, s28, s18, $0xb8;
	[tilespmem:$0x1C0C0] =	vst v63  }
0xfe: {  	_ =	swait.ge [sflag:s21], $0x4000  }
0xff: {  	[sflag:s21] =	ssyncset.done $0x0  }
0x100: {  	[sflag:s21] =	ssyncadd.s32 $0xFFFFC000  }
0x101: {  	[spmem:s3] =	stream.indirect.scatter.add.f32 [tilespmem:s19], [sflag:$0x4], $0x80, s29, s18, $0xb8;
	[tilespmem:$0x1C0C0] =	vst v63  }
0x102: {  	_ =	swait.ge [sflag:s23], $0x4000  }
0x103: {  	[sflag:s23] =	ssyncset.done $0x0  }
0x104: {  	[sflag:s23] =	ssyncadd.s32 $0xFFFFC000  }
0x105: {  	_ =	swait.ge [sflag:s24], $0x4000  }
0x106: {  	[sflag:s24] =	ssyncset.done $0x0  }
0x107: {  	[sflag:s24] =	ssyncadd.s32 $0xFFFFC000  }
0x108: {  	[tilespmem:s15], [sflag:$0x1] =	stream.indirect.gather [hbm4b:s0+s18], $0x80, s30, s18, $0xb8;
	[tilespmem:$0x1C0C0] =	vst v63  }
0x109: {  	_ = 	snop  }
0x10a: {  	[tilespmem:s19], [sflag:$0x2] =	stream.indirect.gather [hbm4b:s0+s18], $0x80, s31, s18, $0xb8;
	[tilespmem:$0x1C0C0] =	vst v63  }
0x10b: {  	_ =	swait.ge [sflag:s20], $0x4000  }
0x10c: {  	[sflag:s20] =	ssyncset.done $0x0  }
0x10d: {  	[sflag:s20] =	ssyncadd.s32 $0xFFFFC000  }
0x10e: {  	[spmem:s3] =	stream.indirect.scatter.add.f32 [tilespmem:s15], [sflag:$0x3], $0x80, s2, s18, $0xb8;
	[tilespmem:$0x1C0C0] =	vst v63  }
0x10f: {  	_ =	swait.ge [sflag:s21], $0x4000  }
0x110: {  	[sflag:s21] =	ssyncset.done $0x0  }
0x111: {  	[sflag:s21] =	ssyncadd.s32 $0xFFFFC000  }
0x112: {  	[spmem:s3] =	stream.indirect.scatter.add.f32 [tilespmem:s19], [sflag:$0x4], $0x80, s1, s18, $0xb8;
	[tilespmem:$0x1C0C0] =	vst v63  }
0x113: {  	_ =	swait.ge [sflag:s23], $0x4000  }
0x114: {  	[sflag:s23] =	ssyncset.done $0x0  }
0x115: {  	[sflag:s23] =	ssyncadd.s32 $0xFFFFC000  }
0x116: {  	_ =	swait.ge [sflag:s24], $0x4000  }
0x117: {  	[sflag:s24] =	ssyncset.done $0x0  }
0x118: {  	[sflag:s24] =	ssyncadd.s32 $0xFFFFC000  }
0x119: {  	[tilespmem:s15], [sflag:$0x1] =	stream.indirect.gather [hbm4b:s0+s18], $0x80, s6, s18, $0xb8;
	[tilespmem:$0x1C0C0] =	vst v63  }
0x11a: {  	_ = 	snop  }
0x11b: {  	[tilespmem:s19], [sflag:$0x2] =	stream.indirect.gather [hbm4b:s0+s18], $0x80, s7, s18, $0xb8;
	[tilespmem:$0x1C0C0] =	vst v63  }
0x11c: {  	_ =	swait.ge [sflag:s20], $0x4000  }
0x11d: {  	[sflag:s20] =	ssyncset.done $0x0  }
0x11e: {  	[sflag:s20] =	ssyncadd.s32 $0xFFFFC000  }
0x11f: {  	[spmem:s3] =	stream.indirect.scatter.add.f32 [tilespmem:s15], [sflag:$0x3], $0x80, s8, s18, $0xb8;
	[tilespmem:$0x1C0C0] =	vst v63  }
0x120: {  	_ =	swait.ge [sflag:s21], $0x4000  }
0x121: {  	[sflag:s21] =	ssyncset.done $0x0  }
0x122: {  	[sflag:s21] =	ssyncadd.s32 $0xFFFFC000  }
0x123: {  	[spmem:s3] =	stream.indirect.scatter.add.f32 [tilespmem:s19], [sflag:$0x4], $0x80, s9, s18, $0xb8;
	[tilespmem:$0x1C0C0] =	vst v63  }
0x124: {  	_ =	swait.ge [sflag:s23], $0x4000  }
0x125: {  	[sflag:s23] =	ssyncset.done $0x0  }
0x126: {  	[sflag:s23] =	ssyncadd.s32 $0xFFFFC000  }
0x127: {  	_ =	swait.ge [sflag:s24], $0x4000  }
0x128: {  	[sflag:s24] =	ssyncset.done $0x0  }
0x129: {  	[sflag:s24] =	ssyncadd.s32 $0xFFFFC000  }
0x12a: {  	s11 =	stileid.u32;
	[bflag:$0x0] =	sbarrier.arrive $0xFFFF  }
0x12b: {  	s5 =	sshll.u32 s11, $0x6;
	s10 =	rddreg [dreg:$0x6]  }
0x12c: {  	s5 =	sor.u32 $0x1C05, s5;
	s11 =	rddreg [dreg:$0xc];
	s10 =	sshrl.u32 s10, $0x3  }
0x12d: {  	[hbm:s11], [sflag:s5] =	dma.local [spmem:s10], $0x2700  }
0x12e: {  	_ =	swait.ge [sflag:s16], $0x2700  }
0x12f: {  	[sflag:s16] =	ssyncset.done $0x0;
	s10 =	rddreg [dreg:$0xb]  }
0x130: {  	s11 =	rddreg [dreg:$0xd];
	[sflag:s16] =	ssyncadd.s32 $0xFFFFD900;
	s10 =	sshrl.u32 @!p0 s10, $0x3  }
0x131: {  	[hbm:s11], [sflag:s5] =	dma.local @!p0 [spmem:s10], $0x100  }
0x132: {  	s5 =	simm.s32 @!p0 $0x5  }
0x133: {  	_ =	swait.ge @!p0 [sflag:s5], $0x100  }
0x134: {  	s12 =	rddreg [dreg:$0xf]  }
0x135: {  	s13 =	rddreg [dreg:$0xe];
	s11 =	sadd.s32 $0x1, s12  }
0x136: {  	p1 =	sne.s32 s11, s13  }
.Ltmp2:
0x137: {  	_ = 	snop;
	(pc) =	sbr.rel @p1 .LBB2_1-.Ltmp2, $3  }
0x138: {  	_ =	sdelay $0x1  }
0x139: {  	[sflag:s5] =	ssyncset.done @!p0 $0x0  }
0x13a: {  	[sflag:s5] =	ssyncadd.s32 @!p0 $0xFFFFFF00  }
0x13b: {  	_ =	sfence.sel $0x180000  }
0x13c: {  	[bflag:$0x0] =	sbarrier.arrive $0xFFFF  }
0x13d: {  	_ =	strace $0x90000047  }
0x13e: {  	s0 =	stileid.u32;
	[bflag:$0x2] =	sbarrier.arrive $0xFFFF  }
0x13f: {  	p0 =	sne.s32 s0, $0x0;
	s0 =	rddreg [dreg:$0x4]  }
0x140: {  	s0 =	sadd.s32 @!p0 $0x100000, s0  }
0x141: {  	[sflag:s0] =	ssyncadd.tile.s32 @!p0 $0x1;
	_ =	shalt  }
.Lfunc_end2:
_tile_overlayer_lowered:
.L_overlay_start_2:
0x142: {  	(tag) =	ssettag $0x2  }
0x143: {  	s0 =	rddreg [dreg:$0x0];
	s2 =	stileid.u32  }
0x144: {  	s1 =	rddreg [dreg:$0x1];
	p0 =	sne.s32 s2, $0x0  }
0x145: {  	s3 =	rddreg [dreg:$0x2];
	[bflag:$0x3] =	sbarrier.arrive $0xFFFF;
	s2 =	simm.s32 @!p0 $0x1C05  }
0x146: {  	[timem:s3], [sflag:s2] =	dma.local @!p0 [hbm:s0], s1  }
0x147: {  	s0 =	simm.s32 @!p0 $0x5  }
0x148: {  	_ =	swait.ge @!p0 [sflag:s0], s1  }
0x149: {  	s1 =	ssub.s32 @!p0 $0x0, s1;
	[sflag:s0] =	ssyncset.done @!p0 $0x0  }
0x14a: {  	[sflag:s0] =	ssyncadd.s32 @!p0 s1  }
0x14b: {  	[bflag:$0x3] =	sbarrier.arrive $0xFFFF  }
0x14c: {  	_ =	shalt  }

// kernel: kernel.13.cloned.1.call-start
scs
__scs_entry_jumppad:
0x0: {  	(pc) =	sbr.rel $0x88, $3  }
0x1: {  	(tag) =	ssettag $0x0;
	lr =	simm.s32 $0x1  }
0x2: {  	[smem:$0x3F96] =	sst lr;
	_ =	strace $0xD0000000  }
0x3: {  	_ = 	snop  }
0x4: {  	_ = 	snop  }
0x5: {  	_ = 	snop  }
0x6: {  	_ = 	snop  }
0x7: {  	_ = 	snop  }
__scs_overlays_trampoline_lowered:
0x8: {  	[smem:$0x3FA5] =	sst s0  }
0x9: {  	[smem:$0x3FA6] =	sst s1  }
0xa: {  	[smem:$0x3FA7] =	sst s2  }
0xb: {  	[smem:$0x3FA8] =	sst s3  }
0xc: {  	[smem:$0x3FA9] =	sst s4  }
0xd: {  	[smem:$0x3FAA] =	sst s5  }
0xe: {  	[smem:$0x3FAB] =	sst s6  }
0xf: {  	[smem:$0x3FAC] =	sst s7  }
0x10: {  	[smem:$0x3FAD] =	sst s8  }
0x11: {  	[smem:$0x3FAE] =	sst s9;
	s0 =	simm.s32 @!p0 $0x0  }
0x12: {  	s1 =	sld [smem:$0x3F94];
	s0 =	simm.s32 @p0 $0x1  }
0x13: {  	[smem:$0x3FAF] =	sst s0;
	s0 =	simm.s32 @!p1 $0x0  }
0x14: {  	s2 =	sld [smem:$0x3F93];
	s0 =	simm.s32 @p1 $0x1  }
0x15: {  	[smem:$0x3FB0] =	sst s0;
	s0 =	simm.s32 @!p2 $0x0  }
0x16: {  	s3 =	sld [smem:$0x3FDB];
	s0 =	simm.s32 @p2 $0x1  }
0x17: {  	s4 =	simm.s32 $0x1BF5;
	[smem:$0x3FB2] =	sst s0  }
0x18: {  	s0 =	sld [smem:$0x3F95];
	_ =	swait.ge [sflag:s4], $0x0  }
0x19: {  	s7 =	sld [smem:$0x3F96]  }
0x1a: {  	s8 =	sadd.s32 $0xFFFFE003, lr  }
0x1b: {  	s9 =	sadd.s32 $0xFFFFFEF7, lr;
	s5 =	simm.s32 $0xFFFFFFFF;
	p2 =	slt.u32 s8, $0xFFFFF086  }
0x1c: {  	p1 =	slt.u32 s9, $0xF7A;
	s5 =	simm.s32 @!p2 $0x0  }
0x1d: {  	s5 =	simm.s32 @p1 $0x1;
	p0 =	seq.s32 s7, s2  }
0x1e: {  	s7 =	smul.u32 @!p0 $0xF7A, s2;
	p2 =	seq.s32 @!p0 s5, $0x0  }
0x1f: {  	s9 =	smul.u32 $0xF7A, s1;
	s8 =	simm.s32 @!p0 $0x1BF5;
	p2 =	por !p2, p0  }
0x20: {  	[sflag:s8] =	ssyncset.s32 @!p0 $0xFFFFF086;
	s6 =	sadd.s32 @!p0 s3, s7;
	s7 =	simm.s32 @!p0 $0x108  }
0x21: {  	s3 =	sadd.s32 s3, s9;
	s6 =	sadd.s32 @!p0 $0x88, s6;
	s7 =	simm.s32 @p2 $0x1082  }
0x22: {  	[simem:s7], [sflag:s8] =	dma.local @!p0 [hbm:s6], $0xF7A  }
0x23: {  	s9 =	sor.u32 $0xD0000000, s2;
	s6 =	simm.s32 $0x108;
	_ =	swait.ge @!p0 [sflag:s8], $0x0  }
0x24: {  	s3 =	sadd.s32 $0x88, s3;
	s6 =	simm.s32 @!p1 $0x1082;
	[sflag:s4] =	ssyncset.s32 $0xFFFFF086  }
0x25: {  	[simem:s6], [sflag:s4] =	dma.local [hbm:s3], $0xF7A  }
0x26: {  	[smem:$0x3F96] =	sst s1;
	(tag) =	ssettag s2;
	_ =	strace s9  }
0x27: {  	s1 =	sld [smem:$0x3FA6]  }
0x28: {  	s2 =	sld [smem:$0x3FA7]  }
0x29: {  	s4 =	sld [smem:$0x3FA9]  }
0x2a: {  	p0 =	seq.s32 s5, $0x0;
	s5 =	sld [smem:$0x3FAA]  }
0x2b: {  	s6 =	sld [smem:$0x3FAB]  }
0x2c: {  	s7 =	sld [smem:$0x3FAC]  }
0x2d: {  	s3 =	simm.s32 $0x108;
	s8 =	sld [smem:$0x3FAD]  }
0x2e: {  	s3 =	simm.s32 @!p0 $0x1082;
	s9 =	sld [smem:$0x3FAE]  }
0x2f: {  	lr =	sadd.s32 s0, s3;
	s0 =	sld [smem:$0x3FA5]  }
0x30: {  	s3 =	sld [smem:$0x3FA8]  }
0x31: {  	[smem:$0x3FB1] =	sst s10  }
0x32: {  	s10 =	sld [smem:$0x3FAF];
	_ =	sdelay $0x3  }
0x33: {  	p0 =	seq.s32 s10, $0x1;
	s10 =	sld [smem:$0x3FB1];
	_ =	sdelay $0x3  }
0x34: {  	[smem:$0x3FB1] =	sst s10  }
0x35: {  	s10 =	sld [smem:$0x3FB0];
	_ =	sdelay $0x3  }
0x36: {  	p1 =	seq.s32 s10, $0x1;
	s10 =	sld [smem:$0x3FB1];
	_ =	sdelay $0x3  }
0x37: {  	[smem:$0x3FB1] =	sst s10  }
0x38: {  	s10 =	sld [smem:$0x3FB2]  }
0x39: {  	_ = 	snop;
	(pc) =	sbr.ind lr, $3  }
0x3a: {  	_ = 	snop  }
0x3b: {  	_ = 	snop  }
0x3c: {  	p2 =	seq.s32 s10, $0x1;
	s10 =	sld [smem:$0x3FB1]  }
0x3d: {  	_ =	shalt  }
0x3e: {  	_ =	shalt  }
0x3f: {  	_ =	shalt  }
0x40: {  	_ =	shalt  }
0x41: {  	_ =	shalt  }
0x42: {  	_ =	shalt  }
0x43: {  	_ =	shalt  }
0x44: {  	_ =	shalt  }
0x45: {  	_ =	shalt  }
0x46: {  	_ =	shalt  }
0x47: {  	_ =	shalt  }
0x48: {  	_ =	shalt  }
0x49: {  	_ =	shalt  }
0x4a: {  	_ =	shalt  }
0x4b: {  	_ =	shalt  }
0x4c: {  	_ =	shalt  }
0x4d: {  	_ =	shalt  }
0x4e: {  	_ =	shalt  }
0x4f: {  	_ =	shalt  }
0x50: {  	_ =	shalt  }
0x51: {  	_ =	shalt  }
0x52: {  	_ =	shalt  }
0x53: {  	_ =	shalt  }
0x54: {  	_ =	shalt  }
0x55: {  	_ =	shalt  }
0x56: {  	_ =	shalt  }
0x57: {  	_ =	shalt  }
0x58: {  	_ =	shalt  }
0x59: {  	_ =	shalt  }
0x5a: {  	_ =	shalt  }
0x5b: {  	_ =	shalt  }
0x5c: {  	_ =	shalt  }
0x5d: {  	_ =	shalt  }
0x5e: {  	_ =	shalt  }
0x5f: {  	_ =	shalt  }
0x60: {  	_ =	shalt  }
0x61: {  	_ =	shalt  }
0x62: {  	_ =	shalt  }
0x63: {  	_ =	shalt  }
0x64: {  	_ =	shalt  }
0x65: {  	_ =	shalt  }
0x66: {  	_ =	shalt  }
0x67: {  	_ =	shalt  }
0x68: {  	_ =	shalt  }
0x69: {  	_ =	shalt  }
0x6a: {  	_ =	shalt  }
0x6b: {  	_ =	shalt  }
0x6c: {  	_ =	shalt  }
0x6d: {  	_ =	shalt  }
0x6e: {  	_ =	shalt  }
0x6f: {  	_ =	shalt  }
0x70: {  	_ =	shalt  }
0x71: {  	_ =	shalt  }
0x72: {  	_ =	shalt  }
0x73: {  	_ =	shalt  }
0x74: {  	_ =	shalt  }
0x75: {  	_ =	shalt  }
0x76: {  	_ =	shalt  }
0x77: {  	_ =	shalt  }
0x78: {  	_ =	shalt  }
0x79: {  	_ =	shalt  }
0x7a: {  	_ =	shalt  }
0x7b: {  	_ =	shalt  }
0x7c: {  	_ =	shalt  }
0x7d: {  	_ =	shalt  }
0x7e: {  	_ =	shalt  }
0x7f: {  	_ =	shalt  }
0x80: {  	_ =	shalt  }
0x81: {  	_ =	shalt  }
0x82: {  	_ =	shalt  }
0x83: {  	_ =	shalt  }
0x84: {  	_ =	shalt  }
0x85: {  	_ =	shalt  }
0x86: {  	_ =	shalt  }
0x87: {  	_ =	shalt  }
.Lfunc_end0:
.L_simem_size_0:
called_computation.2_lowered:
.L_overlay_start_0:
0x88: {  	s2 =	sld [smem:$0x3FD9]  }
0x89: {  	s3 =	sld [smem:$0x3FFE];
	_ =	sdelay $0x1  }
0x8a: {  	s1 =	srdreg.scid  }
0x8b: {  	s0 =	sand.u32 $0x1, s1  }
0x8c: {  	s14 =	sshll.u32 s0, $0xA;
	s2 =	sadd.s32 s3, s2  }
0x8d: {  	s2 =	sadd.s32 s2, s14  }
0x8e: {  	[smem:$0x3FBD] =	sst s2  }
0x8f: {  	_ = 	snop  }
0x90: {  	s2 =	sld [smem:$0x3FD0];
	_ =	sdelay $0x2  }
0x91: {  	s15 =	simm.s32 $0xB;
	s4 =	simm.s32 $0x10  }
0x92: {  	[smem:s4], [sflag:s15] =	dma.local [hbm:s2], $0x1  }
0x93: {  	_ =	swait.eq [sflag:s15], $0x1  }
0x94: {  	[sflag:s15] =	ssyncset.done $0x0  }
0x95: {  	s16 =	sld [smem:$0x10];
	[sflag:s15] =	ssyncadd.s32 $0xFFFFFFFF  }
0x96: {  	s17 =	sld [smem:$0x11];
	(tm) =	ssettm $0x1  }
0x97: {  	s18 =	sld [smem:$0x3FFB];
	_ =	sdelay $0x3  }
0x98: {  	_ =	strace s18  }
0x99: {  	s4 =	sld [smem:$0x3FFC];
	_ =	sdelay $0x3  }
0x9a: {  	_ =	strace s4  }
0x9b: {  	s4 =	sld [smem:$0x3FFD];
	_ =	sdelay $0x3  }
0x9c: {  	_ =	strace s4  }
0x9d: {  	_ =	strace $0x8FFFFFFF  }
0x9e: {  	s19 =	sld [smem:$0x3FDB];
	_ =	sdelay $0x1  }
0x9f: {  	s5 =	simm.s32 $_scs_section_size  }
0xa0: {  	s6 =	simm.s32 $_size__tile_overlayer_lowered;
	s7 =	simm.s32 $_tile_overlayer_lowered  }
0xa1: {  	s22 =	simm.s32 $0x1BFF;
	s21 =	sshll.u32 s7, $0x1;
	s4 =	sadd.s32 s5, s19  }
0xa2: {  	s8 =	simm.s32 $0x0;
	s20 =	sshll.u32 s6, $0x1;
	s6 =	sadd.s32 s21, s4  }
0xa3: {  	[timem:s8], [sflag:s22] =	dma.local [hbm:s6], s20  }
0xa4: {  	_ =	swait.ge [sflag:s22], s20  }
0xa5: {  	s5 =	ssub.s32 $0x0, s20;
	[sflag:s22] =	ssyncset.done $0x0  }
0xa6: {  	[sflag:s22] =	ssyncadd.s32 s5;
	_ =	sdelay $0x1  }
0xa7: {  	s23 =	simm.s32 $0x1B8B  }
0xa8: {  	_ =	swait.ge [sflag:s23], $0x1  }
0xa9: {  	[sflag:s23] =	ssyncset.done $0x0  }
0xaa: {  	s25 =	simm.s32 $0x1B8E;
	s24 =	sld [smem:$0x3FFE];
	[sflag:s23] =	ssyncadd.s32 $0xFFFFFFFF  }
0xab: {  	s26 =	simm.s32 $execute0_lowered;
	[smem:$0x3FD2] =	sst s25  }
0xac: {  	s6 =	sshll.u32 s26, $0x1;
	_ =	strace $0x8000004C;
	[dreg:$0x1] =	wrdreg $0xFFFFFFFF  }
0xad: {  	s28 =	simm.s32 $_size_execute0_lowered;
	s4 =	sadd.s32 s4, s6;
	[dreg:$0x0] =	wrdreg $0x0  }
0xae: {  	s6 =	sshll.u32 s28, $0x1;
	[dreg:$0x2] =	wrdreg s4  }
0xaf: {  	[dreg:$0x3] =	wrdreg s6  }
0xb0: {  	[dreg:$0x4] =	wrdreg $0xC0  }
0xb1: {  	_ =	task [dreg:s8], $0x5FFFF  }
0xb2: {  	[dreg:$0x1] =	wrdreg $0xFFFFFFFF  }
0xb3: {  	[dreg:$0x0] =	wrdreg $0x60  }
0xb4: {  	[dreg:$0x2] =	wrdreg s24  }
0xb5: {  	[dreg:$0x3] =	wrdreg s16  }
0xb6: {  	[dreg:$0x4] =	wrdreg s17  }
0xb7: {  	[dreg:$0x5] =	wrdreg $0x88000  }
0xb8: {  	[dreg:$0x6] =	wrdreg $0x9  }
0xb9: {  	_ =	task.clear_ibuf [dreg:s8], $0x7FFFF;
	_ =	strace $0x9000004C  }
0xba: {  	s29 =	simm.s32 $0x9;
	_ =	strace $0x8000004E  }
0xbb: {  	_ =	swait.ge [sflag:s29], $0x1  }
0xbc: {  	[sflag:s29] =	ssyncadd.s32 $0xFFFFFFFF  }
0xbd: {  	_ =	strace $0x9000004E  }
0xbe: {  	_ =	sfence  }
0xbf: {  	s30 =	sld [smem:$0x0];
	_ =	sdelay $0x2  }
0xc0: {  	s31 =	sshll.u32 s1, $0xD;
	s1 =	sshrl.u32 s1, $0x2  }
0xc1: {  	s3 =	sand.u32 $0x4000, s31;
	s1 =	sadd.s32 s1, s30  }
0xc2: {  	s0 =	sor.u32 s3, s0;
	s1 =	sshll.u32 s1, $0x11  }
0xc3: {  	s0 =	sor.u32 s1, s0  }
0xc4: {  	s0 =	sadd.s32 $0x8F2B, s0  }
0xc5: {  	[sflag:s0] =	ssyncadd.remote.s32 $0x1  }
0xc6: {  	_ =	sfence.sel $0xFFFF  }
0xc7: {  	[dreg:$0x0] =	wrdreg $0xFFFFFFFF;
	(pc) =	sbr.abs _section_cstart, $3  }
0xc8: {  	[dreg:$0x1] =	wrdreg $0xFFFFFFFF  }
0xc9: {  	_ =	task.clear_ibuf [dreg:s8], $0x2FFFF;
	_ =	strace $0x9FFFFFFF  }
0xca: {  	(tm) =	ssettm $0x7FFFFFFF  }
0xcb: {  	_ =	shalt  }
tec
execute0_lowered:
.L_overlay_start_1:
0x0: {  	(tag) =	ssettag $0x1  }
0x1: {  	s0 =	rddreg [dreg:$0x0]  }
0x2: {  	s2 =	rddreg [dreg:$0x1]  }
0x3: {  	s6 =	rddreg [dreg:$0x2]  }
0x4: {  	s1 =	rddreg [dreg:$0x3];
	s3 =	simm.s32 $0x0;
	s5 =	srdreg.scid  }
0x5: {  	s13 =	stileid.u32;
	s15 =	simm.s32 $0x800;
	s16 =	simm.s32 $0x5  }
0x6: {  	s28 =	simm.s32 $0x500;
	s29 =	simm.s32 $0x580;
	s17 =	smul.u32 $0x4E000, s13  }
0x7: {  	s30 =	simm.s32 $0x200;
	s31 =	simm.s32 $0x280;
	s9 =	smul.u32 $0x2700, s13  }
0x8: {  	[smem:$0x7FF] =	sst s3;
	s7 =	sand.u32 $0x1, s5;
	s20 =	smul.u32 $0x5000, s13  }
0x9: {  	s4 =	sadd.s32 $0x3200, s0;
	s0 =	sadd.s32 $0xB3600, s0;
	s11 =	smul.u32 $0x50000, s7  }
0xa: {  	s21 =	sadd.s32 $0x138000, s1;
	p0 =	sne.s32 s13, $0xF;
	s18 =	smul.u32 $0x138800, s7  }
0xb: {  	_ =	strace $0x8000004D;
	s8 =	ssub.s32 $0x2, s7;
	s7 =	smul.u32 $0x27100, s7  }
0xc: {  	[dreg:$0xb] =	wrdreg s21;
	s21 =	simm.s32 $0x2;
	s10 =	sshrl.u32 s8, $0x1  }
0xd: {  	s5 =	sshrl.u32 s17, $0x2;
	s17 =	simm.s32 $0x400;
	s8 =	ssub.s32 s8, s10  }
0xe: {  	s5 =	sadd.s32 s5, s1;
	s10 =	sshrl.u32 s18, $0x3;
	s11 =	sadd.s32 s20, s11  }
0xf: {  	s7 =	sadd.s32 s9, s7;
	s18 =	simm.s32 $0x80;
	s20 =	simm.s32 $0x1  }
0x10: {  	s9 =	simm.s32 $0x780;
	s12 =	sadd.s32 $0x4000, s5;
	[dreg:$0x6] =	wrdreg s5  }
0x11: {  	s19 =	sadd.s32 $0x8000, s5;
	s14 =	sadd.s32 $0xC000, s5;
	[dreg:$0x7] =	wrdreg s12  }
0x12: {  	s5 =	sadd.s32 $0x10000, s5;
	s22 =	sadd.s32 s0, s10;
	[dreg:$0x8] =	wrdreg s19  }
0x13: {  	s23 =	sshrl.u32 s11, $0x3;
	s0 =	sadd.s32 s0, s7;
	[dreg:$0x9] =	wrdreg s14  }
0x14: {  	s26 =	smax.u32 s8, $0x1;
	s7 =	simm.s32 $0x380;
	[dreg:$0xa] =	wrdreg s5  }
0x15: {  	s8 =	simm.s32 $0x700;
	s11 =	simm.s32 $0x0;
	[dreg:$0xc] =	wrdreg s0  }
0x16: {  	s24 =	sadd.s32 $0x27000, s22;
	s25 =	sadd.s32 s23, s6;
	[dreg:$0xe] =	wrdreg s26  }
0x17: {  	s14 =	sadd.s32 s23, s2;
	s19 =	simm.s32 $0x4800;
	s22 =	simm.s32 $0x480  }
0x18: {  	s23 =	simm.s32 $0x3;
	s26 =	simm.s32 $0x180;
	s0 =	simm.s32 $0x600  }
0x19: {  	s2 =	simm.s32 $0x680;
	s6 =	simm.s32 $0x300;
	[dreg:$0xd] =	wrdreg s24  }
0x1a: {  	v0 =	vimm.f32 $0.0e+00;
	[dreg:$0x5] =	wrdreg s25;
	s24 =	simm.s32 $0x4;
	s25 =	simm.s32 $0x100  }
.LBB2_1:
0x1b: {  	s12 =	simm.s32 $0x0;
	s13 =	simm.s32 $0x200  }
.LBB2_2:
0x1c: {  	p1 =	sne.s32 s13, $0xFE00;
	[tilespmem:s12+$0x870] =	vst v0  }
0x1d: {  	[tilespmem:s12+$0x800] =	vst v0  }
0x1e: {  	[tilespmem:s12+$0x810] =	vst v0  }
.Ltmp0:
0x1f: {  	[tilespmem:s12+$0x820] =	vst v0;
	(pc) =	sbr.rel @p1 .LBB2_2-.Ltmp0, $4  }
0x20: {  	[tilespmem:s12+$0x830] =	vst v0  }
0x21: {  	[tilespmem:s12+$0x840] =	vst v0  }
0x22: {  	[tilespmem:s12+$0x850] =	vst v0  }
0x23: {  	[tilespmem:s12+$0x860] =	vst v0;
	s12 =	sshra.s32 s13, $0x2;
	s13 =	sadd.s32 $0x200, s13  }
0x24: {  	[tilespmem:s12+$0x870] =	vst v0  }
0x25: {  	[tilespmem:s12+$0x800] =	vst v0  }
0x26: {  	[tilespmem:s12+$0x810] =	vst v0  }
0x27: {  	[tilespmem:s12+$0x820] =	vst v0  }
0x28: {  	[tilespmem:s12+$0x830] =	vst v0  }
0x29: {  	[tilespmem:s12+$0x840] =	vst v0  }
0x2a: {  	[dreg:$0xf] =	wrdreg s11;
	[tilespmem:s12+$0x850] =	vst v0  }
0x2b: {  	[tilespmem:s12+$0x860] =	vst v0;
	s5 =	rddreg [dreg:$0x6]  }
0x2c: {  	[spmem:s5] =	stream.linear.scatter [tilespmem:s15], [sflag:$0x5], $0x4000, $0x38;
	[tilespmem:$0x1C0C0] =	vst v63  }
0x2d: {  	_ =	swait.ge [sflag:s16], $0x4000  }
0x2e: {  	[sflag:s16] =	ssyncset.done $0x0  }
0x2f: {  	s12 =	rddreg [dreg:$0x7];
	[sflag:s16] =	ssyncadd.s32 $0xFFFFC000  }
0x30: {  	[spmem:s12] =	stream.linear.scatter [tilespmem:s15], [sflag:$0x5], $0x4000, $0x38;
	[tilespmem:$0x1C0C0] =	vst v63  }
0x31: {  	_ =	swait.ge [sflag:s16], $0x4000  }
0x32: {  	[sflag:s16] =	ssyncset.done $0x0  }
0x33: {  	s13 =	rddreg [dreg:$0x8];
	[sflag:s16] =	ssyncadd.s32 $0xFFFFC000  }
0x34: {  	[spmem:s13] =	stream.linear.scatter [tilespmem:s15], [sflag:$0x5], $0x4000, $0x38;
	[tilespmem:$0x1C0C0] =	vst v63  }
0x35: {  	_ =	swait.ge [sflag:s16], $0x4000  }
0x36: {  	[sflag:s16] =	ssyncset.done $0x0  }
0x37: {  	s10 =	rddreg [dreg:$0x9];
	[sflag:s16] =	ssyncadd.s32 $0xFFFFC000  }
0x38: {  	[spmem:s10] =	stream.linear.scatter [tilespmem:s15], [sflag:$0x5], $0x4000, $0x38;
	[tilespmem:$0x1C0C0] =	vst v63  }
0x39: {  	_ =	swait.ge [sflag:s16], $0x4000  }
0x3a: {  	[sflag:s16] =	ssyncset.done $0x0  }
0x3b: {  	s11 =	rddreg [dreg:$0xa];
	[sflag:s16] =	ssyncadd.s32 $0xFFFFC000  }
0x3c: {  	[spmem:s11] =	stream.linear.scatter [tilespmem:s15], [sflag:$0x5], $0x3800, $0x38;
	[tilespmem:$0x1C0C0] =	vst v63  }
0x3d: {  	_ =	swait.ge [sflag:s16], $0x3800  }
0x3e: {  	[sflag:s16] =	ssyncset.done $0x0  }
0x3f: {  	s10 =	simm.s32 @!p0 $0x800;
	s5 =	rddreg [dreg:$0xb];
	[sflag:s16] =	ssyncadd.s32 $0xFFFFC800  }
0x40: {  	[spmem:s5] =	stream.linear.scatter @!p0 [tilespmem:s10], [sflag:$0x5], $0xC00, $0x38;
	[tilespmem:$0x1C0C0] =	vst v63  }
0x41: {  	s10 =	simm.s32 @!p0 $0x5  }
0x42: {  	_ =	swait.ge @!p0 [sflag:s10], $0xC00  }
0x43: {  	[sflag:s10] =	ssyncset.done @!p0 $0x0  }
0x44: {  	[sflag:s10] =	ssyncadd.s32 @!p0 $0xFFFFF400  }
0x45: {  	s12 =	sadd.s32 $0x0, s14;
	[bflag:$0x0] =	sbarrier.arrive $0xFFFF  }
0x46: {  	[tilespmem:s3], [sflag:$0x5] =	stream.linear.gather [hbm4b:s12+s3], $0x400, $0x38;
	[tilespmem:$0x1C0C0] =	vst v63  }
0x47: {  	_ =	swait.ge [sflag:s16], $0x400  }
0x48: {  	s13 =	rddreg [dreg:$0x5];
	[sflag:s16] =	ssyncset.done $0x0  }
0x49: {  	[sflag:s16] =	ssyncadd.s32 $0xFFFFFC00;
	s10 =	sadd.s32 $0x0, s13  }
0x4a: {  	[tilespmem:s17], [sflag:$0x5] =	stream.linear.gather [hbm4b:s10+s3], $0x400, $0x38;
	[tilespmem:$0x1C0C0] =	vst v63  }
0x4b: {  	_ =	swait.ge [sflag:s16], $0x400  }
0x4c: {  	[sflag:s16] =	ssyncset.done $0x0  }
0x4d: {  	[sflag:s16] =	ssyncadd.s32 $0xFFFFFC00  }
0x4e: {  	[tilespmem:s15], [sflag:$0x1] =	stream.indirect.gather [hbm4b:s4+s18], $0x80, s3, s18, $0xb8;
	[tilespmem:$0x1C0C0] =	vst v63  }
0x4f: {  	_ = 	snop  }
0x50: {  	[tilespmem:s19], [sflag:$0x2] =	stream.indirect.gather [hbm4b:s4+s18], $0x80, s18, s18, $0xb8;
	[tilespmem:$0x1C0C0] =	vst v63  }
0x51: {  	_ =	swait.ge [sflag:s20], $0x4000  }
0x52: {  	[sflag:s20] =	ssyncset.done $0x0  }
0x53: {  	[sflag:s20] =	ssyncadd.s32 $0xFFFFC000  }
0x54: {  	[spmem:s1] =	stream.indirect.scatter.add.f32 [tilespmem:s15], [sflag:$0x3], $0x80, s17, s18, $0xb8;
	[tilespmem:$0x1C0C0] =	vst v63  }
0x55: {  	_ =	swait.ge [sflag:s21], $0x4000  }
0x56: {  	[sflag:s21] =	ssyncset.done $0x0  }
0x57: {  	[sflag:s21] =	ssyncadd.s32 $0xFFFFC000  }
0x58: {  	[spmem:s1] =	stream.indirect.scatter.add.f32 [tilespmem:s19], [sflag:$0x4], $0x80, s22, s18, $0xb8;
	[tilespmem:$0x1C0C0] =	vst v63  }
0x59: {  	_ =	swait.ge [sflag:s23], $0x4000  }
0x5a: {  	[sflag:s23] =	ssyncset.done $0x0  }
0x5b: {  	[sflag:s23] =	ssyncadd.s32 $0xFFFFC000  }
0x5c: {  	_ =	swait.ge [sflag:s24], $0x4000  }
0x5d: {  	[sflag:s24] =	ssyncset.done $0x0  }
0x5e: {  	[sflag:s24] =	ssyncadd.s32 $0xFFFFC000  }
0x5f: {  	[tilespmem:s15], [sflag:$0x1] =	stream.indirect.gather [hbm4b:s4+s18], $0x80, s25, s18, $0xb8;
	[tilespmem:$0x1C0C0] =	vst v63  }
0x60: {  	_ = 	snop  }
0x61: {  	[tilespmem:s19], [sflag:$0x2] =	stream.indirect.gather [hbm4b:s4+s18], $0x80, s26, s18, $0xb8;
	[tilespmem:$0x1C0C0] =	vst v63  }
0x62: {  	_ =	swait.ge [sflag:s20], $0x4000  }
0x63: {  	[sflag:s20] =	ssyncset.done $0x0  }
0x64: {  	[sflag:s20] =	ssyncadd.s32 $0xFFFFC000  }
0x65: {  	[spmem:s1] =	stream.indirect.scatter.add.f32 [tilespmem:s15], [sflag:$0x3], $0x80, s28, s18, $0xb8;
	[tilespmem:$0x1C0C0] =	vst v63  }
0x66: {  	_ =	swait.ge [sflag:s21], $0x4000  }
0x67: {  	[sflag:s21] =	ssyncset.done $0x0  }
0x68: {  	[sflag:s21] =	ssyncadd.s32 $0xFFFFC000  }
0x69: {  	[spmem:s1] =	stream.indirect.scatter.add.f32 [tilespmem:s19], [sflag:$0x4], $0x80, s29, s18, $0xb8;
	[tilespmem:$0x1C0C0] =	vst v63  }
0x6a: {  	_ =	swait.ge [sflag:s23], $0x4000  }
0x6b: {  	[sflag:s23] =	ssyncset.done $0x0  }
0x6c: {  	[sflag:s23] =	ssyncadd.s32 $0xFFFFC000  }
0x6d: {  	_ =	swait.ge [sflag:s24], $0x4000  }
0x6e: {  	[sflag:s24] =	ssyncset.done $0x0  }
0x6f: {  	[sflag:s24] =	ssyncadd.s32 $0xFFFFC000  }
0x70: {  	[tilespmem:s15], [sflag:$0x1] =	stream.indirect.gather [hbm4b:s4+s18], $0x80, s30, s18, $0xb8;
	[tilespmem:$0x1C0C0] =	vst v63  }
0x71: {  	_ = 	snop  }
0x72: {  	[tilespmem:s19], [sflag:$0x2] =	stream.indirect.gather [hbm4b:s4+s18], $0x80, s31, s18, $0xb8;
	[tilespmem:$0x1C0C0] =	vst v63  }
0x73: {  	_ =	swait.ge [sflag:s20], $0x4000  }
0x74: {  	[sflag:s20] =	ssyncset.done $0x0  }
0x75: {  	[sflag:s20] =	ssyncadd.s32 $0xFFFFC000  }
0x76: {  	[spmem:s1] =	stream.indirect.scatter.add.f32 [tilespmem:s15], [sflag:$0x3], $0x80, s0, s18, $0xb8;
	[tilespmem:$0x1C0C0] =	vst v63  }
0x77: {  	_ =	swait.ge [sflag:s21], $0x4000  }
0x78: {  	[sflag:s21] =	ssyncset.done $0x0  }
0x79: {  	[sflag:s21] =	ssyncadd.s32 $0xFFFFC000  }
0x7a: {  	[spmem:s1] =	stream.indirect.scatter.add.f32 [tilespmem:s19], [sflag:$0x4], $0x80, s2, s18, $0xb8;
	[tilespmem:$0x1C0C0] =	vst v63  }
0x7b: {  	_ =	swait.ge [sflag:s23], $0x4000  }
0x7c: {  	[sflag:s23] =	ssyncset.done $0x0  }
0x7d: {  	[sflag:s23] =	ssyncadd.s32 $0xFFFFC000  }
0x7e: {  	_ =	swait.ge [sflag:s24], $0x4000  }
0x7f: {  	[sflag:s24] =	ssyncset.done $0x0  }
0x80: {  	[sflag:s24] =	ssyncadd.s32 $0xFFFFC000  }
0x81: {  	[tilespmem:s15], [sflag:$0x1] =	stream.indirect.gather [hbm4b:s4+s18], $0x80, s6, s18, $0xb8;
	[tilespmem:$0x1C0C0] =	vst v63  }
0x82: {  	_ = 	snop  }
0x83: {  	[tilespmem:s19], [sflag:$0x2] =	stream.indirect.gather [hbm4b:s4+s18], $0x80, s7, s18, $0xb8;
	[tilespmem:$0x1C0C0] =	vst v63  }
0x84: {  	_ =	swait.ge [sflag:s20], $0x4000  }
0x85: {  	[sflag:s20] =	ssyncset.done $0x0  }
0x86: {  	[sflag:s20] =	ssyncadd.s32 $0xFFFFC000  }
0x87: {  	[spmem:s1] =	stream.indirect.scatter.add.f32 [tilespmem:s15], [sflag:$0x3], $0x80, s8, s18, $0xb8;
	[tilespmem:$0x1C0C0] =	vst v63  }
0x88: {  	_ =	swait.ge [sflag:s21], $0x4000  }
0x89: {  	[sflag:s21] =	ssyncset.done $0x0  }
0x8a: {  	[sflag:s21] =	ssyncadd.s32 $0xFFFFC000  }
0x8b: {  	[spmem:s1] =	stream.indirect.scatter.add.f32 [tilespmem:s19], [sflag:$0x4], $0x80, s9, s18, $0xb8;
	[tilespmem:$0x1C0C0] =	vst v63  }
0x8c: {  	_ =	swait.ge [sflag:s23], $0x4000  }
0x8d: {  	[sflag:s23] =	ssyncset.done $0x0  }
0x8e: {  	[sflag:s23] =	ssyncadd.s32 $0xFFFFC000  }
0x8f: {  	_ =	swait.ge [sflag:s24], $0x4000  }
0x90: {  	s12 =	simm.s32 $0x80;
	s13 =	simm.s32 $0x100;
	[sflag:s24] =	ssyncset.done $0x0  }
.LBB2_4:
0x91: {  	s5 =	sadd.s32 s12, s14;
	[sflag:s24] =	ssyncadd.s32 $0xFFFFC000  }
0x92: {  	[tilespmem:s3], [sflag:$0x5] =	stream.linear.gather [hbm4b:s5+s3], $0x400, $0x38;
	[tilespmem:$0x1C0C0] =	vst v63  }
0x93: {  	s11 =	smov.u32 s13;
	s10 =	sadd.s32 $0x80, s13;
	_ =	swait.ge [sflag:s16], $0x400  }
0x94: {  	p1 =	sne.s32 s13, $0x980;
	s13 =	rddreg [dreg:$0x5];
	[sflag:s16] =	ssyncset.done $0x0  }
0x95: {  	[sflag:s16] =	ssyncadd.s32 $0xFFFFFC00;
	s5 =	sadd.s32 s12, s13  }
0x96: {  	[tilespmem:s17], [sflag:$0x5] =	stream.linear.gather [hbm4b:s5+s3], $0x400, $0x38;
	[tilespmem:$0x1C0C0] =	vst v63  }
0x97: {  	_ =	swait.ge [sflag:s16], $0x400  }
0x98: {  	[sflag:s16] =	ssyncset.done $0x0  }
0x99: {  	[sflag:s16] =	ssyncadd.s32 $0xFFFFFC00  }
0x9a: {  	[tilespmem:s15], [sflag:$0x1] =	stream.indirect.gather [hbm4b:s4+s18], $0x80, s3, s18, $0xb8;
	[tilespmem:$0x1C0C0] =	vst v63  }
0x9b: {  	_ = 	snop  }
0x9c: {  	[tilespmem:s19], [sflag:$0x2] =	stream.indirect.gather [hbm4b:s4+s18], $0x80, s18, s18, $0xb8;
	[tilespmem:$0x1C0C0] =	vst v63  }
0x9d: {  	_ =	swait.ge [sflag:s20], $0x4000  }
0x9e: {  	[sflag:s20] =	ssyncset.done $0x0  }
0x9f: {  	[sflag:s20] =	ssyncadd.s32 $0xFFFFC000  }
0xa0: {  	[spmem:s1] =	stream.indirect.scatter.add.f32 [tilespmem:s15], [sflag:$0x3], $0x80, s17, s18, $0xb8;
	[tilespmem:$0x1C0C0] =	vst v63  }
0xa1: {  	_ =	swait.ge [sflag:s21], $0x4000  }
0xa2: {  	[sflag:s21] =	ssyncset.done $0x0  }
0xa3: {  	[sflag:s21] =	ssyncadd.s32 $0xFFFFC000  }
0xa4: {  	[spmem:s1] =	stream.indirect.scatter.add.f32 [tilespmem:s19], [sflag:$0x4], $0x80, s22, s18, $0xb8;
	[tilespmem:$0x1C0C0] =	vst v63  }
0xa5: {  	_ =	swait.ge [sflag:s23], $0x4000  }
0xa6: {  	[sflag:s23] =	ssyncset.done $0x0  }
0xa7: {  	[sflag:s23] =	ssyncadd.s32 $0xFFFFC000  }
0xa8: {  	_ =	swait.ge [sflag:s24], $0x4000  }
0xa9: {  	[sflag:s24] =	ssyncset.done $0x0  }
0xaa: {  	[sflag:s24] =	ssyncadd.s32 $0xFFFFC000  }
0xab: {  	[tilespmem:s15], [sflag:$0x1] =	stream.indirect.gather [hbm4b:s4+s18], $0x80, s25, s18, $0xb8;
	[tilespmem:$0x1C0C0] =	vst v63  }
0xac: {  	_ = 	snop  }
0xad: {  	[tilespmem:s19], [sflag:$0x2] =	stream.indirect.gather [hbm4b:s4+s18], $0x80, s26, s18, $0xb8;
	[tilespmem:$0x1C0C0] =	vst v63  }
0xae: {  	_ =	swait.ge [sflag:s20], $0x4000  }
0xaf: {  	[sflag:s20] =	ssyncset.done $0x0  }
0xb0: {  	[sflag:s20] =	ssyncadd.s32 $0xFFFFC000  }
0xb1: {  	[spmem:s1] =	stream.indirect.scatter.add.f32 [tilespmem:s15], [sflag:$0x3], $0x80, s28, s18, $0xb8;
	[tilespmem:$0x1C0C0] =	vst v63  }
0xb2: {  	_ =	swait.ge [sflag:s21], $0x4000  }
0xb3: {  	[sflag:s21] =	ssyncset.done $0x0  }
0xb4: {  	[sflag:s21] =	ssyncadd.s32 $0xFFFFC000  }
0xb5: {  	[spmem:s1] =	stream.indirect.scatter.add.f32 [tilespmem:s19], [sflag:$0x4], $0x80, s29, s18, $0xb8;
	[tilespmem:$0x1C0C0] =	vst v63  }
0xb6: {  	_ =	swait.ge [sflag:s23], $0x4000  }
0xb7: {  	[sflag:s23] =	ssyncset.done $0x0  }
0xb8: {  	[sflag:s23] =	ssyncadd.s32 $0xFFFFC000  }
0xb9: {  	_ =	swait.ge [sflag:s24], $0x4000  }
0xba: {  	[sflag:s24] =	ssyncset.done $0x0  }
0xbb: {  	[sflag:s24] =	ssyncadd.s32 $0xFFFFC000  }
0xbc: {  	[tilespmem:s15], [sflag:$0x1] =	stream.indirect.gather [hbm4b:s4+s18], $0x80, s30, s18, $0xb8;
	[tilespmem:$0x1C0C0] =	vst v63  }
0xbd: {  	_ = 	snop  }
0xbe: {  	[tilespmem:s19], [sflag:$0x2] =	stream.indirect.gather [hbm4b:s4+s18], $0x80, s31, s18, $0xb8;
	[tilespmem:$0x1C0C0] =	vst v63  }
0xbf: {  	_ =	swait.ge [sflag:s20], $0x4000  }
0xc0: {  	[sflag:s20] =	ssyncset.done $0x0  }
0xc1: {  	[sflag:s20] =	ssyncadd.s32 $0xFFFFC000  }
0xc2: {  	[spmem:s1] =	stream.indirect.scatter.add.f32 [tilespmem:s15], [sflag:$0x3], $0x80, s0, s18, $0xb8;
	[tilespmem:$0x1C0C0] =	vst v63  }
0xc3: {  	_ =	swait.ge [sflag:s21], $0x4000  }
0xc4: {  	[sflag:s21] =	ssyncset.done $0x0  }
0xc5: {  	[sflag:s21] =	ssyncadd.s32 $0xFFFFC000  }
0xc6: {  	[spmem:s1] =	stream.indirect.scatter.add.f32 [tilespmem:s19], [sflag:$0x4], $0x80, s2, s18, $0xb8;
	[tilespmem:$0x1C0C0] =	vst v63  }
0xc7: {  	_ =	swait.ge [sflag:s23], $0x4000  }
0xc8: {  	[sflag:s23] =	ssyncset.done $0x0  }
0xc9: {  	[sflag:s23] =	ssyncadd.s32 $0xFFFFC000  }
0xca: {  	_ =	swait.ge [sflag:s24], $0x4000  }
0xcb: {  	[sflag:s24] =	ssyncset.done $0x0  }
0xcc: {  	[sflag:s24] =	ssyncadd.s32 $0xFFFFC000  }
0xcd: {  	[tilespmem:s15], [sflag:$0x1] =	stream.indirect.gather [hbm4b:s4+s18], $0x80, s6, s18, $0xb8;
	[tilespmem:$0x1C0C0] =	vst v63  }
0xce: {  	_ = 	snop  }
0xcf: {  	[tilespmem:s19], [sflag:$0x2] =	stream.indirect.gather [hbm4b:s4+s18], $0x80, s7, s18, $0xb8;
	[tilespmem:$0x1C0C0] =	vst v63  }
0xd0: {  	_ =	swait.ge [sflag:s20], $0x4000  }
0xd1: {  	[sflag:s20] =	ssyncset.done $0x0  }
0xd2: {  	[sflag:s20] =	ssyncadd.s32 $0xFFFFC000  }
0xd3: {  	[spmem:s1] =	stream.indirect.scatter.add.f32 [tilespmem:s15], [sflag:$0x3], $0x80, s8, s18, $0xb8;
	[tilespmem:$0x1C0C0] =	vst v63  }
0xd4: {  	_ =	swait.ge [sflag:s21], $0x4000  }
0xd5: {  	[sflag:s21] =	ssyncset.done $0x0  }
0xd6: {  	[sflag:s21] =	ssyncadd.s32 $0xFFFFC000  }
0xd7: {  	[spmem:s1] =	stream.indirect.scatter.add.f32 [tilespmem:s19], [sflag:$0x4], $0x80, s9, s18, $0xb8;
	[tilespmem:$0x1C0C0] =	vst v63  }
.Ltmp1:
0xd8: {  	_ =	swait.ge [sflag:s23], $0x4000;
	(pc) =	sbr.rel @p1 .LBB2_4-.Ltmp1, $4  }
0xd9: {  	[sflag:s23] =	ssyncset.done $0x0  }
0xda: {  	[sflag:s23] =	ssyncadd.s32 $0xFFFFC000  }
0xdb: {  	_ =	swait.ge [sflag:s24], $0x4000  }
0xdc: {  	s12 =	smov.u32 s11;
	s13 =	smov.u32 s10;
	[sflag:s24] =	ssyncset.done $0x0  }
0xdd: {  	s5 =	sadd.s32 s12, s14;
	[sflag:s24] =	ssyncadd.s32 $0xFFFFC000  }
0xde: {  	[tilespmem:s3], [sflag:$0x5] =	stream.linear.gather [hbm4b:s5+s3], $0x400, $0x38;
	[tilespmem:$0x1C0C0] =	vst v63  }
0xdf: {  	_ =	swait.ge [sflag:s16], $0x400  }
0xe0: {  	s10 =	rddreg [dreg:$0x5];
	[sflag:s16] =	ssyncset.done $0x0  }
0xe1: {  	[sflag:s16] =	ssyncadd.s32 $0xFFFFFC00;
	s5 =	sadd.s32 s12, s10  }
0xe2: {  	[tilespmem:s17], [sflag:$0x5] =	stream.linear.gather [hbm4b:s5+s3], $0x400, $0x38;
	[tilespmem:$0x1C0C0] =	vst v63  }
0xe3: {  	_ =	swait.ge [sflag:s16], $0x400  }
0xe4: {  	[sflag:s16] =	ssyncset.done $0x0  }
0xe5: {  	[sflag:s16] =	ssyncadd.s32 $0xFFFFFC00  }
0xe6: {  	[tilespmem:s15], [sflag:$0x1] =	stream.indirect.gather [hbm4b:s4+s18], $0x80, s3, s18, $0xb8;
	[tilespmem:$0x1C0C0] =	vst v63  }
0xe7: {  	_ = 	snop  }
0xe8: {  	[tilespmem:s19], [sflag:$0x2] =	stream.indirect.gather [hbm4b:s4+s18], $0x80, s18, s18, $0xb8;
	[tilespmem:$0x1C0C0] =	vst v63  }
0xe9: {  	_ =	swait.ge [sflag:s20], $0x4000  }
0xea: {  	[sflag:s20] =	ssyncset.done $0x0  }
0xeb: {  	[sflag:s20] =	ssyncadd.s32 $0xFFFFC000  }
0xec: {  	[spmem:s1] =	stream.indirect.scatter.add.f32 [tilespmem:s15], [sflag:$0x3], $0x80, s17, s18, $0xb8;
	[tilespmem:$0x1C0C0] =	vst v63  }
0xed: {  	_ =	swait.ge [sflag:s21], $0x4000  }
0xee: {  	[sflag:s21] =	ssyncset.done $0x0  }
0xef: {  	[sflag:s21] =	ssyncadd.s32 $0xFFFFC000  }
0xf0: {  	[spmem:s1] =	stream.indirect.scatter.add.f32 [tilespmem:s19], [sflag:$0x4], $0x80, s22, s18, $0xb8;
	[tilespmem:$0x1C0C0] =	vst v63  }
0xf1: {  	_ =	swait.ge [sflag:s23], $0x4000  }
0xf2: {  	[sflag:s23] =	ssyncset.done $0x0  }
0xf3: {  	[sflag:s23] =	ssyncadd.s32 $0xFFFFC000  }
0xf4: {  	_ =	swait.ge [sflag:s24], $0x4000  }
0xf5: {  	[sflag:s24] =	ssyncset.done $0x0  }
0xf6: {  	[sflag:s24] =	ssyncadd.s32 $0xFFFFC000  }
0xf7: {  	[tilespmem:s15], [sflag:$0x1] =	stream.indirect.gather [hbm4b:s4+s18], $0x80, s25, s18, $0xb8;
	[tilespmem:$0x1C0C0] =	vst v63  }
0xf8: {  	_ = 	snop  }
0xf9: {  	[tilespmem:s19], [sflag:$0x2] =	stream.indirect.gather [hbm4b:s4+s18], $0x80, s26, s18, $0xb8;
	[tilespmem:$0x1C0C0] =	vst v63  }
0xfa: {  	_ =	swait.ge [sflag:s20], $0x4000  }
0xfb: {  	[sflag:s20] =	ssyncset.done $0x0  }
0xfc: {  	[sflag:s20] =	ssyncadd.s32 $0xFFFFC000  }
0xfd: {  	[spmem:s1] =	stream.indirect.scatter.add.f32 [tilespmem:s15], [sflag:$0x3], $0x80, s28, s18, $0xb8;
	[tilespmem:$0x1C0C0] =	vst v63  }
0xfe: {  	_ =	swait.ge [sflag:s21], $0x4000  }
0xff: {  	[sflag:s21] =	ssyncset.done $0x0  }
0x100: {  	[sflag:s21] =	ssyncadd.s32 $0xFFFFC000  }
0x101: {  	[spmem:s1] =	stream.indirect.scatter.add.f32 [tilespmem:s19], [sflag:$0x4], $0x80, s29, s18, $0xb8;
	[tilespmem:$0x1C0C0] =	vst v63  }
0x102: {  	_ =	swait.ge [sflag:s23], $0x4000  }
0x103: {  	[sflag:s23] =	ssyncset.done $0x0  }
0x104: {  	[sflag:s23] =	ssyncadd.s32 $0xFFFFC000  }
0x105: {  	_ =	swait.ge [sflag:s24], $0x4000  }
0x106: {  	[sflag:s24] =	ssyncset.done $0x0  }
0x107: {  	[sflag:s24] =	ssyncadd.s32 $0xFFFFC000  }
0x108: {  	[tilespmem:s15], [sflag:$0x1] =	stream.indirect.gather [hbm4b:s4+s18], $0x80, s30, s18, $0xb8;
	[tilespmem:$0x1C0C0] =	vst v63  }
0x109: {  	_ = 	snop  }
0x10a: {  	[tilespmem:s19], [sflag:$0x2] =	stream.indirect.gather [hbm4b:s4+s18], $0x80, s31, s18, $0xb8;
	[tilespmem:$0x1C0C0] =	vst v63  }
0x10b: {  	_ =	swait.ge [sflag:s20], $0x4000  }
0x10c: {  	[sflag:s20] =	ssyncset.done $0x0  }
0x10d: {  	[sflag:s20] =	ssyncadd.s32 $0xFFFFC000  }
0x10e: {  	[spmem:s1] =	stream.indirect.scatter.add.f32 [tilespmem:s15], [sflag:$0x3], $0x80, s0, s18, $0xb8;
	[tilespmem:$0x1C0C0] =	vst v63  }
0x10f: {  	_ =	swait.ge [sflag:s21], $0x4000  }
0x110: {  	[sflag:s21] =	ssyncset.done $0x0  }
0x111: {  	[sflag:s21] =	ssyncadd.s32 $0xFFFFC000  }
0x112: {  	[spmem:s1] =	stream.indirect.scatter.add.f32 [tilespmem:s19], [sflag:$0x4], $0x80, s2, s18, $0xb8;
	[tilespmem:$0x1C0C0] =	vst v63  }
0x113: {  	_ =	swait.ge [sflag:s23], $0x4000  }
0x114: {  	[sflag:s23] =	ssyncset.done $0x0  }
0x115: {  	[sflag:s23] =	ssyncadd.s32 $0xFFFFC000  }
0x116: {  	_ =	swait.ge [sflag:s24], $0x4000  }
0x117: {  	[sflag:s24] =	ssyncset.done $0x0  }
0x118: {  	[sflag:s24] =	ssyncadd.s32 $0xFFFFC000  }
0x119: {  	[tilespmem:s15], [sflag:$0x1] =	stream.indirect.gather [hbm4b:s4+s18], $0x80, s6, s18, $0xb8;
	[tilespmem:$0x1C0C0] =	vst v63  }
0x11a: {  	_ = 	snop  }
0x11b: {  	[tilespmem:s19], [sflag:$0x2] =	stream.indirect.gather [hbm4b:s4+s18], $0x80, s7, s18, $0xb8;
	[tilespmem:$0x1C0C0] =	vst v63  }
0x11c: {  	_ =	swait.ge [sflag:s20], $0x4000  }
0x11d: {  	[sflag:s20] =	ssyncset.done $0x0  }
0x11e: {  	[sflag:s20] =	ssyncadd.s32 $0xFFFFC000  }
0x11f: {  	[spmem:s1] =	stream.indirect.scatter.add.f32 [tilespmem:s15], [sflag:$0x3], $0x80, s8, s18, $0xb8;
	[tilespmem:$0x1C0C0] =	vst v63  }
0x120: {  	_ =	swait.ge [sflag:s21], $0x4000  }
0x121: {  	[sflag:s21] =	ssyncset.done $0x0  }
0x122: {  	[sflag:s21] =	ssyncadd.s32 $0xFFFFC000  }
0x123: {  	[spmem:s1] =	stream.indirect.scatter.add.f32 [tilespmem:s19], [sflag:$0x4], $0x80, s9, s18, $0xb8;
	[tilespmem:$0x1C0C0] =	vst v63  }
0x124: {  	_ =	swait.ge [sflag:s23], $0x4000  }
0x125: {  	[sflag:s23] =	ssyncset.done $0x0  }
0x126: {  	[sflag:s23] =	ssyncadd.s32 $0xFFFFC000  }
0x127: {  	_ =	swait.ge [sflag:s24], $0x4000  }
0x128: {  	[sflag:s24] =	ssyncset.done $0x0  }
0x129: {  	[sflag:s24] =	ssyncadd.s32 $0xFFFFC000  }
0x12a: {  	s11 =	stileid.u32;
	[bflag:$0x0] =	sbarrier.arrive $0xFFFF  }
0x12b: {  	s5 =	sshll.u32 s11, $0x6;
	s10 =	rddreg [dreg:$0x6]  }
0x12c: {  	s5 =	sor.u32 $0x1C05, s5;
	s11 =	rddreg [dreg:$0xc];
	s10 =	sshrl.u32 s10, $0x3  }
0x12d: {  	[hbm:s11], [sflag:s5] =	dma.local [spmem:s10], $0x2700  }
0x12e: {  	_ =	swait.ge [sflag:s16], $0x2700  }
0x12f: {  	[sflag:s16] =	ssyncset.done $0x0;
	s10 =	rddreg [dreg:$0xb]  }
0x130: {  	s11 =	rddreg [dreg:$0xd];
	[sflag:s16] =	ssyncadd.s32 $0xFFFFD900;
	s10 =	sshrl.u32 @!p0 s10, $0x3  }
0x131: {  	[hbm:s11], [sflag:s5] =	dma.local @!p0 [spmem:s10], $0x100  }
0x132: {  	s5 =	simm.s32 @!p0 $0x5  }
0x133: {  	_ =	swait.ge @!p0 [sflag:s5], $0x100  }
0x134: {  	s12 =	rddreg [dreg:$0xf]  }
0x135: {  	s13 =	rddreg [dreg:$0xe];
	s11 =	sadd.s32 $0x1, s12  }
0x136: {  	p1 =	sne.s32 s11, s13  }
.Ltmp2:
0x137: {  	_ = 	snop;
	(pc) =	sbr.rel @p1 .LBB2_1-.Ltmp2, $3  }
0x138: {  	_ =	sdelay $0x1  }
0x139: {  	[sflag:s5] =	ssyncset.done @!p0 $0x0  }
0x13a: {  	[sflag:s5] =	ssyncadd.s32 @!p0 $0xFFFFFF00  }
0x13b: {  	_ =	sfence.sel $0x180000  }
0x13c: {  	[bflag:$0x0] =	sbarrier.arrive $0xFFFF  }
0x13d: {  	_ =	strace $0x9000004D  }
0x13e: {  	s0 =	stileid.u32;
	[bflag:$0x2] =	sbarrier.arrive $0xFFFF  }
0x13f: {  	p0 =	sne.s32 s0, $0x0;
	s0 =	rddreg [dreg:$0x4]  }
0x140: {  	s0 =	sadd.s32 @!p0 $0x100000, s0  }
0x141: {  	[sflag:s0] =	ssyncadd.tile.s32 @!p0 $0x1;
	_ =	shalt  }
.Lfunc_end2:
_tile_overlayer_lowered:
.L_overlay_start_2:
0x142: {  	(tag) =	ssettag $0x2  }
0x143: {  	s0 =	rddreg [dreg:$0x0];
	s2 =	stileid.u32  }
0x144: {  	s1 =	rddreg [dreg:$0x1];
	p0 =	sne.s32 s2, $0x0  }
0x145: {  	s3 =	rddreg [dreg:$0x2];
	[bflag:$0x3] =	sbarrier.arrive $0xFFFF;
	s2 =	simm.s32 @!p0 $0x1C05  }
0x146: {  	[timem:s3], [sflag:s2] =	dma.local @!p0 [hbm:s0], s1  }
0x147: {  	s0 =	simm.s32 @!p0 $0x5  }
0x148: {  	_ =	swait.ge @!p0 [sflag:s0], s1  }
0x149: {  	s1 =	ssub.s32 @!p0 $0x0, s1;
	[sflag:s0] =	ssyncset.done @!p0 $0x0  }
0x14a: {  	[sflag:s0] =	ssyncadd.s32 @!p0 s1  }
0x14b: {  	[bflag:$0x3] =	sbarrier.arrive $0xFFFF  }
0x14c: {  	_ =	shalt  }

// kernel: kernel.7.cloned.1.call-start
scs
__scs_entry_jumppad:
0x0: {  	(pc) =	sbr.rel $0x88, $3  }
0x1: {  	(tag) =	ssettag $0x0;
	lr =	simm.s32 $0x1  }
0x2: {  	[smem:$0x3F96] =	sst lr;
	_ =	strace $0xD0000000  }
0x3: {  	_ = 	snop  }
0x4: {  	_ = 	snop  }
0x5: {  	_ = 	snop  }
0x6: {  	_ = 	snop  }
0x7: {  	_ = 	snop  }
__scs_overlays_trampoline_lowered:
0x8: {  	[smem:$0x3FA5] =	sst s0  }
0x9: {  	[smem:$0x3FA6] =	sst s1  }
0xa: {  	[smem:$0x3FA7] =	sst s2  }
0xb: {  	[smem:$0x3FA8] =	sst s3  }
0xc: {  	[smem:$0x3FA9] =	sst s4  }
0xd: {  	[smem:$0x3FAA] =	sst s5  }
0xe: {  	[smem:$0x3FAB] =	sst s6  }
0xf: {  	[smem:$0x3FAC] =	sst s7  }
0x10: {  	[smem:$0x3FAD] =	sst s8  }
0x11: {  	[smem:$0x3FAE] =	sst s9;
	s0 =	simm.s32 @!p0 $0x0  }
0x12: {  	s1 =	sld [smem:$0x3F94];
	s0 =	simm.s32 @p0 $0x1  }
0x13: {  	[smem:$0x3FAF] =	sst s0;
	s0 =	simm.s32 @!p1 $0x0  }
0x14: {  	s2 =	sld [smem:$0x3F93];
	s0 =	simm.s32 @p1 $0x1  }
0x15: {  	[smem:$0x3FB0] =	sst s0;
	s0 =	simm.s32 @!p2 $0x0  }
0x16: {  	s3 =	sld [smem:$0x3FDB];
	s0 =	simm.s32 @p2 $0x1  }
0x17: {  	s4 =	simm.s32 $0x1BF5;
	[smem:$0x3FB2] =	sst s0  }
0x18: {  	s0 =	sld [smem:$0x3F95];
	_ =	swait.ge [sflag:s4], $0x0  }
0x19: {  	s7 =	sld [smem:$0x3F96]  }
0x1a: {  	s8 =	sadd.s32 $0xFFFFE003, lr  }
0x1b: {  	s9 =	sadd.s32 $0xFFFFFEF7, lr;
	s5 =	simm.s32 $0xFFFFFFFF;
	p2 =	slt.u32 s8, $0xFFFFF086  }
0x1c: {  	p1 =	slt.u32 s9, $0xF7A;
	s5 =	simm.s32 @!p2 $0x0  }
0x1d: {  	s5 =	simm.s32 @p1 $0x1;
	p0 =	seq.s32 s7, s2  }
0x1e: {  	s7 =	smul.u32 @!p0 $0xF7A, s2;
	p2 =	seq.s32 @!p0 s5, $0x0  }
0x1f: {  	s9 =	smul.u32 $0xF7A, s1;
	s8 =	simm.s32 @!p0 $0x1BF5;
	p2 =	por !p2, p0  }
0x20: {  	[sflag:s8] =	ssyncset.s32 @!p0 $0xFFFFF086;
	s6 =	sadd.s32 @!p0 s3, s7;
	s7 =	simm.s32 @!p0 $0x108  }
0x21: {  	s3 =	sadd.s32 s3, s9;
	s6 =	sadd.s32 @!p0 $0x88, s6;
	s7 =	simm.s32 @p2 $0x1082  }
0x22: {  	[simem:s7], [sflag:s8] =	dma.local @!p0 [hbm:s6], $0xF7A  }
0x23: {  	s9 =	sor.u32 $0xD0000000, s2;
	s6 =	simm.s32 $0x108;
	_ =	swait.ge @!p0 [sflag:s8], $0x0  }
0x24: {  	s3 =	sadd.s32 $0x88, s3;
	s6 =	simm.s32 @!p1 $0x1082;
	[sflag:s4] =	ssyncset.s32 $0xFFFFF086  }
0x25: {  	[simem:s6], [sflag:s4] =	dma.local [hbm:s3], $0xF7A  }
0x26: {  	[smem:$0x3F96] =	sst s1;
	(tag) =	ssettag s2;
	_ =	strace s9  }
0x27: {  	s1 =	sld [smem:$0x3FA6]  }
0x28: {  	s2 =	sld [smem:$0x3FA7]  }
0x29: {  	s4 =	sld [smem:$0x3FA9]  }
0x2a: {  	p0 =	seq.s32 s5, $0x0;
	s5 =	sld [smem:$0x3FAA]  }
0x2b: {  	s6 =	sld [smem:$0x3FAB]  }
0x2c: {  	s7 =	sld [smem:$0x3FAC]  }
0x2d: {  	s3 =	simm.s32 $0x108;
	s8 =	sld [smem:$0x3FAD]  }
0x2e: {  	s3 =	simm.s32 @!p0 $0x1082;
	s9 =	sld [smem:$0x3FAE]  }
0x2f: {  	lr =	sadd.s32 s0, s3;
	s0 =	sld [smem:$0x3FA5]  }
0x30: {  	s3 =	sld [smem:$0x3FA8]  }
0x31: {  	[smem:$0x3FB1] =	sst s10  }
0x32: {  	s10 =	sld [smem:$0x3FAF];
	_ =	sdelay $0x3  }
0x33: {  	p0 =	seq.s32 s10, $0x1;
	s10 =	sld [smem:$0x3FB1];
	_ =	sdelay $0x3  }
0x34: {  	[smem:$0x3FB1] =	sst s10  }
0x35: {  	s10 =	sld [smem:$0x3FB0];
	_ =	sdelay $0x3  }
0x36: {  	p1 =	seq.s32 s10, $0x1;
	s10 =	sld [smem:$0x3FB1];
	_ =	sdelay $0x3  }
0x37: {  	[smem:$0x3FB1] =	sst s10  }
0x38: {  	s10 =	sld [smem:$0x3FB2]  }
0x39: {  	_ = 	snop;
	(pc) =	sbr.ind lr, $3  }
0x3a: {  	_ = 	snop  }
0x3b: {  	_ = 	snop  }
0x3c: {  	p2 =	seq.s32 s10, $0x1;
	s10 =	sld [smem:$0x3FB1]  }
0x3d: {  	_ =	shalt  }
0x3e: {  	_ =	shalt  }
0x3f: {  	_ =	shalt  }
0x40: {  	_ =	shalt  }
0x41: {  	_ =	shalt  }
0x42: {  	_ =	shalt  }
0x43: {  	_ =	shalt  }
0x44: {  	_ =	shalt  }
0x45: {  	_ =	shalt  }
0x46: {  	_ =	shalt  }
0x47: {  	_ =	shalt  }
0x48: {  	_ =	shalt  }
0x49: {  	_ =	shalt  }
0x4a: {  	_ =	shalt  }
0x4b: {  	_ =	shalt  }
0x4c: {  	_ =	shalt  }
0x4d: {  	_ =	shalt  }
0x4e: {  	_ =	shalt  }
0x4f: {  	_ =	shalt  }
0x50: {  	_ =	shalt  }
0x51: {  	_ =	shalt  }
0x52: {  	_ =	shalt  }
0x53: {  	_ =	shalt  }
0x54: {  	_ =	shalt  }
0x55: {  	_ =	shalt  }
0x56: {  	_ =	shalt  }
0x57: {  	_ =	shalt  }
0x58: {  	_ =	shalt  }
0x59: {  	_ =	shalt  }
0x5a: {  	_ =	shalt  }
0x5b: {  	_ =	shalt  }
0x5c: {  	_ =	shalt  }
0x5d: {  	_ =	shalt  }
0x5e: {  	_ =	shalt  }
0x5f: {  	_ =	shalt  }
0x60: {  	_ =	shalt  }
0x61: {  	_ =	shalt  }
0x62: {  	_ =	shalt  }
0x63: {  	_ =	shalt  }
0x64: {  	_ =	shalt  }
0x65: {  	_ =	shalt  }
0x66: {  	_ =	shalt  }
0x67: {  	_ =	shalt  }
0x68: {  	_ =	shalt  }
0x69: {  	_ =	shalt  }
0x6a: {  	_ =	shalt  }
0x6b: {  	_ =	shalt  }
0x6c: {  	_ =	shalt  }
0x6d: {  	_ =	shalt  }
0x6e: {  	_ =	shalt  }
0x6f: {  	_ =	shalt  }
0x70: {  	_ =	shalt  }
0x71: {  	_ =	shalt  }
0x72: {  	_ =	shalt  }
0x73: {  	_ =	shalt  }
0x74: {  	_ =	shalt  }
0x75: {  	_ =	shalt  }
0x76: {  	_ =	shalt  }
0x77: {  	_ =	shalt  }
0x78: {  	_ =	shalt  }
0x79: {  	_ =	shalt  }
0x7a: {  	_ =	shalt  }
0x7b: {  	_ =	shalt  }
0x7c: {  	_ =	shalt  }
0x7d: {  	_ =	shalt  }
0x7e: {  	_ =	shalt  }
0x7f: {  	_ =	shalt  }
0x80: {  	_ =	shalt  }
0x81: {  	_ =	shalt  }
0x82: {  	_ =	shalt  }
0x83: {  	_ =	shalt  }
0x84: {  	_ =	shalt  }
0x85: {  	_ =	shalt  }
0x86: {  	_ =	shalt  }
0x87: {  	_ =	shalt  }
.Lfunc_end0:
.L_simem_size_0:
called_computation_lowered:
.L_overlay_start_0:
0x88: {  	s2 =	sld [smem:$0x3FD9]  }
0x89: {  	s3 =	sld [smem:$0x3FFE];
	_ =	sdelay $0x1  }
0x8a: {  	s1 =	srdreg.scid  }
0x8b: {  	s0 =	sand.u32 $0x1, s1  }
0x8c: {  	s15 =	sshll.u32 s0, $0xA;
	s2 =	sadd.s32 s3, s2  }
0x8d: {  	s2 =	sadd.s32 s2, s15  }
0x8e: {  	[smem:$0x3FBD] =	sst s2  }
0x8f: {  	_ = 	snop  }
0x90: {  	s2 =	sld [smem:$0x3FD0];
	_ =	sdelay $0x2  }
0x91: {  	s16 =	simm.s32 $0xB;
	s4 =	simm.s32 $0x10  }
0x92: {  	[smem:s4], [sflag:s16] =	dma.local [hbm:s2], $0x1  }
0x93: {  	_ =	swait.eq [sflag:s16], $0x1  }
0x94: {  	[sflag:s16] =	ssyncset.done $0x0  }
0x95: {  	[sflag:s16] =	ssyncadd.s32 $0xFFFFFFFF  }
0x96: {  	s17 =	sld [smem:$0x11];
	(tm) =	ssettm $0x1  }
0x97: {  	s18 =	sld [smem:$0x3FFB];
	_ =	sdelay $0x3  }
0x98: {  	_ =	strace s18  }
0x99: {  	s2 =	sld [smem:$0x3FFC];
	_ =	sdelay $0x3  }
0x9a: {  	_ =	strace s2  }
0x9b: {  	s2 =	sld [smem:$0x3FFD];
	_ =	sdelay $0x3  }
0x9c: {  	_ =	strace s2  }
0x9d: {  	_ =	strace $0x8FFFFFFF  }
0x9e: {  	s19 =	sld [smem:$0x3FDB];
	_ =	sdelay $0x1  }
0x9f: {  	s20 =	simm.s32 $_scs_section_size  }
0xa0: {  	s5 =	simm.s32 $_size__tile_overlayer_lowered;
	s6 =	simm.s32 $_tile_overlayer_lowered  }
0xa1: {  	s7 =	simm.s32 $0x1BFF;
	s21 =	sshll.u32 s6, $0x1;
	s4 =	sadd.s32 s20, s19  }
0xa2: {  	s22 =	simm.s32 $0x0;
	s5 =	sshll.u32 s5, $0x1;
	s6 =	sadd.s32 s21, s4  }
0xa3: {  	[timem:s22], [sflag:s7] =	dma.local [hbm:s6], s5  }
0xa4: {  	_ =	swait.ge [sflag:s7], s5  }
0xa5: {  	s5 =	ssub.s32 $0x0, s5;
	[sflag:s7] =	ssyncset.done $0x0  }
0xa6: {  	[sflag:s7] =	ssyncadd.s32 s5;
	_ =	sdelay $0x1  }
0xa7: {  	s23 =	simm.s32 $0x1B8B  }
0xa8: {  	_ =	swait.ge [sflag:s23], $0x1  }
0xa9: {  	[sflag:s23] =	ssyncset.done $0x0  }
0xaa: {  	[sflag:s23] =	ssyncadd.s32 $0xFFFFFFFF  }
0xab: {  	s5 =	sld [smem:$0x0]  }
0xac: {  	s6 =	sand.u32 $0xFFFFFFFE, s1  }
0xad: {  	p0 =	sne.s32 s1, s6  }
0xae: {  	s6 =	sshll.u32 @p0 s6, $0xE  }
0xaf: {  	s6 =	sadd.s32 @p0 $0x11B8D, s6;
	s7 =	sshll.u32 @p0 s5, $0x11  }
0xb0: {  	s6 =	sor.u32 @p0 s7, s6  }
0xb1: {  	[sflag:s6] =	ssyncadd.remote.s32 @p0 $0x1;
	_ =	sdelay $0x1  }
0xb2: {  	s6 =	simm.s32 @p0 $0x1B8D  }
0xb3: {  	_ =	swait.eq @p0 [sflag:s6], $0x1  }
0xb4: {  	[sflag:s6] =	ssyncadd.s32 @p0 $0xFFFFFFFF  }
0xb5: {  	s7 =	sshll.u32 @!p0 s1, $0xE  }
0xb6: {  	s7 =	sor.u32 @!p0 $0x4000, s7;
	s6 =	simm.s32 @!p0 $0x1B8D  }
0xb7: {  	s5 =	sshll.u32 @!p0 s5, $0x11;
	s7 =	sadd.s32 @!p0 $0x11B8D, s7;
	_ =	swait.eq @!p0 [sflag:s6], $0x1  }
0xb8: {  	s5 =	sor.u32 @!p0 s5, s7;
	[sflag:s6] =	ssyncadd.s32 @!p0 $0xFFFFFFFF  }
0xb9: {  	s25 =	simm.s32 $0x1B8E;
	s24 =	sld [smem:$0x3FFE];
	[sflag:s5] =	ssyncadd.remote.s32 @!p0 $0x1  }
0xba: {  	s26 =	simm.s32 $execute0_lowered;
	[smem:$0x3FD2] =	sst s25  }
0xbb: {  	s6 =	sshll.u32 s26, $0x1;
	_ =	strace $0x80000049;
	[dreg:$0x1] =	wrdreg $0xFFFFFFFF  }
0xbc: {  	s28 =	simm.s32 $_size_execute0_lowered;
	s4 =	sadd.s32 s4, s6;
	[dreg:$0x0] =	wrdreg $0x0  }
0xbd: {  	s6 =	sshll.u32 s28, $0x1;
	[dreg:$0x2] =	wrdreg s4  }
0xbe: {  	[dreg:$0x3] =	wrdreg s6  }
0xbf: {  	[dreg:$0x4] =	wrdreg $0xC0  }
0xc0: {  	_ =	task [dreg:s22], $0x5FFFF  }
0xc1: {  	[dreg:$0x1] =	wrdreg $0xFFFFFFFF  }
0xc2: {  	[dreg:$0x0] =	wrdreg $0x60  }
0xc3: {  	[dreg:$0x2] =	wrdreg s17  }
0xc4: {  	[dreg:$0x3] =	wrdreg s24  }
0xc5: {  	[dreg:$0x4] =	wrdreg $0x44000  }
0xc6: {  	[dreg:$0x5] =	wrdreg $0x9  }
0xc7: {  	_ =	task.clear_ibuf [dreg:s22], $0x6FFFF;
	_ =	strace $0x90000049  }
0xc8: {  	s29 =	simm.s32 $0x9;
	_ =	strace $0x8000004B  }
0xc9: {  	_ =	swait.ge [sflag:s29], $0x1  }
0xca: {  	[sflag:s29] =	ssyncadd.s32 $0xFFFFFFFF  }
0xcb: {  	_ =	strace $0x9000004B  }
0xcc: {  	_ =	sfence  }
0xcd: {  	s30 =	sld [smem:$0x0];
	_ =	sdelay $0x2  }
0xce: {  	s31 =	sshll.u32 s1, $0xD;
	s1 =	sshrl.u32 s1, $0x2  }
0xcf: {  	s4 =	sand.u32 $0x4000, s31;
	s1 =	sadd.s32 s1, s30  }
0xd0: {  	s0 =	sor.u32 s4, s0;
	s1 =	sshll.u32 s1, $0x11  }
0xd1: {  	s0 =	sor.u32 s1, s0  }
0xd2: {  	s0 =	sadd.s32 $0x8F2B, s0  }
0xd3: {  	[sflag:s0] =	ssyncadd.remote.s32 $0x1  }
0xd4: {  	_ =	sfence.sel $0xFFFF  }
0xd5: {  	[dreg:$0x0] =	wrdreg $0xFFFFFFFF;
	(pc) =	sbr.abs _section_cstart, $3  }
0xd6: {  	[dreg:$0x1] =	wrdreg $0xFFFFFFFF  }
0xd7: {  	_ =	task.clear_ibuf [dreg:s22], $0x2FFFF;
	_ =	strace $0x9FFFFFFF  }
0xd8: {  	(tm) =	ssettm $0x7FFFFFFF  }
0xd9: {  	_ =	shalt  }
tec
execute0_lowered:
.L_overlay_start_1:
0x0: {  	(tag) =	ssettag $0x1  }
0x1: {  	s13 =	rddreg [dreg:$0x0]  }
0x2: {  	s4 =	rddreg [dreg:$0x1]  }
0x3: {  	s2 =	rddreg [dreg:$0x2]  }
0x4: {  	s0 =	rddreg [dreg:$0x3];
	s3 =	simm.s32 $0x0;
	s1 =	stileid.u32  }
0x5: {  	s5 =	srdreg.scid;
	s18 =	simm.s32 $0x180;
	s19 =	simm.s32 $0x200  }
0x6: {  	s20 =	simm.s32 $0x280;
	s21 =	simm.s32 $0x300;
	s22 =	simm.s32 $0x380  }
0x7: {  	s23 =	simm.s32 $0x1;
	s24 =	simm.s32 $0x0;
	s10 =	smul.u32 $0x2700, s1  }
0x8: {  	[smem:$0x7FF] =	sst s3;
	s5 =	sand.u32 $0x1, s5;
	s6 =	smul.u32 $0x4E000, s1  }
0x9: {  	s11 =	sadd.s32 $0x65400, s4;
	s17 =	smul.u32 $0x2800, s1;
	s9 =	sadd.s32 $0x138000, s2  }
0xa: {  	p0 =	sne.s32 s1, $0xF;
	s29 =	ssub.s32 $0x2, s5;
	s12 =	smul.u32 $0x27100, s5  }
0xb: {  	_ =	strace $0x8000004A;
	s14 =	smul.u32 $0x138800, s5;
	s7 =	sshrl.u32 s29, $0x1  }
0xc: {  	s16 =	smul.u32 $0x78000, s5;
	s6 =	sshrl.u32 s6, $0x2;
	s15 =	ssub.s32 s29, s7  }
0xd: {  	s4 =	sadd.s32 s6, s2;
	s10 =	sadd.s32 s10, s12;
	s30 =	sshrl.u32 s14, $0x3  }
0xe: {  	s31 =	sadd.s32 s17, s16;
	s16 =	simm.s32 $0x80;
	s17 =	simm.s32 $0x100  }
0xf: {  	s5 =	sadd.s32 $0x4000, s4;
	s6 =	sadd.s32 $0x8000, s4;
	s7 =	sadd.s32 $0xC000, s4  }
0x10: {  	s8 =	sadd.s32 $0x10000, s4;
	s10 =	sadd.s32 s11, s10;
	s11 =	sadd.s32 s11, s30  }
0x11: {  	s14 =	sshrl.u32 s31, $0x3;
	s12 =	smax.u32 s15, $0x1;
	s15 =	simm.s32 $0x2  }
0x12: {  	v0 =	vimm.f32 $0.0e+00;
	v1 =	vimm.f32 $1.000000000e+00;
	s11 =	sadd.s32 $0x27000, s11;
	s13 =	sadd.s32 s14, s13;
	s14 =	simm.s32 $0x400  }
.LBB2_1:
0x13: {  	s25 =	simm.s32 $0x0;
	s26 =	simm.s32 $0x200  }
.LBB2_2:
0x14: {  	p1 =	sne.s32 s26, $0xFE00;
	[tilespmem:s25+$0x470] =	vst v0  }
0x15: {  	[tilespmem:s25+$0x400] =	vst v0  }
0x16: {  	[tilespmem:s25+$0x410] =	vst v0  }
.Ltmp0:
0x17: {  	[tilespmem:s25+$0x420] =	vst v0;
	(pc) =	sbr.rel @p1 .LBB2_2-.Ltmp0, $4  }
0x18: {  	[tilespmem:s25+$0x430] =	vst v0  }
0x19: {  	[tilespmem:s25+$0x440] =	vst v0  }
0x1a: {  	[tilespmem:s25+$0x450] =	vst v0  }
0x1b: {  	[tilespmem:s25+$0x460] =	vst v0;
	s25 =	sshra.s32 s26, $0x2;
	s26 =	sadd.s32 $0x200, s26  }
0x1c: {  	[tilespmem:s25+$0x470] =	vst v0  }
0x1d: {  	[tilespmem:s25+$0x400] =	vst v0  }
0x1e: {  	[tilespmem:s25+$0x410] =	vst v0  }
0x1f: {  	[tilespmem:s25+$0x420] =	vst v0  }
0x20: {  	[tilespmem:s25+$0x430] =	vst v0  }
0x21: {  	[tilespmem:s25+$0x440] =	vst v0  }
0x22: {  	[tilespmem:s25+$0x450] =	vst v0  }
0x23: {  	[tilespmem:s25+$0x460] =	vst v0  }
0x24: {  	[spmem:s4] =	stream.linear.scatter [tilespmem:s14], [sflag:$0x2], $0x4000, $0x38;
	[tilespmem:$0x17CC0] =	vst v63  }
0x25: {  	_ =	swait.ge [sflag:s15], $0x4000  }
0x26: {  	[sflag:s15] =	ssyncset.done $0x0  }
0x27: {  	[sflag:s15] =	ssyncadd.s32 $0xFFFFC000  }
0x28: {  	[spmem:s5] =	stream.linear.scatter [tilespmem:s14], [sflag:$0x2], $0x4000, $0x38;
	[tilespmem:$0x17CC0] =	vst v63  }
0x29: {  	_ =	swait.ge [sflag:s15], $0x4000  }
0x2a: {  	[sflag:s15] =	ssyncset.done $0x0  }
0x2b: {  	[sflag:s15] =	ssyncadd.s32 $0xFFFFC000  }
0x2c: {  	[spmem:s6] =	stream.linear.scatter [tilespmem:s14], [sflag:$0x2], $0x4000, $0x38;
	[tilespmem:$0x17CC0] =	vst v63  }
0x2d: {  	_ =	swait.ge [sflag:s15], $0x4000  }
0x2e: {  	[sflag:s15] =	ssyncset.done $0x0  }
0x2f: {  	[sflag:s15] =	ssyncadd.s32 $0xFFFFC000  }
0x30: {  	[spmem:s7] =	stream.linear.scatter [tilespmem:s14], [sflag:$0x2], $0x4000, $0x38;
	[tilespmem:$0x17CC0] =	vst v63  }
0x31: {  	_ =	swait.ge [sflag:s15], $0x4000  }
0x32: {  	[sflag:s15] =	ssyncset.done $0x0  }
0x33: {  	[sflag:s15] =	ssyncadd.s32 $0xFFFFC000  }
0x34: {  	[spmem:s8] =	stream.linear.scatter [tilespmem:s14], [sflag:$0x2], $0x3800, $0x38;
	[tilespmem:$0x17CC0] =	vst v63  }
0x35: {  	_ =	swait.ge [sflag:s15], $0x3800  }
0x36: {  	[sflag:s15] =	ssyncset.done $0x0  }
0x37: {  	s25 =	simm.s32 @!p0 $0x400;
	[sflag:s15] =	ssyncadd.s32 $0xFFFFC800  }
0x38: {  	[spmem:s9] =	stream.linear.scatter @!p0 [tilespmem:s25], [sflag:$0x2], $0xC00, $0x38;
	[tilespmem:$0x17CC0] =	vst v63  }
0x39: {  	s25 =	simm.s32 @!p0 $0x2  }
0x3a: {  	_ =	swait.ge @!p0 [sflag:s25], $0xC00  }
0x3b: {  	[sflag:s25] =	ssyncset.done @!p0 $0x0  }
0x3c: {  	s26 =	simm.s32 $0x200;
	[sflag:s25] =	ssyncadd.s32 @!p0 $0xFFFFF400;
	s25 =	simm.s32 $0x0  }
.LBB2_4:
0x3d: {  	p1 =	sne.s32 s26, $0xFE00;
	[tilespmem:s25+$0x470] =	vst v1  }
0x3e: {  	[tilespmem:s25+$0x400] =	vst v1  }
0x3f: {  	[tilespmem:s25+$0x410] =	vst v1  }
.Ltmp1:
0x40: {  	[tilespmem:s25+$0x420] =	vst v1;
	(pc) =	sbr.rel @p1 .LBB2_4-.Ltmp1, $4  }
0x41: {  	[tilespmem:s25+$0x430] =	vst v1  }
0x42: {  	[tilespmem:s25+$0x440] =	vst v1  }
0x43: {  	[tilespmem:s25+$0x450] =	vst v1  }
0x44: {  	[tilespmem:s25+$0x460] =	vst v1;
	s25 =	sshra.s32 s26, $0x2;
	s26 =	sadd.s32 $0x200, s26  }
0x45: {  	[tilespmem:s25+$0x470] =	vst v1  }
0x46: {  	[tilespmem:s25+$0x400] =	vst v1  }
0x47: {  	[tilespmem:s25+$0x410] =	vst v1  }
0x48: {  	[tilespmem:s25+$0x420] =	vst v1  }
0x49: {  	[tilespmem:s25+$0x430] =	vst v1  }
0x4a: {  	[tilespmem:s25+$0x440] =	vst v1  }
0x4b: {  	[tilespmem:s25+$0x450] =	vst v1  }
0x4c: {  	[tilespmem:s25+$0x460] =	vst v1  }
0x4d: {  	s31 =	sadd.s32 $0x0, s13;
	[bflag:$0x0] =	sbarrier.arrive $0xFFFF  }
0x4e: {  	[tilespmem:s3], [sflag:$0x2] =	stream.linear.gather [hbm4b:s31+s3], $0x400, $0x38;
	[tilespmem:$0x17CC0] =	vst v63  }
0x4f: {  	_ =	swait.ge [sflag:s15], $0x400  }
0x50: {  	[sflag:s15] =	ssyncset.done $0x0  }
0x51: {  	[sflag:s15] =	ssyncadd.s32 $0xFFFFFC00  }
0x52: {  	[spmem:s2] =	stream.indirect.scatter.add.f32 [tilespmem:s14], [sflag:$0x1], $0x80, s3, s16, $0xb8;
	[tilespmem:$0x17CC0] =	vst v63  }
0x53: {  	_ = 	snop  }
0x54: {  	[spmem:s2] =	stream.indirect.scatter.add.f32 [tilespmem:s14], [sflag:$0x1], $0x80, s16, s16, $0xb8;
	[tilespmem:$0x17CC0] =	vst v63  }
0x55: {  	_ = 	snop  }
0x56: {  	[spmem:s2] =	stream.indirect.scatter.add.f32 [tilespmem:s14], [sflag:$0x1], $0x80, s17, s16, $0xb8;
	[tilespmem:$0x17CC0] =	vst v63  }
0x57: {  	_ = 	snop  }
0x58: {  	[spmem:s2] =	stream.indirect.scatter.add.f32 [tilespmem:s14], [sflag:$0x1], $0x80, s18, s16, $0xb8;
	[tilespmem:$0x17CC0] =	vst v63  }
0x59: {  	_ = 	snop  }
0x5a: {  	[spmem:s2] =	stream.indirect.scatter.add.f32 [tilespmem:s14], [sflag:$0x1], $0x80, s19, s16, $0xb8;
	[tilespmem:$0x17CC0] =	vst v63  }
0x5b: {  	_ = 	snop  }
0x5c: {  	[spmem:s2] =	stream.indirect.scatter.add.f32 [tilespmem:s14], [sflag:$0x1], $0x80, s20, s16, $0xb8;
	[tilespmem:$0x17CC0] =	vst v63  }
0x5d: {  	_ = 	snop  }
0x5e: {  	[spmem:s2] =	stream.indirect.scatter.add.f32 [tilespmem:s14], [sflag:$0x1], $0x80, s21, s16, $0xb8;
	[tilespmem:$0x17CC0] =	vst v63  }
0x5f: {  	_ = 	snop  }
0x60: {  	[spmem:s2] =	stream.indirect.scatter.add.f32 [tilespmem:s14], [sflag:$0x1], $0x80, s22, s16, $0xb8;
	[tilespmem:$0x17CC0] =	vst v63  }
0x61: {  	_ =	swait.ge [sflag:s23], $0x4000  }
0x62: {  	[sflag:s23] =	ssyncset.done $0x0  }
0x63: {  	[sflag:s23] =	ssyncadd.s32 $0xFFFFC000  }
0x64: {  	_ =	swait.ge [sflag:s23], $0x4000  }
0x65: {  	[sflag:s23] =	ssyncset.done $0x0  }
0x66: {  	[sflag:s23] =	ssyncadd.s32 $0xFFFFC000  }
0x67: {  	_ =	swait.ge [sflag:s23], $0x4000  }
0x68: {  	[sflag:s23] =	ssyncset.done $0x0  }
0x69: {  	[sflag:s23] =	ssyncadd.s32 $0xFFFFC000  }
0x6a: {  	_ =	swait.ge [sflag:s23], $0x4000  }
0x6b: {  	[sflag:s23] =	ssyncset.done $0x0  }
0x6c: {  	[sflag:s23] =	ssyncadd.s32 $0xFFFFC000  }
0x6d: {  	_ =	swait.ge [sflag:s23], $0x4000  }
0x6e: {  	[sflag:s23] =	ssyncset.done $0x0  }
0x6f: {  	[sflag:s23] =	ssyncadd.s32 $0xFFFFC000  }
0x70: {  	_ =	swait.ge [sflag:s23], $0x4000  }
0x71: {  	[sflag:s23] =	ssyncset.done $0x0  }
0x72: {  	[sflag:s23] =	ssyncadd.s32 $0xFFFFC000  }
0x73: {  	_ =	swait.ge [sflag:s23], $0x4000  }
0x74: {  	[sflag:s23] =	ssyncset.done $0x0  }
0x75: {  	[sflag:s23] =	ssyncadd.s32 $0xFFFFC000  }
0x76: {  	_ =	swait.ge [sflag:s23], $0x4000  }
0x77: {  	s25 =	simm.s32 $0x80;
	s28 =	simm.s32 $0x100;
	[sflag:s23] =	ssyncset.done $0x0  }
.LBB2_6:
0x78: {  	s29 =	sadd.s32 s25, s13  }
0x79: {  	[sflag:s23] =	ssyncadd.s32 $0xFFFFC000;
	s25 =	smov.u32 s28;
	s26 =	sadd.s32 $0x80, s28  }
0x7a: {  	[tilespmem:s3], [sflag:$0x2] =	stream.linear.gather [hbm4b:s29+s3], $0x400, $0x38;
	[tilespmem:$0x17CC0] =	vst v63  }
0x7b: {  	p1 =	sne.s32 s28, $0x480;
	_ =	swait.ge [sflag:s15], $0x400  }
0x7c: {  	[sflag:s15] =	ssyncset.done $0x0  }
0x7d: {  	[sflag:s15] =	ssyncadd.s32 $0xFFFFFC00  }
0x7e: {  	[spmem:s2] =	stream.indirect.scatter.add.f32 [tilespmem:s14], [sflag:$0x1], $0x80, s3, s16, $0xb8;
	[tilespmem:$0x17CC0] =	vst v63  }
0x7f: {  	_ = 	snop  }
0x80: {  	[spmem:s2] =	stream.indirect.scatter.add.f32 [tilespmem:s14], [sflag:$0x1], $0x80, s16, s16, $0xb8;
	[tilespmem:$0x17CC0] =	vst v63  }
0x81: {  	_ = 	snop  }
0x82: {  	[spmem:s2] =	stream.indirect.scatter.add.f32 [tilespmem:s14], [sflag:$0x1], $0x80, s17, s16, $0xb8;
	[tilespmem:$0x17CC0] =	vst v63  }
0x83: {  	_ = 	snop  }
0x84: {  	[spmem:s2] =	stream.indirect.scatter.add.f32 [tilespmem:s14], [sflag:$0x1], $0x80, s18, s16, $0xb8;
	[tilespmem:$0x17CC0] =	vst v63  }
0x85: {  	_ = 	snop  }
0x86: {  	[spmem:s2] =	stream.indirect.scatter.add.f32 [tilespmem:s14], [sflag:$0x1], $0x80, s19, s16, $0xb8;
	[tilespmem:$0x17CC0] =	vst v63  }
0x87: {  	_ = 	snop  }
0x88: {  	[spmem:s2] =	stream.indirect.scatter.add.f32 [tilespmem:s14], [sflag:$0x1], $0x80, s20, s16, $0xb8;
	[tilespmem:$0x17CC0] =	vst v63  }
0x89: {  	_ = 	snop  }
0x8a: {  	[spmem:s2] =	stream.indirect.scatter.add.f32 [tilespmem:s14], [sflag:$0x1], $0x80, s21, s16, $0xb8;
	[tilespmem:$0x17CC0] =	vst v63  }
0x8b: {  	_ = 	snop  }
0x8c: {  	[spmem:s2] =	stream.indirect.scatter.add.f32 [tilespmem:s14], [sflag:$0x1], $0x80, s22, s16, $0xb8;
	[tilespmem:$0x17CC0] =	vst v63  }
0x8d: {  	_ =	swait.ge [sflag:s23], $0x4000  }
0x8e: {  	[sflag:s23] =	ssyncset.done $0x0  }
0x8f: {  	[sflag:s23] =	ssyncadd.s32 $0xFFFFC000  }
0x90: {  	_ =	swait.ge [sflag:s23], $0x4000  }
0x91: {  	[sflag:s23] =	ssyncset.done $0x0  }
0x92: {  	[sflag:s23] =	ssyncadd.s32 $0xFFFFC000  }
0x93: {  	_ =	swait.ge [sflag:s23], $0x4000  }
0x94: {  	[sflag:s23] =	ssyncset.done $0x0  }
0x95: {  	[sflag:s23] =	ssyncadd.s32 $0xFFFFC000  }
0x96: {  	_ =	swait.ge [sflag:s23], $0x4000  }
0x97: {  	[sflag:s23] =	ssyncset.done $0x0  }
0x98: {  	[sflag:s23] =	ssyncadd.s32 $0xFFFFC000  }
0x99: {  	_ =	swait.ge [sflag:s23], $0x4000  }
0x9a: {  	[sflag:s23] =	ssyncset.done $0x0  }
0x9b: {  	[sflag:s23] =	ssyncadd.s32 $0xFFFFC000  }
0x9c: {  	_ =	swait.ge [sflag:s23], $0x4000  }
0x9d: {  	[sflag:s23] =	ssyncset.done $0x0  }
0x9e: {  	[sflag:s23] =	ssyncadd.s32 $0xFFFFC000  }
.Ltmp2:
0x9f: {  	_ =	swait.ge [sflag:s23], $0x4000;
	(pc) =	sbr.rel @p1 .LBB2_6-.Ltmp2, $4  }
0xa0: {  	[sflag:s23] =	ssyncset.done $0x0  }
0xa1: {  	[sflag:s23] =	ssyncadd.s32 $0xFFFFC000  }
0xa2: {  	_ =	swait.ge [sflag:s23], $0x4000  }
0xa3: {  	s28 =	smov.u32 s26;
	[sflag:s23] =	ssyncset.done $0x0  }
0xa4: {  	s25 =	sadd.s32 s25, s13;
	[sflag:s23] =	ssyncadd.s32 $0xFFFFC000  }
0xa5: {  	[tilespmem:s3], [sflag:$0x2] =	stream.linear.gather [hbm4b:s25+s3], $0x400, $0x38;
	[tilespmem:$0x17CC0] =	vst v63  }
0xa6: {  	_ =	swait.ge [sflag:s15], $0x400  }
0xa7: {  	[sflag:s15] =	ssyncset.done $0x0  }
0xa8: {  	[sflag:s15] =	ssyncadd.s32 $0xFFFFFC00  }
0xa9: {  	[spmem:s2] =	stream.indirect.scatter.add.f32 [tilespmem:s14], [sflag:$0x1], $0x80, s3, s16, $0xb8;
	[tilespmem:$0x17CC0] =	vst v63  }
0xaa: {  	_ = 	snop  }
0xab: {  	[spmem:s2] =	stream.indirect.scatter.add.f32 [tilespmem:s14], [sflag:$0x1], $0x80, s16, s16, $0xb8;
	[tilespmem:$0x17CC0] =	vst v63  }
0xac: {  	_ = 	snop  }
0xad: {  	[spmem:s2] =	stream.indirect.scatter.add.f32 [tilespmem:s14], [sflag:$0x1], $0x80, s17, s16, $0xb8;
	[tilespmem:$0x17CC0] =	vst v63  }
0xae: {  	_ = 	snop  }
0xaf: {  	[spmem:s2] =	stream.indirect.scatter.add.f32 [tilespmem:s14], [sflag:$0x1], $0x80, s18, s16, $0xb8;
	[tilespmem:$0x17CC0] =	vst v63  }
0xb0: {  	_ = 	snop  }
0xb1: {  	[spmem:s2] =	stream.indirect.scatter.add.f32 [tilespmem:s14], [sflag:$0x1], $0x80, s19, s16, $0xb8;
	[tilespmem:$0x17CC0] =	vst v63  }
0xb2: {  	_ = 	snop  }
0xb3: {  	[spmem:s2] =	stream.indirect.scatter.add.f32 [tilespmem:s14], [sflag:$0x1], $0x80, s20, s16, $0xb8;
	[tilespmem:$0x17CC0] =	vst v63  }
0xb4: {  	_ = 	snop  }
0xb5: {  	[spmem:s2] =	stream.indirect.scatter.add.f32 [tilespmem:s14], [sflag:$0x1], $0x80, s21, s16, $0xb8;
	[tilespmem:$0x17CC0] =	vst v63  }
0xb6: {  	_ = 	snop  }
0xb7: {  	[spmem:s2] =	stream.indirect.scatter.add.f32 [tilespmem:s14], [sflag:$0x1], $0x80, s22, s16, $0xb8;
	[tilespmem:$0x17CC0] =	vst v63  }
0xb8: {  	_ =	swait.ge [sflag:s23], $0x4000  }
0xb9: {  	[sflag:s23] =	ssyncset.done $0x0  }
0xba: {  	[sflag:s23] =	ssyncadd.s32 $0xFFFFC000  }
0xbb: {  	_ =	swait.ge [sflag:s23], $0x4000  }
0xbc: {  	[sflag:s23] =	ssyncset.done $0x0  }
0xbd: {  	[sflag:s23] =	ssyncadd.s32 $0xFFFFC000  }
0xbe: {  	_ =	swait.ge [sflag:s23], $0x4000  }
0xbf: {  	[sflag:s23] =	ssyncset.done $0x0  }
0xc0: {  	[sflag:s23] =	ssyncadd.s32 $0xFFFFC000  }
0xc1: {  	_ =	swait.ge [sflag:s23], $0x4000  }
0xc2: {  	[sflag:s23] =	ssyncset.done $0x0  }
0xc3: {  	[sflag:s23] =	ssyncadd.s32 $0xFFFFC000  }
0xc4: {  	_ =	swait.ge [sflag:s23], $0x4000  }
0xc5: {  	[sflag:s23] =	ssyncset.done $0x0  }
0xc6: {  	[sflag:s23] =	ssyncadd.s32 $0xFFFFC000  }
0xc7: {  	_ =	swait.ge [sflag:s23], $0x4000  }
0xc8: {  	[sflag:s23] =	ssyncset.done $0x0  }
0xc9: {  	[sflag:s23] =	ssyncadd.s32 $0xFFFFC000  }
0xca: {  	_ =	swait.ge [sflag:s23], $0x4000  }
0xcb: {  	[sflag:s23] =	ssyncset.done $0x0  }
0xcc: {  	[sflag:s23] =	ssyncadd.s32 $0xFFFFC000  }
0xcd: {  	_ =	swait.ge [sflag:s23], $0x4000  }
0xce: {  	[sflag:s23] =	ssyncset.done $0x0  }
0xcf: {  	s31 =	sshll.u32 s1, $0x6;
	[sflag:s23] =	ssyncadd.s32 $0xFFFFC000  }
0xd0: {  	s26 =	sshrl.u32 s4, $0x3;
	s25 =	sor.u32 $0x1C02, s31;
	[bflag:$0x0] =	sbarrier.arrive $0xFFFF  }
0xd1: {  	[hbm:s10], [sflag:s25] =	dma.local [spmem:s26], $0x2700  }
0xd2: {  	_ =	swait.ge [sflag:s15], $0x2700  }
0xd3: {  	s24 =	sadd.s32 $0x1, s24;
	[sflag:s15] =	ssyncset.done $0x0  }
0xd4: {  	p1 =	sne.s32 s24, s12;
	s26 =	sshrl.u32 @!p0 s9, $0x3;
	[sflag:s15] =	ssyncadd.s32 $0xFFFFD900  }
0xd5: {  	[hbm:s11], [sflag:s25] =	dma.local @!p0 [spmem:s26], $0x100  }
.Ltmp3:
0xd6: {  	_ = 	snop;
	(pc) =	sbr.rel @p1 .LBB2_1-.Ltmp3, $4  }
0xd7: {  	s25 =	simm.s32 @!p0 $0x2  }
0xd8: {  	_ =	swait.ge @!p0 [sflag:s25], $0x100  }
0xd9: {  	[sflag:s25] =	ssyncset.done @!p0 $0x0  }
0xda: {  	[sflag:s25] =	ssyncadd.s32 @!p0 $0xFFFFFF00  }
0xdb: {  	_ =	sfence.sel $0x180000  }
0xdc: {  	[bflag:$0x0] =	sbarrier.arrive $0xFFFF  }
0xdd: {  	p0 =	sne.s32 s1, $0x0;
	_ =	strace $0x9000004A  }
0xde: {  	s0 =	sadd.s32 @!p0 $0x100000, s0;
	[bflag:$0x2] =	sbarrier.arrive $0xFFFF  }
0xdf: {  	[sflag:s0] =	ssyncadd.tile.s32 @!p0 $0x1;
	_ =	shalt  }
.Lfunc_end2:
_tile_overlayer_lowered:
.L_overlay_start_2:
0xe0: {  	(tag) =	ssettag $0x2  }
0xe1: {  	s0 =	rddreg [dreg:$0x0];
	s2 =	stileid.u32  }
0xe2: {  	s1 =	rddreg [dreg:$0x1];
	p0 =	sne.s32 s2, $0x0  }
0xe3: {  	s3 =	rddreg [dreg:$0x2];
	[bflag:$0x3] =	sbarrier.arrive $0xFFFF;
	s2 =	simm.s32 @!p0 $0x1C02  }
0xe4: {  	[timem:s3], [sflag:s2] =	dma.local @!p0 [hbm:s0], s1  }
0xe5: {  	s0 =	simm.s32 @!p0 $0x2  }
0xe6: {  	_ =	swait.ge @!p0 [sflag:s0], s1  }
0xe7: {  	s1 =	ssub.s32 @!p0 $0x0, s1;
	[sflag:s0] =	ssyncset.done @!p0 $0x0  }
0xe8: {  	[sflag:s0] =	ssyncadd.s32 @!p0 s1  }
0xe9: {  	[bflag:$0x3] =	sbarrier.arrive $0xFFFF  }
0xea: {  	_ =	shalt  }

</sc_bundles>
